<compile_context>
chip_gen: v7x
topology: tpu7x:2x2x1
jax: 0.10.2.dev20260603
libtpu: 0.0.44.dev20260713+nightly
codegen_flags: <defaults>
</compile_context>

<pallas_src>
import dataclasses
import functools

import jax
import jax.numpy as jnp
from jax import lax
from jax.experimental import pallas as pl
from jax.experimental.pallas import tpu as pltpu
from jax.experimental.pallas import tpu_sc as plsc

NC = 2
NS = 16
NW = NC * NS
CHUNK = 128


def _sc_compiler_params():
    cp = pltpu.CompilerParams()
    if "needs_layout_passes" in pltpu.CompilerParams.__dataclass_fields__:
        cp = dataclasses.replace(cp, needs_layout_passes=False)
    return cp


def _silu(x):
    return x * jax.nn.sigmoid(x)


def _pack_bf16_pair(x):
    hlf = x.shape[1] // 2
    lo = lax.bitcast_convert_type(
        x[:, :hlf].astype(jnp.bfloat16), jnp.uint16).astype(jnp.uint32)
    hi = lax.bitcast_convert_type(
        x[:, hlf:].astype(jnp.bfloat16), jnp.uint16).astype(jnp.uint32)
    return lax.bitcast_convert_type(lo | (hi << 16), jnp.float32)


def _build_tables(h, c16, We1a, We1b, be1r, npad):
    N, D = h.shape

    def body(h_ref, c_ref, wa_ref, wb_ref, b1_ref, tab_ref):
        hh = h_ref[...]
        cc = c_ref[...]
        p1 = jnp.dot(hh, wa_ref[...], preferred_element_type=jnp.float32)
        p2 = jnp.dot(hh, wb_ref[...],
                     preferred_element_type=jnp.float32) + b1_ref[...]
        z48 = jnp.zeros((N, D - D // 2 - 16), jnp.float32)
        r1 = jnp.concatenate([_pack_bf16_pair(p1), cc, z48], axis=1)
        r2 = jnp.concatenate([_pack_bf16_pair(p2), cc, z48], axis=1)
        z = jnp.zeros((npad - N, D), jnp.float32)
        tab_ref[...] = jnp.concatenate([r1, z, r2, z], axis=0)

    return pl.pallas_call(
        body,
        out_shape=jax.ShapeDtypeStruct((2 * npad, D), jnp.float32),
    )(h, c16, We1a, We1b, be1r)


def _sc_gather(tab, idx2d, e_pad, npad):
    D = tab.shape[1]
    ept2 = 2 * e_pad // NW
    ch2 = ept2 // CHUNK
    chh = ch2 // 2
    npt = npad // NS
    mesh = plsc.VectorSubcoreMesh(core_axis_name="c", subcore_axis_name="s")

    @functools.partial(
        pl.kernel,
        out_type=(
            jax.ShapeDtypeStruct((e_pad, D), jnp.float32),
            jax.ShapeDtypeStruct((e_pad, D), jnp.float32),
        ),
        mesh=mesh,
        scratch_types=[
            pltpu.VMEM_SHARED((npad, D), jnp.float32),
            pltpu.VMEM((chh, CHUNK), jnp.int32),
            pltpu.VMEM((CHUNK, D), jnp.float32),
            pltpu.VMEM((CHUNK, D), jnp.float32),
            pltpu.SemaphoreType.DMA,
            pltpu.SemaphoreType.DMA,
        ],
        compiler_params=_sc_compiler_params(),
    )
    def k(tab_hbm, ix_hbm, g1_hbm, g2_hbm, spm, ix_v, ba, bb, sa, sb):
        cid = lax.axis_index("c")
        sid = lax.axis_index("s")
        wid = cid * NS + sid
        pltpu.sync_copy(tab_hbm.at[pl.ds(cid * npad + sid * npt, npt)],
                        spm.at[pl.ds(sid * npt, npt)])
        plsc.subcore_barrier()
        lbase = sid * ept2

        def issue(jj, buf, s):
            pltpu.async_copy(spm.at[ix_v.at[jj]], buf, s)

        def finish(jj, half, buf, s):
            pltpu.make_async_copy(spm.at[ix_v.at[jj]], buf, s).wait()
            dst = pl.ds(lbase + (half * chh + jj) * CHUNK, CHUNK)

            @pl.when(cid == 0)
            def _():
                pltpu.sync_copy(buf, g1_hbm.at[dst])

            @pl.when(cid == 1)
            def _():
                pltpu.sync_copy(buf, g2_hbm.at[dst])

        for half in range(2):
            pltpu.sync_copy(
                ix_hbm.at[pl.ds(wid * ch2 + half * chh, chh)], ix_v)
            issue(0, ba, sa)

            @pl.loop(0, chh, step=2)
            def _(j):
                issue(j + 1, bb, sb)
                finish(j, half, ba, sa)

                @pl.when(j + 2 < chh)
                def _():
                    issue(j + 2, ba, sa)

                finish(j + 1, half, bb, sb)

    return k(tab, idx2d)


def _unpack_bf16_pair(x):
    u = lax.bitcast_convert_type(x, jnp.uint32)
    lo = lax.bitcast_convert_type((u & 0xFFFF).astype(jnp.uint16),
                                  jnp.bfloat16)
    hi = lax.bitcast_convert_type((u >> 16).astype(jnp.uint16), jnp.bfloat16)
    return lo, hi


def _edge_mlp(g1, g2, w1r, We2, be2r, Wc1, bc1r, wc2r, bc2r, n_edges, blk):
    e_pad, D = g1.shape
    hlf = D // 2
    grid = (e_pad // blk,)

    def body(g1_ref, g2_ref, w1_ref, w2_ref, b2_ref, wc1_ref,
             bc1_ref, wc2_ref, bc2_ref, ef_ref, tr_ref):
        gv1 = g1_ref[...]
        gv2 = g2_ref[...]
        lo1, hi1 = _unpack_bf16_pair(gv1[:, :hlf])
        lo2, hi2 = _unpack_bf16_pair(gv2[:, :hlf])
        s = jnp.concatenate(
            [lo1.astype(jnp.float32) + lo2.astype(jnp.float32),
             hi1.astype(jnp.float32) + hi2.astype(jnp.float32)], axis=1)
        cdv = gv1[:, hlf:hlf + 16] - gv2[:, hlf:hlf + 16]
        radial = jnp.sum(cdv * cdv, axis=1, keepdims=True)
        ef = _silu((s + radial * w1_ref[...]).astype(jnp.bfloat16))
        edge_feat = _silu(
            (jnp.dot(ef, w2_ref[...].astype(jnp.bfloat16),
                     preferred_element_type=jnp.float32)
             + b2_ref[...]).astype(jnp.bfloat16))
        tt = _silu(
            (jnp.dot(edge_feat, wc1_ref[...].astype(jnp.bfloat16),
                     preferred_element_type=jnp.float32)
             + bc1_ref[...]).astype(jnp.bfloat16))
        t = jnp.dot(tt, wc2_ref[...].astype(jnp.bfloat16),
                    preferred_element_type=jnp.float32)[:, 0:1] + bc2_ref[...]
        scale = t / jnp.sqrt(radial + 1e-8)
        trans = cdv * scale
        eid = pl.program_id(0) * blk + lax.broadcasted_iota(
            jnp.int32, (blk, 1), 0)
        valid = eid < n_edges
        ef_ref[...] = jnp.where(valid, edge_feat.astype(jnp.float32), 0.0)
        tr_ref[...] = jnp.transpose(jnp.where(valid, trans, 0.0))

    const = pl.BlockSpec((1, D), lambda i: (0, 0))
    return pl.pallas_call(
        body,
        grid=grid,
        in_specs=[
            pl.BlockSpec((blk, D), lambda i: (i, 0)),
            pl.BlockSpec((blk, D), lambda i: (i, 0)),
            const,
            pl.BlockSpec((D, D), lambda i: (0, 0)),
            const,
            pl.BlockSpec((D, D), lambda i: (0, 0)),
            const,
            pl.BlockSpec((D, D), lambda i: (0, 0)),
            pl.BlockSpec((1, 1), lambda i: (0, 0)),
        ],
        out_specs=[
            pl.BlockSpec((blk, D), lambda i: (i, 0)),
            pl.BlockSpec((16, blk), lambda i: (0, i)),
        ],
        out_shape=(
            jax.ShapeDtypeStruct((e_pad, D), jnp.float32),
            jax.ShapeDtypeStruct((16, e_pad), jnp.float32),
        ),
        compiler_params=pltpu.CompilerParams(
            dimension_semantics=("parallel",)),
    )(g1, g2, w1r, We2, be2r, Wc1, bc1r, wc2r, bc2r)


def _sc_segment_sum_h(ef, rows2d, zh, npad):
    e_pad, D = ef.shape
    ept = e_pad // NW
    ch = ept // CHUNK
    npt = npad // NS
    mesh = plsc.VectorSubcoreMesh(core_axis_name="c", subcore_axis_name="s")

    @functools.partial(
        pl.kernel,
        out_type=jax.ShapeDtypeStruct((NC * npad, D), jnp.float32),
        mesh=mesh,
        scratch_types=[
            pltpu.VMEM_SHARED((npad, D), jnp.float32),
            pltpu.VMEM((ch, CHUNK), jnp.int32),
            pltpu.VMEM((CHUNK, D), jnp.float32),
            pltpu.VMEM((CHUNK, D), jnp.float32),
            pltpu.SemaphoreType.DMA,
            pltpu.SemaphoreType.DMA,
        ],
        compiler_params=_sc_compiler_params(),
    )
    def k(ef_hbm, ri_hbm, zh_hbm, ph_hbm, acc_h, idx_v, vha, vhb, sa, sb):
        cid = lax.axis_index("c")
        sid = lax.axis_index("s")
        wid = cid * NS + sid
        nslc = pl.ds(sid * npt, npt)
        pltpu.sync_copy(zh_hbm, acc_h.at[nslc])
        pltpu.sync_copy(ri_hbm.at[pl.ds(wid * ch, ch)], idx_v)
        plsc.subcore_barrier()
        base = wid * ept

        def src(jj):
            return ef_hbm.at[pl.ds(base + jj * CHUNK, CHUNK)]

        pltpu.async_copy(src(0), vha, sa)

        @pl.loop(0, ch, step=2)
        def _(j):
            pltpu.async_copy(src(j + 1), vhb, sb)
            pltpu.make_async_copy(src(j), vha, sa).wait()
            pltpu.sync_copy(vha, acc_h.at[idx_v.at[j]], add=True)

            @pl.when(j + 2 < ch)
            def _():
                pltpu.async_copy(src(j + 2), vha, sa)

            pltpu.make_async_copy(src(j + 1), vhb, sb).wait()
            pltpu.sync_copy(vhb, acc_h.at[idx_v.at[j + 1]], add=True)

        plsc.subcore_barrier()
        pltpu.sync_copy(acc_h.at[nslc],
                        ph_hbm.at[pl.ds(cid * npad + sid * npt, npt)])

    return k(ef, rows2d, zh)


def _sc_segment_sum_c(trt, rows2d, zc, npad):
    e_pad = trt.shape[1]
    ept = e_pad // NW
    ch = ept // CHUNK
    n4 = npad * 4
    mesh = plsc.VectorSubcoreMesh(core_axis_name="c", subcore_axis_name="s")

    @functools.partial(
        pl.kernel,
        out_type=jax.ShapeDtypeStruct((NW * n4,), jnp.float32),
        mesh=mesh,
        scratch_types=[
            pltpu.VMEM((n4,), jnp.float32),
            pltpu.VMEM((ch, CHUNK), jnp.int32),
            pltpu.VMEM((16, CHUNK), jnp.float32),
            pltpu.VMEM((16, CHUNK), jnp.float32),
            pltpu.SemaphoreType.DMA,
            pltpu.SemaphoreType.DMA,
        ],
        compiler_params=_sc_compiler_params(),
    )
    def k(tr_hbm, ri_hbm, zc_hbm, pc_hbm, acc_c, idx_v, vta, vtb, sa, sb):
        wid = lax.axis_index("c") * NS + lax.axis_index("s")
        pltpu.sync_copy(zc_hbm, acc_c)
        pltpu.sync_copy(ri_hbm.at[pl.ds(wid * ch, ch)], idx_v)
        base = wid * ept

        def src(jj):
            return tr_hbm.at[:, pl.ds(base + jj * CHUNK, CHUNK)]

        def accumulate(jj, vt_v):
            for sub in range(CHUNK // 16):
                en = idx_v[jj, pl.ds(sub * 16, 16)]
                for c in range(3):
                    v = vt_v[c, pl.ds(sub * 16, 16)]
                    plsc.addupdate_scatter(acc_c, [en * 4 + c], v)

        pltpu.async_copy(src(0), vta, sa)

        @pl.loop(0, ch, step=2)
        def _(j):
            pltpu.async_copy(src(j + 1), vtb, sb)
            pltpu.make_async_copy(src(j), vta, sa).wait()
            accumulate(j, vta)

            @pl.when(j + 2 < ch)
            def _():
                pltpu.async_copy(src(j + 2), vta, sa)

            pltpu.make_async_copy(src(j + 1), vtb, sb).wait()
            accumulate(j + 1, vtb)

        pltpu.sync_copy(acc_c, pc_hbm.at[pl.ds(wid * n4, n4)])

    return k(trt, rows2d, zc)


def _node_mlp(h, c4mat, phs, pcmats, Wn1a, Wn1b, bn1r, Wn2, bn2r, npad):
    N, D = h.shape
    rows4 = c4mat.shape[0]
    ns = len(phs)

    def body(h_ref, c_ref, *refs):
        ph_refs = refs[:ns]
        pc_refs = refs[ns:2 * ns]
        wa_ref, wb_ref, b1_ref, w2_ref, b2_ref, ho_ref, co_ref = refs[2 * ns:]
        hh = h_ref[...]
        agg = sum(pr[:N, :] + pr[npad:npad + N, :] for pr in ph_refs)
        m1 = _silu(
            jnp.dot(hh, wa_ref[...], preferred_element_type=jnp.float32)
            + jnp.dot(agg, wb_ref[...], preferred_element_type=jnp.float32)
            + b1_ref[...])
        m = jnp.dot(m1, w2_ref[...], preferred_element_type=jnp.float32)
        ho_ref[...] = hh + m + b2_ref[...]
        aggc = sum(jnp.sum(pr[...], axis=0) for pr in pc_refs)
        co_ref[...] = c_ref[...] + aggc

    return pl.pallas_call(
        body,
        out_shape=(
            jax.ShapeDtypeStruct((N, D), jnp.float32),
            jax.ShapeDtypeStruct((rows4, 128), jnp.float32),
        ),
    )(h, c4mat, *phs, *pcmats, Wn1a, Wn1b, bn1r, Wn2, bn2r)


def kernel(h, edge_index, coord, edge_attr,
           We1, be1, We2, be2, Wn1, bn1, Wn2, bn2, Wc1, bc1, Wc2, bc2):
    del edge_attr
    N, D = h.shape
    E = edge_index.shape[1]
    tile_edges = NW * CHUNK * 8
    e_pad = ((E + tile_edges - 1) // tile_edges) * tile_edges
    npad = ((N + NS * 8 - 1) // (NS * 8)) * (NS * 8)

    row = edge_index[0].astype(jnp.int32)
    col = edge_index[1].astype(jnp.int32)
    rows2d = jnp.pad(row, (0, e_pad - E)).reshape(e_pad // CHUNK, CHUNK)
    cols2d = jnp.pad(col, (0, e_pad - E)).reshape(e_pad // CHUNK, CHUNK)

    c4flat = jnp.pad(coord, ((0, npad - N), (0, 1))).reshape(-1)
    We1a = We1[:D]
    We1b = We1[D:2 * D]
    w1r = We1[2 * D].reshape(1, D)
    be1r = be1.reshape(1, D)
    be2r = be2.reshape(1, D)
    bc1r = bc1.reshape(1, D)
    wc2r = jnp.pad(Wc2, ((0, 0), (0, D - 1)))
    bc2r = bc2.reshape(1, 1)
    bn1r = bn1.reshape(1, D)
    bn2r = bn2.reshape(1, D)
    Wn1a = Wn1[:D]
    Wn1b = Wn1[D:]

    c16 = jnp.pad(coord, ((0, 0), (0, 16 - coord.shape[1])))
    tab = _build_tables(h, c16, We1a, We1b, be1r, npad)
    zh = jnp.zeros((npad // NS, D), jnp.float32)
    zc = jnp.zeros((npad * 4,), jnp.float32)

    S = 1
    es = e_pad // S
    rps = es // CHUNK
    phs, pcs = [], []
    for s in range(S):
        r2d = lax.slice_in_dim(rows2d, s * rps, (s + 1) * rps, axis=0)
        c2d = lax.slice_in_dim(cols2d, s * rps, (s + 1) * rps, axis=0)
        idx2d = jnp.concatenate([r2d, c2d], axis=0)
        g1, g2 = _sc_gather(tab, idx2d, es, npad)
        nval = max(0, min(es, E - s * es))
        ef, trt = _edge_mlp(g1, g2, w1r, We2, be2r, Wc1,
                            bc1r, wc2r, bc2r, nval, 4096)
        phs.append(_sc_segment_sum_h(ef, r2d, zh, npad))
        pcs.append(_sc_segment_sum_c(trt, r2d, zc, npad))

    rows4 = npad * 4 // 128
    pcmats = [pc.reshape(NW, rows4, 128) for pc in pcs]
    c4mat = c4flat.reshape(rows4, 128)
    h_out, co_mat = _node_mlp(h, c4mat, phs, pcmats, Wn1a, Wn1b, bn1r,
                              Wn2, bn2r, npad)
    coord_out = co_mat.reshape(npad, 4)[:N, :3]
    return (h_out, coord_out)

# --- scband reference (transcript-rebuilt; emitter-appended) ---
"""Pipeline reference for scband-e-gcl-72060961292769 (READ-ONLY COPY).

The authoritative reference and input builder live on the scoring server;
editing this copy changes nothing except your own understanding.
"""

import jax, jax.numpy as jnp
import numpy as np
from jax.ops import segment_sum

N = 10000
E = 320000
D = 128   # input_nf = output_nf
H = 128   # hidden_nf
DE = 4    # edges_in_d
NORM_CONSTANT = 0.0


def _glorot(k, shape):
    fan_in, fan_out = shape
    lim = (6.0 / (fan_in + fan_out)) ** 0.5
    return jax.random.uniform(k, shape, jnp.float32, -lim, lim)


def setup_inputs(seed: int = 0) -> dict:
    key = jax.random.key(seed)
    ks = jax.random.split(key, 20)
    h = jax.random.normal(ks[0], (N, D), jnp.float32)
    coord = jax.random.normal(ks[1], (N, 3), jnp.float32)
    edge_index = jax.random.randint(ks[2], (2, E), 0, N).astype(jnp.int64)
    edge_attr = jax.random.normal(ks[3], (E, DE), jnp.float32)
    # edge_mlp: Dense(H) on [src, dst, radial] = 2*D+1, then Dense(H)
    We1 = _glorot(ks[4], (2 * D + 1, H)); be1 = jnp.zeros((H,), jnp.float32)
    We2 = _glorot(ks[5], (H, H));         be2 = jnp.zeros((H,), jnp.float32)
    # node_mlp: Dense(H) on [h, agg] = D+H, then Dense(D)
    Wn1 = _glorot(ks[6], (D + H, H));     bn1 = jnp.zeros((H,), jnp.float32)
    Wn2 = _glorot(ks[7], (H, D));         bn2 = jnp.zeros((D,), jnp.float32)
    # coord_mlp: Dense(H) on edge_feat (H), then Dense(1) glorot
    Wc1 = _glorot(ks[8], (H, H));         bc1 = jnp.zeros((H,), jnp.float32)
    Wc2 = _glorot(ks[9], (H, 1));         bc2 = jnp.zeros((1,), jnp.float32)
    return {
        "h": h, "edge_index": edge_index, "coord": coord, "edge_attr": edge_attr,
        "We1": We1, "be1": be1, "We2": We2, "be2": be2,
        "Wn1": Wn1, "bn1": bn1, "Wn2": Wn2, "bn2": bn2,
        "Wc1": Wc1, "bc1": bc1, "Wc2": Wc2, "bc2": bc2,
    }


def reference(h, edge_index, coord, edge_attr,
              We1, be1, We2, be2, Wn1, bn1, Wn2, bn2, Wc1, bc1, Wc2, bc2):
    silu = jax.nn.silu
    row, col = edge_index[0], edge_index[1]
    # coord2radial
    coord_diff = coord[row] - coord[col]
    radial = jnp.sum(coord_diff ** 2, axis=1, keepdims=True)
    norm = jnp.sqrt(radial + 1e-08)
    coord_diff = coord_diff / (norm + NORM_CONSTANT)
    # edge_model (note: original code ignores edge_attr values when edge_attr is not None)
    source = h[row]
    target = h[col]
    out = jnp.concatenate([source, target, radial], axis=1)
    ef = silu(out @ We1 + be1)
    edge_feat = silu(ef @ We2 + be2)
    # coord_model (tanh=False)
    t = silu(edge_feat @ Wc1 + bc1)
    t = t @ Wc2 + bc2
    trans = coord_diff * t
    agg_c = segment_sum(trans, row, num_segments=coord.shape[0])
    coord_out = coord + agg_c
    # node_model
    agg_h = segment_sum(edge_feat, row, num_segments=h.shape[0])
    cat = jnp.concatenate([h, agg_h], axis=1)
    m = silu(cat @ Wn1 + bn1)
    m = m @ Wn2 + bn2
    h_out = h + m
    return (h_out, coord_out)

if __name__ == "__main__":
    import jax
    _d = setup_inputs()
    print(jax.jit(kernel)(*tuple(_d.values())))

</pallas_src>

<mosaic_0001>
#map = affine_map<(d0, d1) -> (0, 0)>
module attributes {stable_mosaic.version = 14 : i64} {
  func.func @k(%arg0: i32, %arg1: i32, %arg2: memref<20224x128xf32, #tpu.memory_space<hbm>>, %arg3: memref<5120x128xi32, #tpu.memory_space<hbm>>, %arg4: memref<327680x128xf32, #tpu.memory_space<hbm>>, %arg5: memref<327680x128xf32, #tpu.memory_space<hbm>>, %arg6: memref<10112x128xf32, #tpu.memory_space<vmem_shared>>, %arg7: memref<80x128xi32, #tpu.memory_space<vmem>>, %arg8: memref<128x128xf32, #tpu.memory_space<vmem>>, %arg9: memref<128x128xf32, #tpu.memory_space<vmem>>, %arg10: memref<!tpu.dma_semaphore, #tpu.memory_space<semaphore_mem>>, %arg11: memref<!tpu.dma_semaphore, #tpu.memory_space<semaphore_mem>>) attributes {dimension_semantics = [#tpu.dimension_semantics<core_parallel>, #tpu.dimension_semantics<subcore_parallel>], iteration_bounds = array<i64: 2, 16>, scalar_prefetch = 0 : i64, scratch_operands = 6 : i64, tpu.core_type = #tpu.core_type<sc_vector_subcore>, window_params = [{transform_indices = #map}, {transform_indices = #map}, {transform_indices = #map}, {transform_indices = #map}]} {
    %mul3A = arith.constant 16 : i32
    %mul3A_0 = arith.muli %arg0, %mul3A : i32
    %add3A = arith.addi %mul3A_0, %arg1 : i32
    %mul3A_1 = arith.constant 10112 : i32
    %mul3A_2 = arith.muli %arg0, %mul3A_1 : i32
    %mul3A_3 = arith.constant 632 : i32
    %mul3A_4 = arith.muli %arg1, %mul3A_3 : i32
    %add3A_5 = arith.addi %mul3A_2, %mul3A_4 : i32
    %mul3A_6 = arith.constant 632 : i32
    %mul3A_7 = arith.muli %arg1, %mul3A_6 : i32
    "tpu.region"() ({
      %run_scoped3A = tpu.sem_alloc : memref<!tpu.dma_semaphore, #tpu.memory_space<semaphore_mem>>
      %dma_start3A_40 = arith.constant 0 : i32
      %dma_start3A_41 = tpu.memref_slice %arg6[%mul3A_7, %dma_start3A_40] : memref<10112x128xf32, #tpu.memory_space<vmem_shared>> -> memref<632x128xf32, #tpu.memory_space<vmem_shared>>
      %dma_start3A_42 = arith.constant 0 : i32
      %dma_start3A_43 = tpu.memref_slice %arg2[%add3A_5, %dma_start3A_42] : memref<20224x128xf32, #tpu.memory_space<hbm>> -> memref<632x128xf32, #tpu.memory_space<hbm>>
      tpu.enqueue_dma source(%dma_start3A_43 : memref<632x128xf32, #tpu.memory_space<hbm>>) target(%dma_start3A_41 : memref<632x128xf32, #tpu.memory_space<vmem_shared>>) target_semaphore(%run_scoped3A : memref<!tpu.dma_semaphore, #tpu.memory_space<semaphore_mem>>)
      %dma_wait3A = arith.constant 0 : i32
      %dma_wait3A_44 = tpu.memref_slice %arg6[%mul3A_7, %dma_wait3A] : memref<10112x128xf32, #tpu.memory_space<vmem_shared>> -> memref<632x128xf32, #tpu.memory_space<vmem_shared>>
      %dma_wait3A_45 = arith.constant 0 : i32
      %dma_wait3A_46 = tpu.memref_slice %arg2[%add3A_5, %dma_wait3A_45] : memref<20224x128xf32, #tpu.memory_space<hbm>> -> memref<632x128xf32, #tpu.memory_space<hbm>>
      tpu.wait_dma2 semaphore(%run_scoped3A : memref<!tpu.dma_semaphore, #tpu.memory_space<semaphore_mem>>) src(%dma_wait3A_46 : memref<632x128xf32, #tpu.memory_space<hbm>>) dst(%dma_wait3A_44 : memref<632x128xf32, #tpu.memory_space<vmem_shared>>)
      tpu.yield
    }) : () -> ()
    %barrier3A = arith.constant 0 : index
    tpu.barrier barrier_id(%barrier3A)
    %mul3A_8 = arith.constant 20480 : i32
    %mul3A_9 = arith.muli %arg1, %mul3A_8 : i32
    %mul3A_10 = arith.constant 160 : i32
    %mul3A_11 = arith.muli %add3A, %mul3A_10 : i32
    %add3A_12 = arith.constant 0 : i32
    %add3A_13 = arith.addi %mul3A_11, %add3A_12 : i32
    "tpu.region"() ({
      %run_scoped3A = tpu.sem_alloc : memref<!tpu.dma_semaphore, #tpu.memory_space<semaphore_mem>>
      %dma_start3A_40 = arith.constant 0 : i32
      %dma_start3A_41 = tpu.memref_slice %arg3[%add3A_13, %dma_start3A_40] : memref<5120x128xi32, #tpu.memory_space<hbm>> -> memref<80x128xi32, #tpu.memory_space<hbm>>
      %dma_start3A_42 = arith.constant 0 : i32
      %dma_start3A_43 = tpu.memref_slice %arg3[%add3A_13, %dma_start3A_42] : memref<5120x128xi32, #tpu.memory_space<hbm>> -> memref<80x128xi32, #tpu.memory_space<hbm>>
      tpu.enqueue_dma source(%dma_start3A_43 : memref<80x128xi32, #tpu.memory_space<hbm>>) target(%arg7 : memref<80x128xi32, #tpu.memory_space<vmem>>) target_semaphore(%run_scoped3A : memref<!tpu.dma_semaphore, #tpu.memory_space<semaphore_mem>>)
      %dma_wait3A = arith.constant 0 : i32
      %dma_wait3A_44 = tpu.memref_slice %arg3[%add3A_13, %dma_wait3A] : memref<5120x128xi32, #tpu.memory_space<hbm>> -> memref<80x128xi32, #tpu.memory_space<hbm>>
      %dma_wait3A_45 = arith.constant 0 : i32
      %dma_wait3A_46 = tpu.memref_slice %arg3[%add3A_13, %dma_wait3A_45] : memref<5120x128xi32, #tpu.memory_space<hbm>> -> memref<80x128xi32, #tpu.memory_space<hbm>>
      tpu.wait_dma2 semaphore(%run_scoped3A : memref<!tpu.dma_semaphore, #tpu.memory_space<semaphore_mem>>) src(%dma_wait3A_46 : memref<80x128xi32, #tpu.memory_space<hbm>>) dst(%arg7 : memref<80x128xi32, #tpu.memory_space<vmem>>)
      tpu.yield
    }) : () -> ()
    %dma_start3A = arith.constant 0 : i32
    %dma_start3A_14 = arith.constant 0 : i32
    %dma_start3A_15 = tpu.memref_slice %arg7[%dma_start3A, %dma_start3A_14] : memref<80x128xi32, #tpu.memory_space<vmem>> -> memref<1x128xi32, #tpu.memory_space<vmem>>
    %dma_start3A_16 = tpu.memref_squeeze %dma_start3A_15 : memref<1x128xi32, #tpu.memory_space<vmem>> -> memref<128xi32, #tpu.memory_space<vmem>>
    %dma_start3A_17 = arith.constant 0 : i32
    %dma_start3A_18 = arith.constant 0 : i32
    %dma_start3A_19 = tpu.memref_slice %arg6[%dma_start3A_17, %dma_start3A_18] : memref<10112x128xf32, #tpu.memory_space<vmem_shared>> -> memref<10112x128xf32, #tpu.memory_space<vmem_shared>>
    tpu.enqueue_indirect_dma source(%dma_start3A_19 : memref<10112x128xf32, #tpu.memory_space<vmem_shared>>) target(%arg8 : memref<128x128xf32, #tpu.memory_space<vmem>>) offsets(%dma_start3A_16 : memref<128xi32, #tpu.memory_space<vmem>>) semaphore(%arg10 : memref<!tpu.dma_semaphore, #tpu.memory_space<semaphore_mem>>)
    %scan3A = arith.constant 0 : i32
    %scan3A_20 = arith.constant 40 : i32
    %scan3A_21 = arith.addi %scan3A, %scan3A_20 : i32
    %scan3A_22 = arith.constant 1 : i32
    scf.for %scan3A_40 = %scan3A to %scan3A_21 step %scan3A_22  : i32 {
      %mul3A_41 = arith.constant 2 : i32
      %mul3A_42 = arith.muli %scan3A_40, %mul3A_41 : i32
      %add3A_43 = arith.constant 0 : i32
      %add3A_44 = arith.addi %add3A_43, %mul3A_42 : i32
      %add3A_45 = arith.constant 1 : i32
      %add3A_46 = arith.addi %add3A_44, %add3A_45 : i32
      %dma_start3A_47 = arith.constant 0 : i32
      %dma_start3A_48 = tpu.memref_slice %arg7[%add3A_46, %dma_start3A_47] : memref<80x128xi32, #tpu.memory_space<vmem>> -> memref<1x128xi32, #tpu.memory_space<vmem>>
      %dma_start3A_49 = tpu.memref_squeeze %dma_start3A_48 : memref<1x128xi32, #tpu.memory_space<vmem>> -> memref<128xi32, #tpu.memory_space<vmem>>
      %dma_start3A_50 = arith.constant 0 : i32
      %dma_start3A_51 = arith.constant 0 : i32
      %dma_start3A_52 = tpu.memref_slice %arg6[%dma_start3A_50, %dma_start3A_51] : memref<10112x128xf32, #tpu.memory_space<vmem_shared>> -> memref<10112x128xf32, #tpu.memory_space<vmem_shared>>
      tpu.enqueue_indirect_dma source(%dma_start3A_52 : memref<10112x128xf32, #tpu.memory_space<vmem_shared>>) target(%arg9 : memref<128x128xf32, #tpu.memory_space<vmem>>) offsets(%dma_start3A_49 : memref<128xi32, #tpu.memory_space<vmem>>) semaphore(%arg11 : memref<!tpu.dma_semaphore, #tpu.memory_space<semaphore_mem>>)
      %dma_wait3A = arith.constant 0 : i32
      %dma_wait3A_53 = tpu.memref_slice %arg7[%add3A_44, %dma_wait3A] : memref<80x128xi32, #tpu.memory_space<vmem>> -> memref<1x128xi32, #tpu.memory_space<vmem>>
      %dma_wait3A_54 = tpu.memref_squeeze %dma_wait3A_53 : memref<1x128xi32, #tpu.memory_space<vmem>> -> memref<128xi32, #tpu.memory_space<vmem>>
      %dma_wait3A_55 = arith.constant 0 : i32
      %dma_wait3A_56 = arith.constant 0 : i32
      %dma_wait3A_57 = tpu.memref_slice %arg6[%dma_wait3A_55, %dma_wait3A_56] : memref<10112x128xf32, #tpu.memory_space<vmem_shared>> -> memref<10112x128xf32, #tpu.memory_space<vmem_shared>>
      tpu.wait_indirect_dma semaphore(%arg10 : memref<!tpu.dma_semaphore, #tpu.memory_space<semaphore_mem>>) src(%dma_wait3A_57 : memref<10112x128xf32, #tpu.memory_space<vmem_shared>>) dst(%arg8 : memref<128x128xf32, #tpu.memory_space<vmem>>)
      %add3A_58 = arith.constant 0 : i32
      %add3A_59 = arith.addi %add3A_58, %add3A_44 : i32
      %mul3A_60 = arith.constant 128 : i32
      %mul3A_61 = arith.muli %add3A_59, %mul3A_60 : i32
      %add3A_62 = arith.addi %mul3A_9, %mul3A_61 : i32
      %eq3A = arith.constant 0 : i32
      %eq3A_63 = arith.cmpi eq, %arg0, %eq3A : i32
      %convert_element_type3A = arith.extui %eq3A_63 : i1 to i32
      %cond3A = arith.constant 0 : i32
      %cond3A_64 = arith.cmpi ne, %convert_element_type3A, %cond3A : i32
      scf.if %cond3A_64 {
        "tpu.region"() ({
          %run_scoped3A = tpu.sem_alloc : memref<!tpu.dma_semaphore, #tpu.memory_space<semaphore_mem>>
          %dma_start3A_99 = arith.constant 0 : i32
          %dma_start3A_100 = tpu.memref_slice %arg4[%add3A_62, %dma_start3A_99] : memref<327680x128xf32, #tpu.memory_space<hbm>> -> memref<128x128xf32, #tpu.memory_space<hbm>>
          %dma_start3A_101 = arith.constant 0 : i32
          %dma_start3A_102 = tpu.memref_slice %arg4[%add3A_62, %dma_start3A_101] : memref<327680x128xf32, #tpu.memory_space<hbm>> -> memref<128x128xf32, #tpu.memory_space<hbm>>
          tpu.enqueue_dma source(%arg8 : memref<128x128xf32, #tpu.memory_space<vmem>>) target(%dma_start3A_102 : memref<128x128xf32, #tpu.memory_space<hbm>>) target_semaphore(%run_scoped3A : memref<!tpu.dma_semaphore, #tpu.memory_space<semaphore_mem>>)
          %dma_wait3A_103 = arith.constant 0 : i32
          %dma_wait3A_104 = tpu.memref_slice %arg4[%add3A_62, %dma_wait3A_103] : memref<327680x128xf32, #tpu.memory_space<hbm>> -> memref<128x128xf32, #tpu.memory_space<hbm>>
          %dma_wait3A_105 = arith.constant 0 : i32
          %dma_wait3A_106 = tpu.memref_slice %arg4[%add3A_62, %dma_wait3A_105] : memref<327680x128xf32, #tpu.memory_space<hbm>> -> memref<128x128xf32, #tpu.memory_space<hbm>>
          tpu.wait_dma2 semaphore(%run_scoped3A : memref<!tpu.dma_semaphore, #tpu.memory_space<semaphore_mem>>) src(%arg8 : memref<128x128xf32, #tpu.memory_space<vmem>>) dst(%dma_wait3A_106 : memref<128x128xf32, #tpu.memory_space<hbm>>)
          tpu.yield
        }) : () -> ()
      } else {
      }
      %eq3A_65 = arith.constant 1 : i32
      %eq3A_66 = arith.cmpi eq, %arg0, %eq3A_65 : i32
      %convert_element_type3A_67 = arith.extui %eq3A_66 : i1 to i32
      %cond3A_68 = arith.constant 0 : i32
      %cond3A_69 = arith.cmpi ne, %convert_element_type3A_67, %cond3A_68 : i32
      scf.if %cond3A_69 {
        "tpu.region"() ({
          %run_scoped3A = tpu.sem_alloc : memref<!tpu.dma_semaphore, #tpu.memory_space<semaphore_mem>>
          %dma_start3A_99 = arith.constant 0 : i32
          %dma_start3A_100 = tpu.memref_slice %arg5[%add3A_62, %dma_start3A_99] : memref<327680x128xf32, #tpu.memory_space<hbm>> -> memref<128x128xf32, #tpu.memory_space<hbm>>
          %dma_start3A_101 = arith.constant 0 : i32
          %dma_start3A_102 = tpu.memref_slice %arg5[%add3A_62, %dma_start3A_101] : memref<327680x128xf32, #tpu.memory_space<hbm>> -> memref<128x128xf32, #tpu.memory_space<hbm>>
          tpu.enqueue_dma source(%arg8 : memref<128x128xf32, #tpu.memory_space<vmem>>) target(%dma_start3A_102 : memref<128x128xf32, #tpu.memory_space<hbm>>) target_semaphore(%run_scoped3A : memref<!tpu.dma_semaphore, #tpu.memory_space<semaphore_mem>>)
          %dma_wait3A_103 = arith.constant 0 : i32
          %dma_wait3A_104 = tpu.memref_slice %arg5[%add3A_62, %dma_wait3A_103] : memref<327680x128xf32, #tpu.memory_space<hbm>> -> memref<128x128xf32, #tpu.memory_space<hbm>>
          %dma_wait3A_105 = arith.constant 0 : i32
          %dma_wait3A_106 = tpu.memref_slice %arg5[%add3A_62, %dma_wait3A_105] : memref<327680x128xf32, #tpu.memory_space<hbm>> -> memref<128x128xf32, #tpu.memory_space<hbm>>
          tpu.wait_dma2 semaphore(%run_scoped3A : memref<!tpu.dma_semaphore, #tpu.memory_space<semaphore_mem>>) src(%arg8 : memref<128x128xf32, #tpu.memory_space<vmem>>) dst(%dma_wait3A_106 : memref<128x128xf32, #tpu.memory_space<hbm>>)
          tpu.yield
        }) : () -> ()
      } else {
      }
      %add3A_70 = arith.constant 2 : i32
      %add3A_71 = arith.addi %add3A_44, %add3A_70 : i32
      %lt3A = arith.constant 80 : i32
      %lt3A_72 = arith.cmpi slt, %add3A_71, %lt3A : i32
      %convert_element_type3A_73 = arith.extui %lt3A_72 : i1 to i32
      %cond3A_74 = arith.constant 0 : i32
      %cond3A_75 = arith.cmpi ne, %convert_element_type3A_73, %cond3A_74 : i32
      scf.if %cond3A_75 {
        %add3A_99 = arith.constant 2 : i32
        %add3A_100 = arith.addi %add3A_44, %add3A_99 : i32
        %dma_start3A_101 = arith.constant 0 : i32
        %dma_start3A_102 = tpu.memref_slice %arg7[%add3A_100, %dma_start3A_101] : memref<80x128xi32, #tpu.memory_space<vmem>> -> memref<1x128xi32, #tpu.memory_space<vmem>>
        %dma_start3A_103 = tpu.memref_squeeze %dma_start3A_102 : memref<1x128xi32, #tpu.memory_space<vmem>> -> memref<128xi32, #tpu.memory_space<vmem>>
        %dma_start3A_104 = arith.constant 0 : i32
        %dma_start3A_105 = arith.constant 0 : i32
        %dma_start3A_106 = tpu.memref_slice %arg6[%dma_start3A_104, %dma_start3A_105] : memref<10112x128xf32, #tpu.memory_space<vmem_shared>> -> memref<10112x128xf32, #tpu.memory_space<vmem_shared>>
        tpu.enqueue_indirect_dma source(%dma_start3A_106 : memref<10112x128xf32, #tpu.memory_space<vmem_shared>>) target(%arg8 : memref<128x128xf32, #tpu.memory_space<vmem>>) offsets(%dma_start3A_103 : memref<128xi32, #tpu.memory_space<vmem>>) semaphore(%arg10 : memref<!tpu.dma_semaphore, #tpu.memory_space<semaphore_mem>>)
      } else {
      }
      %add3A_76 = arith.constant 1 : i32
      %add3A_77 = arith.addi %add3A_44, %add3A_76 : i32
      %dma_wait3A_78 = arith.constant 0 : i32
      %dma_wait3A_79 = tpu.memref_slice %arg7[%add3A_77, %dma_wait3A_78] : memref<80x128xi32, #tpu.memory_space<vmem>> -> memref<1x128xi32, #tpu.memory_space<vmem>>
      %dma_wait3A_80 = tpu.memref_squeeze %dma_wait3A_79 : memref<1x128xi32, #tpu.memory_space<vmem>> -> memref<128xi32, #tpu.memory_space<vmem>>
      %dma_wait3A_81 = arith.constant 0 : i32
      %dma_wait3A_82 = arith.constant 0 : i32
      %dma_wait3A_83 = tpu.memref_slice %arg6[%dma_wait3A_81, %dma_wait3A_82] : memref<10112x128xf32, #tpu.memory_space<vmem_shared>> -> memref<10112x128xf32, #tpu.memory_space<vmem_shared>>
      tpu.wait_indirect_dma semaphore(%arg11 : memref<!tpu.dma_semaphore, #tpu.memory_space<semaphore_mem>>) src(%dma_wait3A_83 : memref<10112x128xf32, #tpu.memory_space<vmem_shared>>) dst(%arg9 : memref<128x128xf32, #tpu.memory_space<vmem>>)
      %add3A_84 = arith.constant 0 : i32
      %add3A_85 = arith.addi %add3A_84, %add3A_77 : i32
      %mul3A_86 = arith.constant 128 : i32
      %mul3A_87 = arith.muli %add3A_85, %mul3A_86 : i32
      %add3A_88 = arith.addi %mul3A_9, %mul3A_87 : i32
      %eq3A_89 = arith.constant 0 : i32
      %eq3A_90 = arith.cmpi eq, %arg0, %eq3A_89 : i32
      %convert_element_type3A_91 = arith.extui %eq3A_90 : i1 to i32
      %cond3A_92 = arith.constant 0 : i32
      %cond3A_93 = arith.cmpi ne, %convert_element_type3A_91, %cond3A_92 : i32
      scf.if %cond3A_93 {
        "tpu.region"() ({
          %run_scoped3A = tpu.sem_alloc : memref<!tpu.dma_semaphore, #tpu.memory_space<semaphore_mem>>
          %dma_start3A_99 = arith.constant 0 : i32
          %dma_start3A_100 = tpu.memref_slice %arg4[%add3A_88, %dma_start3A_99] : memref<327680x128xf32, #tpu.memory_space<hbm>> -> memref<128x128xf32, #tpu.memory_space<hbm>>
          %dma_start3A_101 = arith.constant 0 : i32
          %dma_start3A_102 = tpu.memref_slice %arg4[%add3A_88, %dma_start3A_101] : memref<327680x128xf32, #tpu.memory_space<hbm>> -> memref<128x128xf32, #tpu.memory_space<hbm>>
          tpu.enqueue_dma source(%arg9 : memref<128x128xf32, #tpu.memory_space<vmem>>) target(%dma_start3A_102 : memref<128x128xf32, #tpu.memory_space<hbm>>) target_semaphore(%run_scoped3A : memref<!tpu.dma_semaphore, #tpu.memory_space<semaphore_mem>>)
          %dma_wait3A_103 = arith.constant 0 : i32
          %dma_wait3A_104 = tpu.memref_slice %arg4[%add3A_88, %dma_wait3A_103] : memref<327680x128xf32, #tpu.memory_space<hbm>> -> memref<128x128xf32, #tpu.memory_space<hbm>>
          %dma_wait3A_105 = arith.constant 0 : i32
          %dma_wait3A_106 = tpu.memref_slice %arg4[%add3A_88, %dma_wait3A_105] : memref<327680x128xf32, #tpu.memory_space<hbm>> -> memref<128x128xf32, #tpu.memory_space<hbm>>
          tpu.wait_dma2 semaphore(%run_scoped3A : memref<!tpu.dma_semaphore, #tpu.memory_space<semaphore_mem>>) src(%arg9 : memref<128x128xf32, #tpu.memory_space<vmem>>) dst(%dma_wait3A_106 : memref<128x128xf32, #tpu.memory_space<hbm>>)
          tpu.yield
        }) : () -> ()
      } else {
      }
      %eq3A_94 = arith.constant 1 : i32
      %eq3A_95 = arith.cmpi eq, %arg0, %eq3A_94 : i32
      %convert_element_type3A_96 = arith.extui %eq3A_95 : i1 to i32
      %cond3A_97 = arith.constant 0 : i32
      %cond3A_98 = arith.cmpi ne, %convert_element_type3A_96, %cond3A_97 : i32
      scf.if %cond3A_98 {
        "tpu.region"() ({
          %run_scoped3A = tpu.sem_alloc : memref<!tpu.dma_semaphore, #tpu.memory_space<semaphore_mem>>
          %dma_start3A_99 = arith.constant 0 : i32
          %dma_start3A_100 = tpu.memref_slice %arg5[%add3A_88, %dma_start3A_99] : memref<327680x128xf32, #tpu.memory_space<hbm>> -> memref<128x128xf32, #tpu.memory_space<hbm>>
          %dma_start3A_101 = arith.constant 0 : i32
          %dma_start3A_102 = tpu.memref_slice %arg5[%add3A_88, %dma_start3A_101] : memref<327680x128xf32, #tpu.memory_space<hbm>> -> memref<128x128xf32, #tpu.memory_space<hbm>>
          tpu.enqueue_dma source(%arg9 : memref<128x128xf32, #tpu.memory_space<vmem>>) target(%dma_start3A_102 : memref<128x128xf32, #tpu.memory_space<hbm>>) target_semaphore(%run_scoped3A : memref<!tpu.dma_semaphore, #tpu.memory_space<semaphore_mem>>)
          %dma_wait3A_103 = arith.constant 0 : i32
          %dma_wait3A_104 = tpu.memref_slice %arg5[%add3A_88, %dma_wait3A_103] : memref<327680x128xf32, #tpu.memory_space<hbm>> -> memref<128x128xf32, #tpu.memory_space<hbm>>
          %dma_wait3A_105 = arith.constant 0 : i32
          %dma_wait3A_106 = tpu.memref_slice %arg5[%add3A_88, %dma_wait3A_105] : memref<327680x128xf32, #tpu.memory_space<hbm>> -> memref<128x128xf32, #tpu.memory_space<hbm>>
          tpu.wait_dma2 semaphore(%run_scoped3A : memref<!tpu.dma_semaphore, #tpu.memory_space<semaphore_mem>>) src(%arg9 : memref<128x128xf32, #tpu.memory_space<vmem>>) dst(%dma_wait3A_106 : memref<128x128xf32, #tpu.memory_space<hbm>>)
          tpu.yield
        }) : () -> ()
      } else {
      }
    }
    %scan3A_23 = arith.constant 40 : i32
    %mul3A_24 = arith.constant 160 : i32
    %mul3A_25 = arith.muli %add3A, %mul3A_24 : i32
    %add3A_26 = arith.constant 80 : i32
    %add3A_27 = arith.addi %mul3A_25, %add3A_26 : i32
    "tpu.region"() ({
      %run_scoped3A = tpu.sem_alloc : memref<!tpu.dma_semaphore, #tpu.memory_space<semaphore_mem>>
      %dma_start3A_40 = arith.constant 0 : i32
      %dma_start3A_41 = tpu.memref_slice %arg3[%add3A_27, %dma_start3A_40] : memref<5120x128xi32, #tpu.memory_space<hbm>> -> memref<80x128xi32, #tpu.memory_space<hbm>>
      %dma_start3A_42 = arith.constant 0 : i32
      %dma_start3A_43 = tpu.memref_slice %arg3[%add3A_27, %dma_start3A_42] : memref<5120x128xi32, #tpu.memory_space<hbm>> -> memref<80x128xi32, #tpu.memory_space<hbm>>
      tpu.enqueue_dma source(%dma_start3A_43 : memref<80x128xi32, #tpu.memory_space<hbm>>) target(%arg7 : memref<80x128xi32, #tpu.memory_space<vmem>>) target_semaphore(%run_scoped3A : memref<!tpu.dma_semaphore, #tpu.memory_space<semaphore_mem>>)
      %dma_wait3A = arith.constant 0 : i32
      %dma_wait3A_44 = tpu.memref_slice %arg3[%add3A_27, %dma_wait3A] : memref<5120x128xi32, #tpu.memory_space<hbm>> -> memref<80x128xi32, #tpu.memory_space<hbm>>
      %dma_wait3A_45 = arith.constant 0 : i32
      %dma_wait3A_46 = tpu.memref_slice %arg3[%add3A_27, %dma_wait3A_45] : memref<5120x128xi32, #tpu.memory_space<hbm>> -> memref<80x128xi32, #tpu.memory_space<hbm>>
      tpu.wait_dma2 semaphore(%run_scoped3A : memref<!tpu.dma_semaphore, #tpu.memory_space<semaphore_mem>>) src(%dma_wait3A_46 : memref<80x128xi32, #tpu.memory_space<hbm>>) dst(%arg7 : memref<80x128xi32, #tpu.memory_space<vmem>>)
      tpu.yield
    }) : () -> ()
    %dma_start3A_28 = arith.constant 0 : i32
    %dma_start3A_29 = arith.constant 0 : i32
    %dma_start3A_30 = tpu.memref_slice %arg7[%dma_start3A_28, %dma_start3A_29] : memref<80x128xi32, #tpu.memory_space<vmem>> -> memref<1x128xi32, #tpu.memory_space<vmem>>
    %dma_start3A_31 = tpu.memref_squeeze %dma_start3A_30 : memref<1x128xi32, #tpu.memory_space<vmem>> -> memref<128xi32, #tpu.memory_space<vmem>>
    %dma_start3A_32 = arith.constant 0 : i32
    %dma_start3A_33 = arith.constant 0 : i32
    %dma_start3A_34 = tpu.memref_slice %arg6[%dma_start3A_32, %dma_start3A_33] : memref<10112x128xf32, #tpu.memory_space<vmem_shared>> -> memref<10112x128xf32, #tpu.memory_space<vmem_shared>>
    tpu.enqueue_indirect_dma source(%dma_start3A_34 : memref<10112x128xf32, #tpu.memory_space<vmem_shared>>) target(%arg8 : memref<128x128xf32, #tpu.memory_space<vmem>>) offsets(%dma_start3A_31 : memref<128xi32, #tpu.memory_space<vmem>>) semaphore(%arg10 : memref<!tpu.dma_semaphore, #tpu.memory_space<semaphore_mem>>)
    %scan3A_35 = arith.constant 0 : i32
    %scan3A_36 = arith.constant 40 : i32
    %scan3A_37 = arith.addi %scan3A_35, %scan3A_36 : i32
    %scan3A_38 = arith.constant 1 : i32
    scf.for %scan3A_40 = %scan3A_35 to %scan3A_37 step %scan3A_38  : i32 {
      %mul3A_41 = arith.constant 2 : i32
      %mul3A_42 = arith.muli %scan3A_40, %mul3A_41 : i32
      %add3A_43 = arith.constant 0 : i32
      %add3A_44 = arith.addi %add3A_43, %mul3A_42 : i32
      %add3A_45 = arith.constant 1 : i32
      %add3A_46 = arith.addi %add3A_44, %add3A_45 : i32
      %dma_start3A_47 = arith.constant 0 : i32
      %dma_start3A_48 = tpu.memref_slice %arg7[%add3A_46, %dma_start3A_47] : memref<80x128xi32, #tpu.memory_space<vmem>> -> memref<1x128xi32, #tpu.memory_space<vmem>>
      %dma_start3A_49 = tpu.memref_squeeze %dma_start3A_48 : memref<1x128xi32, #tpu.memory_space<vmem>> -> memref<128xi32, #tpu.memory_space<vmem>>
      %dma_start3A_50 = arith.constant 0 : i32
      %dma_start3A_51 = arith.constant 0 : i32
      %dma_start3A_52 = tpu.memref_slice %arg6[%dma_start3A_50, %dma_start3A_51] : memref<10112x128xf32, #tpu.memory_space<vmem_shared>> -> memref<10112x128xf32, #tpu.memory_space<vmem_shared>>
      tpu.enqueue_indirect_dma source(%dma_start3A_52 : memref<10112x128xf32, #tpu.memory_space<vmem_shared>>) target(%arg9 : memref<128x128xf32, #tpu.memory_space<vmem>>) offsets(%dma_start3A_49 : memref<128xi32, #tpu.memory_space<vmem>>) semaphore(%arg11 : memref<!tpu.dma_semaphore, #tpu.memory_space<semaphore_mem>>)
      %dma_wait3A = arith.constant 0 : i32
      %dma_wait3A_53 = tpu.memref_slice %arg7[%add3A_44, %dma_wait3A] : memref<80x128xi32, #tpu.memory_space<vmem>> -> memref<1x128xi32, #tpu.memory_space<vmem>>
      %dma_wait3A_54 = tpu.memref_squeeze %dma_wait3A_53 : memref<1x128xi32, #tpu.memory_space<vmem>> -> memref<128xi32, #tpu.memory_space<vmem>>
      %dma_wait3A_55 = arith.constant 0 : i32
      %dma_wait3A_56 = arith.constant 0 : i32
      %dma_wait3A_57 = tpu.memref_slice %arg6[%dma_wait3A_55, %dma_wait3A_56] : memref<10112x128xf32, #tpu.memory_space<vmem_shared>> -> memref<10112x128xf32, #tpu.memory_space<vmem_shared>>
      tpu.wait_indirect_dma semaphore(%arg10 : memref<!tpu.dma_semaphore, #tpu.memory_space<semaphore_mem>>) src(%dma_wait3A_57 : memref<10112x128xf32, #tpu.memory_space<vmem_shared>>) dst(%arg8 : memref<128x128xf32, #tpu.memory_space<vmem>>)
      %add3A_58 = arith.constant 80 : i32
      %add3A_59 = arith.addi %add3A_58, %add3A_44 : i32
      %mul3A_60 = arith.constant 128 : i32
      %mul3A_61 = arith.muli %add3A_59, %mul3A_60 : i32
      %add3A_62 = arith.addi %mul3A_9, %mul3A_61 : i32
      %eq3A = arith.constant 0 : i32
      %eq3A_63 = arith.cmpi eq, %arg0, %eq3A : i32
      %convert_element_type3A = arith.extui %eq3A_63 : i1 to i32
      %cond3A = arith.constant 0 : i32
      %cond3A_64 = arith.cmpi ne, %convert_element_type3A, %cond3A : i32
      scf.if %cond3A_64 {
        "tpu.region"() ({
          %run_scoped3A = tpu.sem_alloc : memref<!tpu.dma_semaphore, #tpu.memory_space<semaphore_mem>>
          %dma_start3A_99 = arith.constant 0 : i32
          %dma_start3A_100 = tpu.memref_slice %arg4[%add3A_62, %dma_start3A_99] : memref<327680x128xf32, #tpu.memory_space<hbm>> -> memref<128x128xf32, #tpu.memory_space<hbm>>
          %dma_start3A_101 = arith.constant 0 : i32
          %dma_start3A_102 = tpu.memref_slice %arg4[%add3A_62, %dma_start3A_101] : memref<327680x128xf32, #tpu.memory_space<hbm>> -> memref<128x128xf32, #tpu.memory_space<hbm>>
          tpu.enqueue_dma source(%arg8 : memref<128x128xf32, #tpu.memory_space<vmem>>) target(%dma_start3A_102 : memref<128x128xf32, #tpu.memory_space<hbm>>) target_semaphore(%run_scoped3A : memref<!tpu.dma_semaphore, #tpu.memory_space<semaphore_mem>>)
          %dma_wait3A_103 = arith.constant 0 : i32
          %dma_wait3A_104 = tpu.memref_slice %arg4[%add3A_62, %dma_wait3A_103] : memref<327680x128xf32, #tpu.memory_space<hbm>> -> memref<128x128xf32, #tpu.memory_space<hbm>>
          %dma_wait3A_105 = arith.constant 0 : i32
          %dma_wait3A_106 = tpu.memref_slice %arg4[%add3A_62, %dma_wait3A_105] : memref<327680x128xf32, #tpu.memory_space<hbm>> -> memref<128x128xf32, #tpu.memory_space<hbm>>
          tpu.wait_dma2 semaphore(%run_scoped3A : memref<!tpu.dma_semaphore, #tpu.memory_space<semaphore_mem>>) src(%arg8 : memref<128x128xf32, #tpu.memory_space<vmem>>) dst(%dma_wait3A_106 : memref<128x128xf32, #tpu.memory_space<hbm>>)
          tpu.yield
        }) : () -> ()
      } else {
      }
      %eq3A_65 = arith.constant 1 : i32
      %eq3A_66 = arith.cmpi eq, %arg0, %eq3A_65 : i32
      %convert_element_type3A_67 = arith.extui %eq3A_66 : i1 to i32
      %cond3A_68 = arith.constant 0 : i32
      %cond3A_69 = arith.cmpi ne, %convert_element_type3A_67, %cond3A_68 : i32
      scf.if %cond3A_69 {
        "tpu.region"() ({
          %run_scoped3A = tpu.sem_alloc : memref<!tpu.dma_semaphore, #tpu.memory_space<semaphore_mem>>
          %dma_start3A_99 = arith.constant 0 : i32
          %dma_start3A_100 = tpu.memref_slice %arg5[%add3A_62, %dma_start3A_99] : memref<327680x128xf32, #tpu.memory_space<hbm>> -> memref<128x128xf32, #tpu.memory_space<hbm>>
          %dma_start3A_101 = arith.constant 0 : i32
          %dma_start3A_102 = tpu.memref_slice %arg5[%add3A_62, %dma_start3A_101] : memref<327680x128xf32, #tpu.memory_space<hbm>> -> memref<128x128xf32, #tpu.memory_space<hbm>>
          tpu.enqueue_dma source(%arg8 : memref<128x128xf32, #tpu.memory_space<vmem>>) target(%dma_start3A_102 : memref<128x128xf32, #tpu.memory_space<hbm>>) target_semaphore(%run_scoped3A : memref<!tpu.dma_semaphore, #tpu.memory_space<semaphore_mem>>)
          %dma_wait3A_103 = arith.constant 0 : i32
          %dma_wait3A_104 = tpu.memref_slice %arg5[%add3A_62, %dma_wait3A_103] : memref<327680x128xf32, #tpu.memory_space<hbm>> -> memref<128x128xf32, #tpu.memory_space<hbm>>
          %dma_wait3A_105 = arith.constant 0 : i32
          %dma_wait3A_106 = tpu.memref_slice %arg5[%add3A_62, %dma_wait3A_105] : memref<327680x128xf32, #tpu.memory_space<hbm>> -> memref<128x128xf32, #tpu.memory_space<hbm>>
          tpu.wait_dma2 semaphore(%run_scoped3A : memref<!tpu.dma_semaphore, #tpu.memory_space<semaphore_mem>>) src(%arg8 : memref<128x128xf32, #tpu.memory_space<vmem>>) dst(%dma_wait3A_106 : memref<128x128xf32, #tpu.memory_space<hbm>>)
          tpu.yield
        }) : () -> ()
      } else {
      }
      %add3A_70 = arith.constant 2 : i32
      %add3A_71 = arith.addi %add3A_44, %add3A_70 : i32
      %lt3A = arith.constant 80 : i32
      %lt3A_72 = arith.cmpi slt, %add3A_71, %lt3A : i32
      %convert_element_type3A_73 = arith.extui %lt3A_72 : i1 to i32
      %cond3A_74 = arith.constant 0 : i32
      %cond3A_75 = arith.cmpi ne, %convert_element_type3A_73, %cond3A_74 : i32
      scf.if %cond3A_75 {
        %add3A_99 = arith.constant 2 : i32
        %add3A_100 = arith.addi %add3A_44, %add3A_99 : i32
        %dma_start3A_101 = arith.constant 0 : i32
        %dma_start3A_102 = tpu.memref_slice %arg7[%add3A_100, %dma_start3A_101] : memref<80x128xi32, #tpu.memory_space<vmem>> -> memref<1x128xi32, #tpu.memory_space<vmem>>
        %dma_start3A_103 = tpu.memref_squeeze %dma_start3A_102 : memref<1x128xi32, #tpu.memory_space<vmem>> -> memref<128xi32, #tpu.memory_space<vmem>>
        %dma_start3A_104 = arith.constant 0 : i32
        %dma_start3A_105 = arith.constant 0 : i32
        %dma_start3A_106 = tpu.memref_slice %arg6[%dma_start3A_104, %dma_start3A_105] : memref<10112x128xf32, #tpu.memory_space<vmem_shared>> -> memref<10112x128xf32, #tpu.memory_space<vmem_shared>>
        tpu.enqueue_indirect_dma source(%dma_start3A_106 : memref<10112x128xf32, #tpu.memory_space<vmem_shared>>) target(%arg8 : memref<128x128xf32, #tpu.memory_space<vmem>>) offsets(%dma_start3A_103 : memref<128xi32, #tpu.memory_space<vmem>>) semaphore(%arg10 : memref<!tpu.dma_semaphore, #tpu.memory_space<semaphore_mem>>)
      } else {
      }
      %add3A_76 = arith.constant 1 : i32
      %add3A_77 = arith.addi %add3A_44, %add3A_76 : i32
      %dma_wait3A_78 = arith.constant 0 : i32
      %dma_wait3A_79 = tpu.memref_slice %arg7[%add3A_77, %dma_wait3A_78] : memref<80x128xi32, #tpu.memory_space<vmem>> -> memref<1x128xi32, #tpu.memory_space<vmem>>
      %dma_wait3A_80 = tpu.memref_squeeze %dma_wait3A_79 : memref<1x128xi32, #tpu.memory_space<vmem>> -> memref<128xi32, #tpu.memory_space<vmem>>
      %dma_wait3A_81 = arith.constant 0 : i32
      %dma_wait3A_82 = arith.constant 0 : i32
      %dma_wait3A_83 = tpu.memref_slice %arg6[%dma_wait3A_81, %dma_wait3A_82] : memref<10112x128xf32, #tpu.memory_space<vmem_shared>> -> memref<10112x128xf32, #tpu.memory_space<vmem_shared>>
      tpu.wait_indirect_dma semaphore(%arg11 : memref<!tpu.dma_semaphore, #tpu.memory_space<semaphore_mem>>) src(%dma_wait3A_83 : memref<10112x128xf32, #tpu.memory_space<vmem_shared>>) dst(%arg9 : memref<128x128xf32, #tpu.memory_space<vmem>>)
      %add3A_84 = arith.constant 80 : i32
      %add3A_85 = arith.addi %add3A_84, %add3A_77 : i32
      %mul3A_86 = arith.constant 128 : i32
      %mul3A_87 = arith.muli %add3A_85, %mul3A_86 : i32
      %add3A_88 = arith.addi %mul3A_9, %mul3A_87 : i32
      %eq3A_89 = arith.constant 0 : i32
      %eq3A_90 = arith.cmpi eq, %arg0, %eq3A_89 : i32
      %convert_element_type3A_91 = arith.extui %eq3A_90 : i1 to i32
      %cond3A_92 = arith.constant 0 : i32
      %cond3A_93 = arith.cmpi ne, %convert_element_type3A_91, %cond3A_92 : i32
      scf.if %cond3A_93 {
        "tpu.region"() ({
          %run_scoped3A = tpu.sem_alloc : memref<!tpu.dma_semaphore, #tpu.memory_space<semaphore_mem>>
          %dma_start3A_99 = arith.constant 0 : i32
          %dma_start3A_100 = tpu.memref_slice %arg4[%add3A_88, %dma_start3A_99] : memref<327680x128xf32, #tpu.memory_space<hbm>> -> memref<128x128xf32, #tpu.memory_space<hbm>>
          %dma_start3A_101 = arith.constant 0 : i32
          %dma_start3A_102 = tpu.memref_slice %arg4[%add3A_88, %dma_start3A_101] : memref<327680x128xf32, #tpu.memory_space<hbm>> -> memref<128x128xf32, #tpu.memory_space<hbm>>
          tpu.enqueue_dma source(%arg9 : memref<128x128xf32, #tpu.memory_space<vmem>>) target(%dma_start3A_102 : memref<128x128xf32, #tpu.memory_space<hbm>>) target_semaphore(%run_scoped3A : memref<!tpu.dma_semaphore, #tpu.memory_space<semaphore_mem>>)
          %dma_wait3A_103 = arith.constant 0 : i32
          %dma_wait3A_104 = tpu.memref_slice %arg4[%add3A_88, %dma_wait3A_103] : memref<327680x128xf32, #tpu.memory_space<hbm>> -> memref<128x128xf32, #tpu.memory_space<hbm>>
          %dma_wait3A_105 = arith.constant 0 : i32
          %dma_wait3A_106 = tpu.memref_slice %arg4[%add3A_88, %dma_wait3A_105] : memref<327680x128xf32, #tpu.memory_space<hbm>> -> memref<128x128xf32, #tpu.memory_space<hbm>>
          tpu.wait_dma2 semaphore(%run_scoped3A : memref<!tpu.dma_semaphore, #tpu.memory_space<semaphore_mem>>) src(%arg9 : memref<128x128xf32, #tpu.memory_space<vmem>>) dst(%dma_wait3A_106 : memref<128x128xf32, #tpu.memory_space<hbm>>)
          tpu.yield
        }) : () -> ()
      } else {
      }
      %eq3A_94 = arith.constant 1 : i32
      %eq3A_95 = arith.cmpi eq, %arg0, %eq3A_94 : i32
      %convert_element_type3A_96 = arith.extui %eq3A_95 : i1 to i32
      %cond3A_97 = arith.constant 0 : i32
      %cond3A_98 = arith.cmpi ne, %convert_element_type3A_96, %cond3A_97 : i32
      scf.if %cond3A_98 {
        "tpu.region"() ({
          %run_scoped3A = tpu.sem_alloc : memref<!tpu.dma_semaphore, #tpu.memory_space<semaphore_mem>>
          %dma_start3A_99 = arith.constant 0 : i32
          %dma_start3A_100 = tpu.memref_slice %arg5[%add3A_88, %dma_start3A_99] : memref<327680x128xf32, #tpu.memory_space<hbm>> -> memref<128x128xf32, #tpu.memory_space<hbm>>
          %dma_start3A_101 = arith.constant 0 : i32
          %dma_start3A_102 = tpu.memref_slice %arg5[%add3A_88, %dma_start3A_101] : memref<327680x128xf32, #tpu.memory_space<hbm>> -> memref<128x128xf32, #tpu.memory_space<hbm>>
          tpu.enqueue_dma source(%arg9 : memref<128x128xf32, #tpu.memory_space<vmem>>) target(%dma_start3A_102 : memref<128x128xf32, #tpu.memory_space<hbm>>) target_semaphore(%run_scoped3A : memref<!tpu.dma_semaphore, #tpu.memory_space<semaphore_mem>>)
          %dma_wait3A_103 = arith.constant 0 : i32
          %dma_wait3A_104 = tpu.memref_slice %arg5[%add3A_88, %dma_wait3A_103] : memref<327680x128xf32, #tpu.memory_space<hbm>> -> memref<128x128xf32, #tpu.memory_space<hbm>>
          %dma_wait3A_105 = arith.constant 0 : i32
          %dma_wait3A_106 = tpu.memref_slice %arg5[%add3A_88, %dma_wait3A_105] : memref<327680x128xf32, #tpu.memory_space<hbm>> -> memref<128x128xf32, #tpu.memory_space<hbm>>
          tpu.wait_dma2 semaphore(%run_scoped3A : memref<!tpu.dma_semaphore, #tpu.memory_space<semaphore_mem>>) src(%arg9 : memref<128x128xf32, #tpu.memory_space<vmem>>) dst(%dma_wait3A_106 : memref<128x128xf32, #tpu.memory_space<hbm>>)
          tpu.yield
        }) : () -> ()
      } else {
      }
    }
    %scan3A_39 = arith.constant 40 : i32
    return
  }
}

#map = affine_map<(d0, d1) -> (0, 0)>
#map1 = affine_map<(d0, d1) -> (0)>
module attributes {stable_mosaic.version = 14 : i64} {
  func.func @k(%arg0: i32, %arg1: i32, %arg2: memref<16x327680xf32, #tpu.memory_space<hbm>>, %arg3: memref<2560x128xi32, #tpu.memory_space<hbm>>, %arg4: memref<40448xf32, #tpu.memory_space<hbm>>, %arg5: memref<1294336xf32, #tpu.memory_space<hbm>>, %arg6: memref<40448xf32, #tpu.memory_space<vmem>>, %arg7: memref<80x128xi32, #tpu.memory_space<vmem>>, %arg8: memref<16x128xf32, #tpu.memory_space<vmem>>, %arg9: memref<16x128xf32, #tpu.memory_space<vmem>>, %arg10: memref<!tpu.dma_semaphore, #tpu.memory_space<semaphore_mem>>, %arg11: memref<!tpu.dma_semaphore, #tpu.memory_space<semaphore_mem>>) attributes {dimension_semantics = [#tpu.dimension_semantics<core_parallel>, #tpu.dimension_semantics<subcore_parallel>], iteration_bounds = array<i64: 2, 16>, scalar_prefetch = 0 : i64, scratch_operands = 6 : i64, tpu.core_type = #tpu.core_type<sc_vector_subcore>, window_params = [{transform_indices = #map}, {transform_indices = #map}, {transform_indices = #map1}, {transform_indices = #map1}]} {
    %mul3A = arith.constant 16 : i32
    %mul3A_0 = arith.muli %arg0, %mul3A : i32
    %add3A = arith.addi %mul3A_0, %arg1 : i32
    "tpu.region"() ({
      %run_scoped3A = tpu.sem_alloc : memref<!tpu.dma_semaphore, #tpu.memory_space<semaphore_mem>>
      tpu.enqueue_dma source(%arg4 : memref<40448xf32, #tpu.memory_space<hbm>>) target(%arg6 : memref<40448xf32, #tpu.memory_space<vmem>>) target_semaphore(%run_scoped3A : memref<!tpu.dma_semaphore, #tpu.memory_space<semaphore_mem>>)
      tpu.wait_dma2 semaphore(%run_scoped3A : memref<!tpu.dma_semaphore, #tpu.memory_space<semaphore_mem>>) src(%arg4 : memref<40448xf32, #tpu.memory_space<hbm>>) dst(%arg6 : memref<40448xf32, #tpu.memory_space<vmem>>)
      tpu.yield
    }) : () -> ()
    %mul3A_1 = arith.constant 80 : i32
    %mul3A_2 = arith.muli %add3A, %mul3A_1 : i32
    "tpu.region"() ({
      %run_scoped3A = tpu.sem_alloc : memref<!tpu.dma_semaphore, #tpu.memory_space<semaphore_mem>>
      %dma_start3A_16 = arith.constant 0 : i32
      %dma_start3A_17 = tpu.memref_slice %arg3[%mul3A_2, %dma_start3A_16] : memref<2560x128xi32, #tpu.memory_space<hbm>> -> memref<80x128xi32, #tpu.memory_space<hbm>>
      %dma_start3A_18 = arith.constant 0 : i32
      %dma_start3A_19 = tpu.memref_slice %arg3[%mul3A_2, %dma_start3A_18] : memref<2560x128xi32, #tpu.memory_space<hbm>> -> memref<80x128xi32, #tpu.memory_space<hbm>>
      tpu.enqueue_dma source(%dma_start3A_19 : memref<80x128xi32, #tpu.memory_space<hbm>>) target(%arg7 : memref<80x128xi32, #tpu.memory_space<vmem>>) target_semaphore(%run_scoped3A : memref<!tpu.dma_semaphore, #tpu.memory_space<semaphore_mem>>)
      %dma_wait3A = arith.constant 0 : i32
      %dma_wait3A_20 = tpu.memref_slice %arg3[%mul3A_2, %dma_wait3A] : memref<2560x128xi32, #tpu.memory_space<hbm>> -> memref<80x128xi32, #tpu.memory_space<hbm>>
      %dma_wait3A_21 = arith.constant 0 : i32
      %dma_wait3A_22 = tpu.memref_slice %arg3[%mul3A_2, %dma_wait3A_21] : memref<2560x128xi32, #tpu.memory_space<hbm>> -> memref<80x128xi32, #tpu.memory_space<hbm>>
      tpu.wait_dma2 semaphore(%run_scoped3A : memref<!tpu.dma_semaphore, #tpu.memory_space<semaphore_mem>>) src(%dma_wait3A_22 : memref<80x128xi32, #tpu.memory_space<hbm>>) dst(%arg7 : memref<80x128xi32, #tpu.memory_space<vmem>>)
      tpu.yield
    }) : () -> ()
    %mul3A_3 = arith.constant 10240 : i32
    %mul3A_4 = arith.muli %add3A, %mul3A_3 : i32
    %add3A_5 = arith.constant 0 : i32
    %add3A_6 = arith.addi %mul3A_4, %add3A_5 : i32
    %dma_start3A = arith.constant 0 : i32
    %dma_start3A_7 = tpu.memref_slice %arg2[%dma_start3A, %add3A_6] : memref<16x327680xf32, #tpu.memory_space<hbm>> -> memref<16x128xf32, #tpu.memory_space<hbm>>
    %dma_start3A_8 = arith.constant 0 : i32
    %dma_start3A_9 = tpu.memref_slice %arg2[%dma_start3A_8, %add3A_6] : memref<16x327680xf32, #tpu.memory_space<hbm>> -> memref<16x128xf32, #tpu.memory_space<hbm>>
    tpu.enqueue_dma source(%dma_start3A_9 : memref<16x128xf32, #tpu.memory_space<hbm>>) target(%arg8 : memref<16x128xf32, #tpu.memory_space<vmem>>) target_semaphore(%arg10 : memref<!tpu.dma_semaphore, #tpu.memory_space<semaphore_mem>>)
    %scan3A = arith.constant 0 : i32
    %scan3A_10 = arith.constant 40 : i32
    %scan3A_11 = arith.addi %scan3A, %scan3A_10 : i32
    %scan3A_12 = arith.constant 1 : i32
    scf.for %scan3A_16 = %scan3A to %scan3A_11 step %scan3A_12  : i32 {
      %mul3A_17 = arith.constant 2 : i32
      %mul3A_18 = arith.muli %scan3A_16, %mul3A_17 : i32
      %add3A_19 = arith.constant 0 : i32
      %add3A_20 = arith.addi %add3A_19, %mul3A_18 : i32
      %add3A_21 = arith.constant 1 : i32
      %add3A_22 = arith.addi %add3A_20, %add3A_21 : i32
      %mul3A_23 = arith.constant 128 : i32
      %mul3A_24 = arith.muli %add3A_22, %mul3A_23 : i32
      %add3A_25 = arith.addi %mul3A_4, %mul3A_24 : i32
      %dma_start3A_26 = arith.constant 0 : i32
      %dma_start3A_27 = tpu.memref_slice %arg2[%dma_start3A_26, %add3A_25] : memref<16x327680xf32, #tpu.memory_space<hbm>> -> memref<16x128xf32, #tpu.memory_space<hbm>>
      %dma_start3A_28 = arith.constant 0 : i32
      %dma_start3A_29 = tpu.memref_slice %arg2[%dma_start3A_28, %add3A_25] : memref<16x327680xf32, #tpu.memory_space<hbm>> -> memref<16x128xf32, #tpu.memory_space<hbm>>
      tpu.enqueue_dma source(%dma_start3A_29 : memref<16x128xf32, #tpu.memory_space<hbm>>) target(%arg9 : memref<16x128xf32, #tpu.memory_space<vmem>>) target_semaphore(%arg11 : memref<!tpu.dma_semaphore, #tpu.memory_space<semaphore_mem>>)
      %mul3A_30 = arith.constant 128 : i32
      %mul3A_31 = arith.muli %add3A_20, %mul3A_30 : i32
      %add3A_32 = arith.addi %mul3A_4, %mul3A_31 : i32
      %dma_wait3A = arith.constant 0 : i32
      %dma_wait3A_33 = tpu.memref_slice %arg2[%dma_wait3A, %add3A_32] : memref<16x327680xf32, #tpu.memory_space<hbm>> -> memref<16x128xf32, #tpu.memory_space<hbm>>
      %dma_wait3A_34 = arith.constant 0 : i32
      %dma_wait3A_35 = tpu.memref_slice %arg2[%dma_wait3A_34, %add3A_32] : memref<16x327680xf32, #tpu.memory_space<hbm>> -> memref<16x128xf32, #tpu.memory_space<hbm>>
      tpu.wait_dma2 semaphore(%arg10 : memref<!tpu.dma_semaphore, #tpu.memory_space<semaphore_mem>>) src(%dma_wait3A_35 : memref<16x128xf32, #tpu.memory_space<hbm>>) dst(%arg8 : memref<16x128xf32, #tpu.memory_space<vmem>>)
      %get3A = arith.index_cast %add3A_20 : i32 to index
      %get3A_36 = arith.constant 0 : index
      %get3A_37 = tpu.vector_load %arg7[%get3A, %get3A_36] {strides = array<i32>} : memref<80x128xi32, #tpu.memory_space<vmem>>, vector<16xi32>,
      %get3A_38 = arith.constant 0 : i32
      %get3A_39 = arith.index_cast %get3A_38 : i32 to index
      %get3A_40 = arith.constant 0 : index
      %get3A_41 = tpu.vector_load %arg8[%get3A_39, %get3A_40] {strides = array<i32>} : memref<16x128xf32, #tpu.memory_space<vmem>>, vector<16xf32>,
      %mul3A_42 = arith.constant 4 : i32
      %mul3A_43 = vector.broadcast %mul3A_42 : i32 to vector<16xi32>
      %mul3A_44 = arith.muli %get3A_37, %mul3A_43 : vector<16xi32>
      %add3A_45 = arith.constant 0 : i32
      %add3A_46 = vector.broadcast %add3A_45 : i32 to vector<16xi32>
      %add3A_47 = arith.addi %mul3A_44, %add3A_46 : vector<16xi32>
      tpu.vector_store_idx %arg6[%add3A_47], %get3A_41 {add = true} : memref<40448xf32, #tpu.memory_space<vmem>>[vector<16xi32>], vector<16xf32>,
      %get3A_48 = arith.constant 1 : i32
      %get3A_49 = arith.index_cast %get3A_48 : i32 to index
      %get3A_50 = arith.constant 0 : index
      %get3A_51 = tpu.vector_load %arg8[%get3A_49, %get3A_50] {strides = array<i32>} : memref<16x128xf32, #tpu.memory_space<vmem>>, vector<16xf32>,
      %mul3A_52 = arith.constant 4 : i32
      %mul3A_53 = vector.broadcast %mul3A_52 : i32 to vector<16xi32>
      %mul3A_54 = arith.muli %get3A_37, %mul3A_53 : vector<16xi32>
      %add3A_55 = arith.constant 1 : i32
      %add3A_56 = vector.broadcast %add3A_55 : i32 to vector<16xi32>
      %add3A_57 = arith.addi %mul3A_54, %add3A_56 : vector<16xi32>
      tpu.vector_store_idx %arg6[%add3A_57], %get3A_51 {add = true} : memref<40448xf32, #tpu.memory_space<vmem>>[vector<16xi32>], vector<16xf32>,
      %get3A_58 = arith.constant 2 : i32
      %get3A_59 = arith.index_cast %get3A_58 : i32 to index
      %get3A_60 = arith.constant 0 : index
      %get3A_61 = tpu.vector_load %arg8[%get3A_59, %get3A_60] {strides = array<i32>} : memref<16x128xf32, #tpu.memory_space<vmem>>, vector<16xf32>,
      %mul3A_62 = arith.constant 4 : i32
      %mul3A_63 = vector.broadcast %mul3A_62 : i32 to vector<16xi32>
      %mul3A_64 = arith.muli %get3A_37, %mul3A_63 : vector<16xi32>
      %add3A_65 = arith.constant 2 : i32
      %add3A_66 = vector.broadcast %add3A_65 : i32 to vector<16xi32>
      %add3A_67 = arith.addi %mul3A_64, %add3A_66 : vector<16xi32>
      tpu.vector_store_idx %arg6[%add3A_67], %get3A_61 {add = true} : memref<40448xf32, #tpu.memory_space<vmem>>[vector<16xi32>], vector<16xf32>,
      %get3A_68 = arith.index_cast %add3A_20 : i32 to index
      %get3A_69 = arith.constant 16 : index
      %get3A_70 = tpu.vector_load %arg7[%get3A_68, %get3A_69] {strides = array<i32>} : memref<80x128xi32, #tpu.memory_space<vmem>>, vector<16xi32>,
      %get3A_71 = arith.constant 0 : i32
      %get3A_72 = arith.index_cast %get3A_71 : i32 to index
      %get3A_73 = arith.constant 16 : index
      %get3A_74 = tpu.vector_load %arg8[%get3A_72, %get3A_73] {strides = array<i32>} : memref<16x128xf32, #tpu.memory_space<vmem>>, vector<16xf32>,
      %mul3A_75 = arith.constant 4 : i32
      %mul3A_76 = vector.broadcast %mul3A_75 : i32 to vector<16xi32>
      %mul3A_77 = arith.muli %get3A_70, %mul3A_76 : vector<16xi32>
      %add3A_78 = arith.constant 0 : i32
      %add3A_79 = vector.broadcast %add3A_78 : i32 to vector<16xi32>
      %add3A_80 = arith.addi %mul3A_77, %add3A_79 : vector<16xi32>
      tpu.vector_store_idx %arg6[%add3A_80], %get3A_74 {add = true} : memref<40448xf32, #tpu.memory_space<vmem>>[vector<16xi32>], vector<16xf32>,
      %get3A_81 = arith.constant 1 : i32
      %get3A_82 = arith.index_cast %get3A_81 : i32 to index
      %get3A_83 = arith.constant 16 : index
      %get3A_84 = tpu.vector_load %arg8[%get3A_82, %get3A_83] {strides = array<i32>} : memref<16x128xf32, #tpu.memory_space<vmem>>, vector<16xf32>,
      %mul3A_85 = arith.constant 4 : i32
      %mul3A_86 = vector.broadcast %mul3A_85 : i32 to vector<16xi32>
      %mul3A_87 = arith.muli %get3A_70, %mul3A_86 : vector<16xi32>
      %add3A_88 = arith.constant 1 : i32
      %add3A_89 = vector.broadcast %add3A_88 : i32 to vector<16xi32>
      %add3A_90 = arith.addi %mul3A_87, %add3A_89 : vector<16xi32>
      tpu.vector_store_idx %arg6[%add3A_90], %get3A_84 {add = true} : memref<40448xf32, #tpu.memory_space<vmem>>[vector<16xi32>], vector<16xf32>,
      %get3A_91 = arith.constant 2 : i32
      %get3A_92 = arith.index_cast %get3A_91 : i32 to index
      %get3A_93 = arith.constant 16 : index
      %get3A_94 = tpu.vector_load %arg8[%get3A_92, %get3A_93] {strides = array<i32>} : memref<16x128xf32, #tpu.memory_space<vmem>>, vector<16xf32>,
      %mul3A_95 = arith.constant 4 : i32
      %mul3A_96 = vector.broadcast %mul3A_95 : i32 to vector<16xi32>
      %mul3A_97 = arith.muli %get3A_70, %mul3A_96 : vector<16xi32>
      %add3A_98 = arith.constant 2 : i32
      %add3A_99 = vector.broadcast %add3A_98 : i32 to vector<16xi32>
      %add3A_100 = arith.addi %mul3A_97, %add3A_99 : vector<16xi32>
      tpu.vector_store_idx %arg6[%add3A_100], %get3A_94 {add = true} : memref<40448xf32, #tpu.memory_space<vmem>>[vector<16xi32>], vector<16xf32>,
      %get3A_101 = arith.index_cast %add3A_20 : i32 to index
      %get3A_102 = arith.constant 32 : index
      %get3A_103 = tpu.vector_load %arg7[%get3A_101, %get3A_102] {strides = array<i32>} : memref<80x128xi32, #tpu.memory_space<vmem>>, vector<16xi32>,
      %get3A_104 = arith.constant 0 : i32
      %get3A_105 = arith.index_cast %get3A_104 : i32 to index
      %get3A_106 = arith.constant 32 : index
      %get3A_107 = tpu.vector_load %arg8[%get3A_105, %get3A_106] {strides = array<i32>} : memref<16x128xf32, #tpu.memory_space<vmem>>, vector<16xf32>,
      %mul3A_108 = arith.constant 4 : i32
      %mul3A_109 = vector.broadcast %mul3A_108 : i32 to vector<16xi32>
      %mul3A_110 = arith.muli %get3A_103, %mul3A_109 : vector<16xi32>
      %add3A_111 = arith.constant 0 : i32
      %add3A_112 = vector.broadcast %add3A_111 : i32 to vector<16xi32>
      %add3A_113 = arith.addi %mul3A_110, %add3A_112 : vector<16xi32>
      tpu.vector_store_idx %arg6[%add3A_113], %get3A_107 {add = true} : memref<40448xf32, #tpu.memory_space<vmem>>[vector<16xi32>], vector<16xf32>,
      %get3A_114 = arith.constant 1 : i32
      %get3A_115 = arith.index_cast %get3A_114 : i32 to index
      %get3A_116 = arith.constant 32 : index
      %get3A_117 = tpu.vector_load %arg8[%get3A_115, %get3A_116] {strides = array<i32>} : memref<16x128xf32, #tpu.memory_space<vmem>>, vector<16xf32>,
      %mul3A_118 = arith.constant 4 : i32
      %mul3A_119 = vector.broadcast %mul3A_118 : i32 to vector<16xi32>
      %mul3A_120 = arith.muli %get3A_103, %mul3A_119 : vector<16xi32>
      %add3A_121 = arith.constant 1 : i32
      %add3A_122 = vector.broadcast %add3A_121 : i32 to vector<16xi32>
      %add3A_123 = arith.addi %mul3A_120, %add3A_122 : vector<16xi32>
      tpu.vector_store_idx %arg6[%add3A_123], %get3A_117 {add = true} : memref<40448xf32, #tpu.memory_space<vmem>>[vector<16xi32>], vector<16xf32>,
      %get3A_124 = arith.constant 2 : i32
      %get3A_125 = arith.index_cast %get3A_124 : i32 to index
      %get3A_126 = arith.constant 32 : index
      %get3A_127 = tpu.vector_load %arg8[%get3A_125, %get3A_126] {strides = array<i32>} : memref<16x128xf32, #tpu.memory_space<vmem>>, vector<16xf32>,
      %mul3A_128 = arith.constant 4 : i32
      %mul3A_129 = vector.broadcast %mul3A_128 : i32 to vector<16xi32>
      %mul3A_130 = arith.muli %get3A_103, %mul3A_129 : vector<16xi32>
      %add3A_131 = arith.constant 2 : i32
      %add3A_132 = vector.broadcast %add3A_131 : i32 to vector<16xi32>
      %add3A_133 = arith.addi %mul3A_130, %add3A_132 : vector<16xi32>
      tpu.vector_store_idx %arg6[%add3A_133], %get3A_127 {add = true} : memref<40448xf32, #tpu.memory_space<vmem>>[vector<16xi32>], vector<16xf32>,
      %get3A_134 = arith.index_cast %add3A_20 : i32 to index
      %get3A_135 = arith.constant 48 : index
      %get3A_136 = tpu.vector_load %arg7[%get3A_134, %get3A_135] {strides = array<i32>} : memref<80x128xi32, #tpu.memory_space<vmem>>, vector<16xi32>,
      %get3A_137 = arith.constant 0 : i32
      %get3A_138 = arith.index_cast %get3A_137 : i32 to index
      %get3A_139 = arith.constant 48 : index
      %get3A_140 = tpu.vector_load %arg8[%get3A_138, %get3A_139] {strides = array<i32>} : memref<16x128xf32, #tpu.memory_space<vmem>>, vector<16xf32>,
      %mul3A_141 = arith.constant 4 : i32
      %mul3A_142 = vector.broadcast %mul3A_141 : i32 to vector<16xi32>
      %mul3A_143 = arith.muli %get3A_136, %mul3A_142 : vector<16xi32>
      %add3A_144 = arith.constant 0 : i32
      %add3A_145 = vector.broadcast %add3A_144 : i32 to vector<16xi32>
      %add3A_146 = arith.addi %mul3A_143, %add3A_145 : vector<16xi32>
      tpu.vector_store_idx %arg6[%add3A_146], %get3A_140 {add = true} : memref<40448xf32, #tpu.memory_space<vmem>>[vector<16xi32>], vector<16xf32>,
      %get3A_147 = arith.constant 1 : i32
      %get3A_148 = arith.index_cast %get3A_147 : i32 to index
      %get3A_149 = arith.constant 48 : index
      %get3A_150 = tpu.vector_load %arg8[%get3A_148, %get3A_149] {strides = array<i32>} : memref<16x128xf32, #tpu.memory_space<vmem>>, vector<16xf32>,
      %mul3A_151 = arith.constant 4 : i32
      %mul3A_152 = vector.broadcast %mul3A_151 : i32 to vector<16xi32>
      %mul3A_153 = arith.muli %get3A_136, %mul3A_152 : vector<16xi32>
      %add3A_154 = arith.constant 1 : i32
      %add3A_155 = vector.broadcast %add3A_154 : i32 to vector<16xi32>
      %add3A_156 = arith.addi %mul3A_153, %add3A_155 : vector<16xi32>
      tpu.vector_store_idx %arg6[%add3A_156], %get3A_150 {add = true} : memref<40448xf32, #tpu.memory_space<vmem>>[vector<16xi32>], vector<16xf32>,
      %get3A_157 = arith.constant 2 : i32
      %get3A_158 = arith.index_cast %get3A_157 : i32 to index
      %get3A_159 = arith.constant 48 : index
      %get3A_160 = tpu.vector_load %arg8[%get3A_158, %get3A_159] {strides = array<i32>} : memref<16x128xf32, #tpu.memory_space<vmem>>, vector<16xf32>,
      %mul3A_161 = arith.constant 4 : i32
      %mul3A_162 = vector.broadcast %mul3A_161 : i32 to vector<16xi32>
      %mul3A_163 = arith.muli %get3A_136, %mul3A_162 : vector<16xi32>
      %add3A_164 = arith.constant 2 : i32
      %add3A_165 = vector.broadcast %add3A_164 : i32 to vector<16xi32>
      %add3A_166 = arith.addi %mul3A_163, %add3A_165 : vector<16xi32>
      tpu.vector_store_idx %arg6[%add3A_166], %get3A_160 {add = true} : memref<40448xf32, #tpu.memory_space<vmem>>[vector<16xi32>], vector<16xf32>,
      %get3A_167 = arith.index_cast %add3A_20 : i32 to index
      %get3A_168 = arith.constant 64 : index
      %get3A_169 = tpu.vector_load %arg7[%get3A_167, %get3A_168] {strides = array<i32>} : memref<80x128xi32, #tpu.memory_space<vmem>>, vector<16xi32>,
      %get3A_170 = arith.constant 0 : i32
      %get3A_171 = arith.index_cast %get3A_170 : i32 to index
      %get3A_172 = arith.constant 64 : index
      %get3A_173 = tpu.vector_load %arg8[%get3A_171, %get3A_172] {strides = array<i32>} : memref<16x128xf32, #tpu.memory_space<vmem>>, vector<16xf32>,
      %mul3A_174 = arith.constant 4 : i32
      %mul3A_175 = vector.broadcast %mul3A_174 : i32 to vector<16xi32>
      %mul3A_176 = arith.muli %get3A_169, %mul3A_175 : vector<16xi32>
      %add3A_177 = arith.constant 0 : i32
      %add3A_178 = vector.broadcast %add3A_177 : i32 to vector<16xi32>
      %add3A_179 = arith.addi %mul3A_176, %add3A_178 : vector<16xi32>
      tpu.vector_store_idx %arg6[%add3A_179], %get3A_173 {add = true} : memref<40448xf32, #tpu.memory_space<vmem>>[vector<16xi32>], vector<16xf32>,
      %get3A_180 = arith.constant 1 : i32
      %get3A_181 = arith.index_cast %get3A_180 : i32 to index
      %get3A_182 = arith.constant 64 : index
      %get3A_183 = tpu.vector_load %arg8[%get3A_181, %get3A_182] {strides = array<i32>} : memref<16x128xf32, #tpu.memory_space<vmem>>, vector<16xf32>,
      %mul3A_184 = arith.constant 4 : i32
      %mul3A_185 = vector.broadcast %mul3A_184 : i32 to vector<16xi32>
      %mul3A_186 = arith.muli %get3A_169, %mul3A_185 : vector<16xi32>
      %add3A_187 = arith.constant 1 : i32
      %add3A_188 = vector.broadcast %add3A_187 : i32 to vector<16xi32>
      %add3A_189 = arith.addi %mul3A_186, %add3A_188 : vector<16xi32>
      tpu.vector_store_idx %arg6[%add3A_189], %get3A_183 {add = true} : memref<40448xf32, #tpu.memory_space<vmem>>[vector<16xi32>], vector<16xf32>,
      %get3A_190 = arith.constant 2 : i32
      %get3A_191 = arith.index_cast %get3A_190 : i32 to index
      %get3A_192 = arith.constant 64 : index
      %get3A_193 = tpu.vector_load %arg8[%get3A_191, %get3A_192] {strides = array<i32>} : memref<16x128xf32, #tpu.memory_space<vmem>>, vector<16xf32>,
      %mul3A_194 = arith.constant 4 : i32
      %mul3A_195 = vector.broadcast %mul3A_194 : i32 to vector<16xi32>
      %mul3A_196 = arith.muli %get3A_169, %mul3A_195 : vector<16xi32>
      %add3A_197 = arith.constant 2 : i32
      %add3A_198 = vector.broadcast %add3A_197 : i32 to vector<16xi32>
      %add3A_199 = arith.addi %mul3A_196, %add3A_198 : vector<16xi32>
      tpu.vector_store_idx %arg6[%add3A_199], %get3A_193 {add = true} : memref<40448xf32, #tpu.memory_space<vmem>>[vector<16xi32>], vector<16xf32>,
      %get3A_200 = arith.index_cast %add3A_20 : i32 to index
      %get3A_201 = arith.constant 80 : index
      %get3A_202 = tpu.vector_load %arg7[%get3A_200, %get3A_201] {strides = array<i32>} : memref<80x128xi32, #tpu.memory_space<vmem>>, vector<16xi32>,
      %get3A_203 = arith.constant 0 : i32
      %get3A_204 = arith.index_cast %get3A_203 : i32 to index
      %get3A_205 = arith.constant 80 : index
      %get3A_206 = tpu.vector_load %arg8[%get3A_204, %get3A_205] {strides = array<i32>} : memref<16x128xf32, #tpu.memory_space<vmem>>, vector<16xf32>,
      %mul3A_207 = arith.constant 4 : i32
      %mul3A_208 = vector.broadcast %mul3A_207 : i32 to vector<16xi32>
      %mul3A_209 = arith.muli %get3A_202, %mul3A_208 : vector<16xi32>
      %add3A_210 = arith.constant 0 : i32
      %add3A_211 = vector.broadcast %add3A_210 : i32 to vector<16xi32>
      %add3A_212 = arith.addi %mul3A_209, %add3A_211 : vector<16xi32>
      tpu.vector_store_idx %arg6[%add3A_212], %get3A_206 {add = true} : memref<40448xf32, #tpu.memory_space<vmem>>[vector<16xi32>], vector<16xf32>,
      %get3A_213 = arith.constant 1 : i32
      %get3A_214 = arith.index_cast %get3A_213 : i32 to index
      %get3A_215 = arith.constant 80 : index
      %get3A_216 = tpu.vector_load %arg8[%get3A_214, %get3A_215] {strides = array<i32>} : memref<16x128xf32, #tpu.memory_space<vmem>>, vector<16xf32>,
      %mul3A_217 = arith.constant 4 : i32
      %mul3A_218 = vector.broadcast %mul3A_217 : i32 to vector<16xi32>
      %mul3A_219 = arith.muli %get3A_202, %mul3A_218 : vector<16xi32>
      %add3A_220 = arith.constant 1 : i32
      %add3A_221 = vector.broadcast %add3A_220 : i32 to vector<16xi32>
      %add3A_222 = arith.addi %mul3A_219, %add3A_221 : vector<16xi32>
      tpu.vector_store_idx %arg6[%add3A_222], %get3A_216 {add = true} : memref<40448xf32, #tpu.memory_space<vmem>>[vector<16xi32>], vector<16xf32>,
      %get3A_223 = arith.constant 2 : i32
      %get3A_224 = arith.index_cast %get3A_223 : i32 to index
      %get3A_225 = arith.constant 80 : index
      %get3A_226 = tpu.vector_load %arg8[%get3A_224, %get3A_225] {strides = array<i32>} : memref<16x128xf32, #tpu.memory_space<vmem>>, vector<16xf32>,
      %mul3A_227 = arith.constant 4 : i32
      %mul3A_228 = vector.broadcast %mul3A_227 : i32 to vector<16xi32>
      %mul3A_229 = arith.muli %get3A_202, %mul3A_228 : vector<16xi32>
      %add3A_230 = arith.constant 2 : i32
      %add3A_231 = vector.broadcast %add3A_230 : i32 to vector<16xi32>
      %add3A_232 = arith.addi %mul3A_229, %add3A_231 : vector<16xi32>
      tpu.vector_store_idx %arg6[%add3A_232], %get3A_226 {add = true} : memref<40448xf32, #tpu.memory_space<vmem>>[vector<16xi32>], vector<16xf32>,
      %get3A_233 = arith.index_cast %add3A_20 : i32 to index
      %get3A_234 = arith.constant 96 : index
      %get3A_235 = tpu.vector_load %arg7[%get3A_233, %get3A_234] {strides = array<i32>} : memref<80x128xi32, #tpu.memory_space<vmem>>, vector<16xi32>,
      %get3A_236 = arith.constant 0 : i32
      %get3A_237 = arith.index_cast %get3A_236 : i32 to index
      %get3A_238 = arith.constant 96 : index
      %get3A_239 = tpu.vector_load %arg8[%get3A_237, %get3A_238] {strides = array<i32>} : memref<16x128xf32, #tpu.memory_space<vmem>>, vector<16xf32>,
      %mul3A_240 = arith.constant 4 : i32
      %mul3A_241 = vector.broadcast %mul3A_240 : i32 to vector<16xi32>
      %mul3A_242 = arith.muli %get3A_235, %mul3A_241 : vector<16xi32>
      %add3A_243 = arith.constant 0 : i32
      %add3A_244 = vector.broadcast %add3A_243 : i32 to vector<16xi32>
      %add3A_245 = arith.addi %mul3A_242, %add3A_244 : vector<16xi32>
      tpu.vector_store_idx %arg6[%add3A_245], %get3A_239 {add = true} : memref<40448xf32, #tpu.memory_space<vmem>>[vector<16xi32>], vector<16xf32>,
      %get3A_246 = arith.constant 1 : i32
      %get3A_247 = arith.index_cast %get3A_246 : i32 to index
      %get3A_248 = arith.constant 96 : index
      %get3A_249 = tpu.vector_load %arg8[%get3A_247, %get3A_248] {strides = array<i32>} : memref<16x128xf32, #tpu.memory_space<vmem>>, vector<16xf32>,
      %mul3A_250 = arith.constant 4 : i32
      %mul3A_251 = vector.broadcast %mul3A_250 : i32 to vector<16xi32>
      %mul3A_252 = arith.muli %get3A_235, %mul3A_251 : vector<16xi32>
      %add3A_253 = arith.constant 1 : i32
      %add3A_254 = vector.broadcast %add3A_253 : i32 to vector<16xi32>
      %add3A_255 = arith.addi %mul3A_252, %add3A_254 : vector<16xi32>
      tpu.vector_store_idx %arg6[%add3A_255], %get3A_249 {add = true} : memref<40448xf32, #tpu.memory_space<vmem>>[vector<16xi32>], vector<16xf32>,
      %get3A_256 = arith.constant 2 : i32
      %get3A_257 = arith.index_cast %get3A_256 : i32 to index
      %get3A_258 = arith.constant 96 : index
      %get3A_259 = tpu.vector_load %arg8[%get3A_257, %get3A_258] {strides = array<i32>} : memref<16x128xf32, #tpu.memory_space<vmem>>, vector<16xf32>,
      %mul3A_260 = arith.constant 4 : i32
      %mul3A_261 = vector.broadcast %mul3A_260 : i32 to vector<16xi32>
      %mul3A_262 = arith.muli %get3A_235, %mul3A_261 : vector<16xi32>
      %add3A_263 = arith.constant 2 : i32
      %add3A_264 = vector.broadcast %add3A_263 : i32 to vector<16xi32>
      %add3A_265 = arith.addi %mul3A_262, %add3A_264 : vector<16xi32>
      tpu.vector_store_idx %arg6[%add3A_265], %get3A_259 {add = true} : memref<40448xf32, #tpu.memory_space<vmem>>[vector<16xi32>], vector<16xf32>,
      %get3A_266 = arith.index_cast %add3A_20 : i32 to index
      %get3A_267 = arith.constant 112 : index
      %get3A_268 = tpu.vector_load %arg7[%get3A_266, %get3A_267] {strides = array<i32>} : memref<80x128xi32, #tpu.memory_space<vmem>>, vector<16xi32>,
      %get3A_269 = arith.constant 0 : i32
      %get3A_270 = arith.index_cast %get3A_269 : i32 to index
      %get3A_271 = arith.constant 112 : index
      %get3A_272 = tpu.vector_load %arg8[%get3A_270, %get3A_271] {strides = array<i32>} : memref<16x128xf32, #tpu.memory_space<vmem>>, vector<16xf32>,
      %mul3A_273 = arith.constant 4 : i32
      %mul3A_274 = vector.broadcast %mul3A_273 : i32 to vector<16xi32>
      %mul3A_275 = arith.muli %get3A_268, %mul3A_274 : vector<16xi32>
      %add3A_276 = arith.constant 0 : i32
      %add3A_277 = vector.broadcast %add3A_276 : i32 to vector<16xi32>
      %add3A_278 = arith.addi %mul3A_275, %add3A_277 : vector<16xi32>
      tpu.vector_store_idx %arg6[%add3A_278], %get3A_272 {add = true} : memref<40448xf32, #tpu.memory_space<vmem>>[vector<16xi32>], vector<16xf32>,
      %get3A_279 = arith.constant 1 : i32
      %get3A_280 = arith.index_cast %get3A_279 : i32 to index
      %get3A_281 = arith.constant 112 : index
      %get3A_282 = tpu.vector_load %arg8[%get3A_280, %get3A_281] {strides = array<i32>} : memref<16x128xf32, #tpu.memory_space<vmem>>, vector<16xf32>,
      %mul3A_283 = arith.constant 4 : i32
      %mul3A_284 = vector.broadcast %mul3A_283 : i32 to vector<16xi32>
      %mul3A_285 = arith.muli %get3A_268, %mul3A_284 : vector<16xi32>
      %add3A_286 = arith.constant 1 : i32
      %add3A_287 = vector.broadcast %add3A_286 : i32 to vector<16xi32>
      %add3A_288 = arith.addi %mul3A_285, %add3A_287 : vector<16xi32>
      tpu.vector_store_idx %arg6[%add3A_288], %get3A_282 {add = true} : memref<40448xf32, #tpu.memory_space<vmem>>[vector<16xi32>], vector<16xf32>,
      %get3A_289 = arith.constant 2 : i32
      %get3A_290 = arith.index_cast %get3A_289 : i32 to index
      %get3A_291 = arith.constant 112 : index
      %get3A_292 = tpu.vector_load %arg8[%get3A_290, %get3A_291] {strides = array<i32>} : memref<16x128xf32, #tpu.memory_space<vmem>>, vector<16xf32>,
      %mul3A_293 = arith.constant 4 : i32
      %mul3A_294 = vector.broadcast %mul3A_293 : i32 to vector<16xi32>
      %mul3A_295 = arith.muli %get3A_268, %mul3A_294 : vector<16xi32>
      %add3A_296 = arith.constant 2 : i32
      %add3A_297 = vector.broadcast %add3A_296 : i32 to vector<16xi32>
      %add3A_298 = arith.addi %mul3A_295, %add3A_297 : vector<16xi32>
      tpu.vector_store_idx %arg6[%add3A_298], %get3A_292 {add = true} : memref<40448xf32, #tpu.memory_space<vmem>>[vector<16xi32>], vector<16xf32>,
      %add3A_299 = arith.constant 2 : i32
      %add3A_300 = arith.addi %add3A_20, %add3A_299 : i32
      %lt3A = arith.constant 80 : i32
      %lt3A_301 = arith.cmpi slt, %add3A_300, %lt3A : i32
      %convert_element_type3A = arith.extui %lt3A_301 : i1 to i32
      %cond3A = arith.constant 0 : i32
      %cond3A_302 = arith.cmpi ne, %convert_element_type3A, %cond3A : i32
      scf.if %cond3A_302 {
        %add3A_578 = arith.constant 2 : i32
        %add3A_579 = arith.addi %add3A_20, %add3A_578 : i32
        %mul3A_580 = arith.constant 128 : i32
        %mul3A_581 = arith.muli %add3A_579, %mul3A_580 : i32
        %add3A_582 = arith.addi %mul3A_4, %mul3A_581 : i32
        %dma_start3A_583 = arith.constant 0 : i32
        %dma_start3A_584 = tpu.memref_slice %arg2[%dma_start3A_583, %add3A_582] : memref<16x327680xf32, #tpu.memory_space<hbm>> -> memref<16x128xf32, #tpu.memory_space<hbm>>
        %dma_start3A_585 = arith.constant 0 : i32
        %dma_start3A_586 = tpu.memref_slice %arg2[%dma_start3A_585, %add3A_582] : memref<16x327680xf32, #tpu.memory_space<hbm>> -> memref<16x128xf32, #tpu.memory_space<hbm>>
        tpu.enqueue_dma source(%dma_start3A_586 : memref<16x128xf32, #tpu.memory_space<hbm>>) target(%arg8 : memref<16x128xf32, #tpu.memory_space<vmem>>) target_semaphore(%arg10 : memref<!tpu.dma_semaphore, #tpu.memory_space<semaphore_mem>>)
      } else {
      }
      %add3A_303 = arith.constant 1 : i32
      %add3A_304 = arith.addi %add3A_20, %add3A_303 : i32
      %mul3A_305 = arith.constant 128 : i32
      %mul3A_306 = arith.muli %add3A_304, %mul3A_305 : i32
      %add3A_307 = arith.addi %mul3A_4, %mul3A_306 : i32
      %dma_wait3A_308 = arith.constant 0 : i32
      %dma_wait3A_309 = tpu.memref_slice %arg2[%dma_wait3A_308, %add3A_307] : memref<16x327680xf32, #tpu.memory_space<hbm>> -> memref<16x128xf32, #tpu.memory_space<hbm>>
      %dma_wait3A_310 = arith.constant 0 : i32
      %dma_wait3A_311 = tpu.memref_slice %arg2[%dma_wait3A_310, %add3A_307] : memref<16x327680xf32, #tpu.memory_space<hbm>> -> memref<16x128xf32, #tpu.memory_space<hbm>>
      tpu.wait_dma2 semaphore(%arg11 : memref<!tpu.dma_semaphore, #tpu.memory_space<semaphore_mem>>) src(%dma_wait3A_311 : memref<16x128xf32, #tpu.memory_space<hbm>>) dst(%arg9 : memref<16x128xf32, #tpu.memory_space<vmem>>)
      %add3A_312 = arith.constant 1 : i32
      %add3A_313 = arith.addi %add3A_20, %add3A_312 : i32
      %get3A_314 = arith.index_cast %add3A_313 : i32 to index
      %get3A_315 = arith.constant 0 : index
      %get3A_316 = tpu.vector_load %arg7[%get3A_314, %get3A_315] {strides = array<i32>} : memref<80x128xi32, #tpu.memory_space<vmem>>, vector<16xi32>,
      %get3A_317 = arith.constant 0 : i32
      %get3A_318 = arith.index_cast %get3A_317 : i32 to index
      %get3A_319 = arith.constant 0 : index
      %get3A_320 = tpu.vector_load %arg9[%get3A_318, %get3A_319] {strides = array<i32>} : memref<16x128xf32, #tpu.memory_space<vmem>>, vector<16xf32>,
      %mul3A_321 = arith.constant 4 : i32
      %mul3A_322 = vector.broadcast %mul3A_321 : i32 to vector<16xi32>
      %mul3A_323 = arith.muli %get3A_316, %mul3A_322 : vector<16xi32>
      %add3A_324 = arith.constant 0 : i32
      %add3A_325 = vector.broadcast %add3A_324 : i32 to vector<16xi32>
      %add3A_326 = arith.addi %mul3A_323, %add3A_325 : vector<16xi32>
      tpu.vector_store_idx %arg6[%add3A_326], %get3A_320 {add = true} : memref<40448xf32, #tpu.memory_space<vmem>>[vector<16xi32>], vector<16xf32>,
      %get3A_327 = arith.constant 1 : i32
      %get3A_328 = arith.index_cast %get3A_327 : i32 to index
      %get3A_329 = arith.constant 0 : index
      %get3A_330 = tpu.vector_load %arg9[%get3A_328, %get3A_329] {strides = array<i32>} : memref<16x128xf32, #tpu.memory_space<vmem>>, vector<16xf32>,
      %mul3A_331 = arith.constant 4 : i32
      %mul3A_332 = vector.broadcast %mul3A_331 : i32 to vector<16xi32>
      %mul3A_333 = arith.muli %get3A_316, %mul3A_332 : vector<16xi32>
      %add3A_334 = arith.constant 1 : i32
      %add3A_335 = vector.broadcast %add3A_334 : i32 to vector<16xi32>
      %add3A_336 = arith.addi %mul3A_333, %add3A_335 : vector<16xi32>
      tpu.vector_store_idx %arg6[%add3A_336], %get3A_330 {add = true} : memref<40448xf32, #tpu.memory_space<vmem>>[vector<16xi32>], vector<16xf32>,
      %get3A_337 = arith.constant 2 : i32
      %get3A_338 = arith.index_cast %get3A_337 : i32 to index
      %get3A_339 = arith.constant 0 : index
      %get3A_340 = tpu.vector_load %arg9[%get3A_338, %get3A_339] {strides = array<i32>} : memref<16x128xf32, #tpu.memory_space<vmem>>, vector<16xf32>,
      %mul3A_341 = arith.constant 4 : i32
      %mul3A_342 = vector.broadcast %mul3A_341 : i32 to vector<16xi32>
      %mul3A_343 = arith.muli %get3A_316, %mul3A_342 : vector<16xi32>
      %add3A_344 = arith.constant 2 : i32
      %add3A_345 = vector.broadcast %add3A_344 : i32 to vector<16xi32>
      %add3A_346 = arith.addi %mul3A_343, %add3A_345 : vector<16xi32>
      tpu.vector_store_idx %arg6[%add3A_346], %get3A_340 {add = true} : memref<40448xf32, #tpu.memory_space<vmem>>[vector<16xi32>], vector<16xf32>,
      %get3A_347 = arith.index_cast %add3A_313 : i32 to index
      %get3A_348 = arith.constant 16 : index
      %get3A_349 = tpu.vector_load %arg7[%get3A_347, %get3A_348] {strides = array<i32>} : memref<80x128xi32, #tpu.memory_space<vmem>>, vector<16xi32>,
      %get3A_350 = arith.constant 0 : i32
      %get3A_351 = arith.index_cast %get3A_350 : i32 to index
      %get3A_352 = arith.constant 16 : index
      %get3A_353 = tpu.vector_load %arg9[%get3A_351, %get3A_352] {strides = array<i32>} : memref<16x128xf32, #tpu.memory_space<vmem>>, vector<16xf32>,
      %mul3A_354 = arith.constant 4 : i32
      %mul3A_355 = vector.broadcast %mul3A_354 : i32 to vector<16xi32>
      %mul3A_356 = arith.muli %get3A_349, %mul3A_355 : vector<16xi32>
      %add3A_357 = arith.constant 0 : i32
      %add3A_358 = vector.broadcast %add3A_357 : i32 to vector<16xi32>
      %add3A_359 = arith.addi %mul3A_356, %add3A_358 : vector<16xi32>
      tpu.vector_store_idx %arg6[%add3A_359], %get3A_353 {add = true} : memref<40448xf32, #tpu.memory_space<vmem>>[vector<16xi32>], vector<16xf32>,
      %get3A_360 = arith.constant 1 : i32
      %get3A_361 = arith.index_cast %get3A_360 : i32 to index
      %get3A_362 = arith.constant 16 : index
      %get3A_363 = tpu.vector_load %arg9[%get3A_361, %get3A_362] {strides = array<i32>} : memref<16x128xf32, #tpu.memory_space<vmem>>, vector<16xf32>,
      %mul3A_364 = arith.constant 4 : i32
      %mul3A_365 = vector.broadcast %mul3A_364 : i32 to vector<16xi32>
      %mul3A_366 = arith.muli %get3A_349, %mul3A_365 : vector<16xi32>
      %add3A_367 = arith.constant 1 : i32
      %add3A_368 = vector.broadcast %add3A_367 : i32 to vector<16xi32>
      %add3A_369 = arith.addi %mul3A_366, %add3A_368 : vector<16xi32>
      tpu.vector_store_idx %arg6[%add3A_369], %get3A_363 {add = true} : memref<40448xf32, #tpu.memory_space<vmem>>[vector<16xi32>], vector<16xf32>,
      %get3A_370 = arith.constant 2 : i32
      %get3A_371 = arith.index_cast %get3A_370 : i32 to index
      %get3A_372 = arith.constant 16 : index
      %get3A_373 = tpu.vector_load %arg9[%get3A_371, %get3A_372] {strides = array<i32>} : memref<16x128xf32, #tpu.memory_space<vmem>>, vector<16xf32>,
      %mul3A_374 = arith.constant 4 : i32
      %mul3A_375 = vector.broadcast %mul3A_374 : i32 to vector<16xi32>
      %mul3A_376 = arith.muli %get3A_349, %mul3A_375 : vector<16xi32>
      %add3A_377 = arith.constant 2 : i32
      %add3A_378 = vector.broadcast %add3A_377 : i32 to vector<16xi32>
      %add3A_379 = arith.addi %mul3A_376, %add3A_378 : vector<16xi32>
      tpu.vector_store_idx %arg6[%add3A_379], %get3A_373 {add = true} : memref<40448xf32, #tpu.memory_space<vmem>>[vector<16xi32>], vector<16xf32>,
      %get3A_380 = arith.index_cast %add3A_313 : i32 to index
      %get3A_381 = arith.constant 32 : index
      %get3A_382 = tpu.vector_load %arg7[%get3A_380, %get3A_381] {strides = array<i32>} : memref<80x128xi32, #tpu.memory_space<vmem>>, vector<16xi32>,
      %get3A_383 = arith.constant 0 : i32
      %get3A_384 = arith.index_cast %get3A_383 : i32 to index
      %get3A_385 = arith.constant 32 : index
      %get3A_386 = tpu.vector_load %arg9[%get3A_384, %get3A_385] {strides = array<i32>} : memref<16x128xf32, #tpu.memory_space<vmem>>, vector<16xf32>,
      %mul3A_387 = arith.constant 4 : i32
      %mul3A_388 = vector.broadcast %mul3A_387 : i32 to vector<16xi32>
      %mul3A_389 = arith.muli %get3A_382, %mul3A_388 : vector<16xi32>
      %add3A_390 = arith.constant 0 : i32
      %add3A_391 = vector.broadcast %add3A_390 : i32 to vector<16xi32>
      %add3A_392 = arith.addi %mul3A_389, %add3A_391 : vector<16xi32>
      tpu.vector_store_idx %arg6[%add3A_392], %get3A_386 {add = true} : memref<40448xf32, #tpu.memory_space<vmem>>[vector<16xi32>], vector<16xf32>,
      %get3A_393 = arith.constant 1 : i32
      %get3A_394 = arith.index_cast %get3A_393 : i32 to index
      %get3A_395 = arith.constant 32 : index
      %get3A_396 = tpu.vector_load %arg9[%get3A_394, %get3A_395] {strides = array<i32>} : memref<16x128xf32, #tpu.memory_space<vmem>>, vector<16xf32>,
      %mul3A_397 = arith.constant 4 : i32
      %mul3A_398 = vector.broadcast %mul3A_397 : i32 to vector<16xi32>
      %mul3A_399 = arith.muli %get3A_382, %mul3A_398 : vector<16xi32>
      %add3A_400 = arith.constant 1 : i32
      %add3A_401 = vector.broadcast %add3A_400 : i32 to vector<16xi32>
      %add3A_402 = arith.addi %mul3A_399, %add3A_401 : vector<16xi32>
      tpu.vector_store_idx %arg6[%add3A_402], %get3A_396 {add = true} : memref<40448xf32, #tpu.memory_space<vmem>>[vector<16xi32>], vector<16xf32>,
      %get3A_403 = arith.constant 2 : i32
      %get3A_404 = arith.index_cast %get3A_403 : i32 to index
      %get3A_405 = arith.constant 32 : index
      %get3A_406 = tpu.vector_load %arg9[%get3A_404, %get3A_405] {strides = array<i32>} : memref<16x128xf32, #tpu.memory_space<vmem>>, vector<16xf32>,
      %mul3A_407 = arith.constant 4 : i32
      %mul3A_408 = vector.broadcast %mul3A_407 : i32 to vector<16xi32>
      %mul3A_409 = arith.muli %get3A_382, %mul3A_408 : vector<16xi32>
      %add3A_410 = arith.constant 2 : i32
      %add3A_411 = vector.broadcast %add3A_410 : i32 to vector<16xi32>
      %add3A_412 = arith.addi %mul3A_409, %add3A_411 : vector<16xi32>
      tpu.vector_store_idx %arg6[%add3A_412], %get3A_406 {add = true} : memref<40448xf32, #tpu.memory_space<vmem>>[vector<16xi32>], vector<16xf32>,
      %get3A_413 = arith.index_cast %add3A_313 : i32 to index
      %get3A_414 = arith.constant 48 : index
      %get3A_415 = tpu.vector_load %arg7[%get3A_413, %get3A_414] {strides = array<i32>} : memref<80x128xi32, #tpu.memory_space<vmem>>, vector<16xi32>,
      %get3A_416 = arith.constant 0 : i32
      %get3A_417 = arith.index_cast %get3A_416 : i32 to index
      %get3A_418 = arith.constant 48 : index
      %get3A_419 = tpu.vector_load %arg9[%get3A_417, %get3A_418] {strides = array<i32>} : memref<16x128xf32, #tpu.memory_space<vmem>>, vector<16xf32>,
      %mul3A_420 = arith.constant 4 : i32
      %mul3A_421 = vector.broadcast %mul3A_420 : i32 to vector<16xi32>
      %mul3A_422 = arith.muli %get3A_415, %mul3A_421 : vector<16xi32>
      %add3A_423 = arith.constant 0 : i32
      %add3A_424 = vector.broadcast %add3A_423 : i32 to vector<16xi32>
      %add3A_425 = arith.addi %mul3A_422, %add3A_424 : vector<16xi32>
      tpu.vector_store_idx %arg6[%add3A_425], %get3A_419 {add = true} : memref<40448xf32, #tpu.memory_space<vmem>>[vector<16xi32>], vector<16xf32>,
      %get3A_426 = arith.constant 1 : i32
      %get3A_427 = arith.index_cast %get3A_426 : i32 to index
      %get3A_428 = arith.constant 48 : index
      %get3A_429 = tpu.vector_load %arg9[%get3A_427, %get3A_428] {strides = array<i32>} : memref<16x128xf32, #tpu.memory_space<vmem>>, vector<16xf32>,
      %mul3A_430 = arith.constant 4 : i32
      %mul3A_431 = vector.broadcast %mul3A_430 : i32 to vector<16xi32>
      %mul3A_432 = arith.muli %get3A_415, %mul3A_431 : vector<16xi32>
      %add3A_433 = arith.constant 1 : i32
      %add3A_434 = vector.broadcast %add3A_433 : i32 to vector<16xi32>
      %add3A_435 = arith.addi %mul3A_432, %add3A_434 : vector<16xi32>
      tpu.vector_store_idx %arg6[%add3A_435], %get3A_429 {add = true} : memref<40448xf32, #tpu.memory_space<vmem>>[vector<16xi32>], vector<16xf32>,
      %get3A_436 = arith.constant 2 : i32
      %get3A_437 = arith.index_cast %get3A_436 : i32 to index
      %get3A_438 = arith.constant 48 : index
      %get3A_439 = tpu.vector_load %arg9[%get3A_437, %get3A_438] {strides = array<i32>} : memref<16x128xf32, #tpu.memory_space<vmem>>, vector<16xf32>,
      %mul3A_440 = arith.constant 4 : i32
      %mul3A_441 = vector.broadcast %mul3A_440 : i32 to vector<16xi32>
      %mul3A_442 = arith.muli %get3A_415, %mul3A_441 : vector<16xi32>
      %add3A_443 = arith.constant 2 : i32
      %add3A_444 = vector.broadcast %add3A_443 : i32 to vector<16xi32>
      %add3A_445 = arith.addi %mul3A_442, %add3A_444 : vector<16xi32>
      tpu.vector_store_idx %arg6[%add3A_445], %get3A_439 {add = true} : memref<40448xf32, #tpu.memory_space<vmem>>[vector<16xi32>], vector<16xf32>,
      %get3A_446 = arith.index_cast %add3A_313 : i32 to index
      %get3A_447 = arith.constant 64 : index
      %get3A_448 = tpu.vector_load %arg7[%get3A_446, %get3A_447] {strides = array<i32>} : memref<80x128xi32, #tpu.memory_space<vmem>>, vector<16xi32>,
      %get3A_449 = arith.constant 0 : i32
      %get3A_450 = arith.index_cast %get3A_449 : i32 to index
      %get3A_451 = arith.constant 64 : index
      %get3A_452 = tpu.vector_load %arg9[%get3A_450, %get3A_451] {strides = array<i32>} : memref<16x128xf32, #tpu.memory_space<vmem>>, vector<16xf32>,
      %mul3A_453 = arith.constant 4 : i32
      %mul3A_454 = vector.broadcast %mul3A_453 : i32 to vector<16xi32>
      %mul3A_455 = arith.muli %get3A_448, %mul3A_454 : vector<16xi32>
      %add3A_456 = arith.constant 0 : i32
      %add3A_457 = vector.broadcast %add3A_456 : i32 to vector<16xi32>
      %add3A_458 = arith.addi %mul3A_455, %add3A_457 : vector<16xi32>
      tpu.vector_store_idx %arg6[%add3A_458], %get3A_452 {add = true} : memref<40448xf32, #tpu.memory_space<vmem>>[vector<16xi32>], vector<16xf32>,
      %get3A_459 = arith.constant 1 : i32
      %get3A_460 = arith.index_cast %get3A_459 : i32 to index
      %get3A_461 = arith.constant 64 : index
      %get3A_462 = tpu.vector_load %arg9[%get3A_460, %get3A_461] {strides = array<i32>} : memref<16x128xf32, #tpu.memory_space<vmem>>, vector<16xf32>,
      %mul3A_463 = arith.constant 4 : i32
      %mul3A_464 = vector.broadcast %mul3A_463 : i32 to vector<16xi32>
      %mul3A_465 = arith.muli %get3A_448, %mul3A_464 : vector<16xi32>
      %add3A_466 = arith.constant 1 : i32
      %add3A_467 = vector.broadcast %add3A_466 : i32 to vector<16xi32>
      %add3A_468 = arith.addi %mul3A_465, %add3A_467 : vector<16xi32>
      tpu.vector_store_idx %arg6[%add3A_468], %get3A_462 {add = true} : memref<40448xf32, #tpu.memory_space<vmem>>[vector<16xi32>], vector<16xf32>,
      %get3A_469 = arith.constant 2 : i32
      %get3A_470 = arith.index_cast %get3A_469 : i32 to index
      %get3A_471 = arith.constant 64 : index
      %get3A_472 = tpu.vector_load %arg9[%get3A_470, %get3A_471] {strides = array<i32>} : memref<16x128xf32, #tpu.memory_space<vmem>>, vector<16xf32>,
      %mul3A_473 = arith.constant 4 : i32
      %mul3A_474 = vector.broadcast %mul3A_473 : i32 to vector<16xi32>
      %mul3A_475 = arith.muli %get3A_448, %mul3A_474 : vector<16xi32>
      %add3A_476 = arith.constant 2 : i32
      %add3A_477 = vector.broadcast %add3A_476 : i32 to vector<16xi32>
      %add3A_478 = arith.addi %mul3A_475, %add3A_477 : vector<16xi32>
      tpu.vector_store_idx %arg6[%add3A_478], %get3A_472 {add = true} : memref<40448xf32, #tpu.memory_space<vmem>>[vector<16xi32>], vector<16xf32>,
      %get3A_479 = arith.index_cast %add3A_313 : i32 to index
      %get3A_480 = arith.constant 80 : index
      %get3A_481 = tpu.vector_load %arg7[%get3A_479, %get3A_480] {strides = array<i32>} : memref<80x128xi32, #tpu.memory_space<vmem>>, vector<16xi32>,
      %get3A_482 = arith.constant 0 : i32
      %get3A_483 = arith.index_cast %get3A_482 : i32 to index
      %get3A_484 = arith.constant 80 : index
      %get3A_485 = tpu.vector_load %arg9[%get3A_483, %get3A_484] {strides = array<i32>} : memref<16x128xf32, #tpu.memory_space<vmem>>, vector<16xf32>,
      %mul3A_486 = arith.constant 4 : i32
      %mul3A_487 = vector.broadcast %mul3A_486 : i32 to vector<16xi32>
      %mul3A_488 = arith.muli %get3A_481, %mul3A_487 : vector<16xi32>
      %add3A_489 = arith.constant 0 : i32
      %add3A_490 = vector.broadcast %add3A_489 : i32 to vector<16xi32>
      %add3A_491 = arith.addi %mul3A_488, %add3A_490 : vector<16xi32>
      tpu.vector_store_idx %arg6[%add3A_491], %get3A_485 {add = true} : memref<40448xf32, #tpu.memory_space<vmem>>[vector<16xi32>], vector<16xf32>,
      %get3A_492 = arith.constant 1 : i32
      %get3A_493 = arith.index_cast %get3A_492 : i32 to index
      %get3A_494 = arith.constant 80 : index
      %get3A_495 = tpu.vector_load %arg9[%get3A_493, %get3A_494] {strides = array<i32>} : memref<16x128xf32, #tpu.memory_space<vmem>>, vector<16xf32>,
      %mul3A_496 = arith.constant 4 : i32
      %mul3A_497 = vector.broadcast %mul3A_496 : i32 to vector<16xi32>
      %mul3A_498 = arith.muli %get3A_481, %mul3A_497 : vector<16xi32>
      %add3A_499 = arith.constant 1 : i32
      %add3A_500 = vector.broadcast %add3A_499 : i32 to vector<16xi32>
      %add3A_501 = arith.addi %mul3A_498, %add3A_500 : vector<16xi32>
      tpu.vector_store_idx %arg6[%add3A_501], %get3A_495 {add = true} : memref<40448xf32, #tpu.memory_space<vmem>>[vector<16xi32>], vector<16xf32>,
      %get3A_502 = arith.constant 2 : i32
      %get3A_503 = arith.index_cast %get3A_502 : i32 to index
      %get3A_504 = arith.constant 80 : index
      %get3A_505 = tpu.vector_load %arg9[%get3A_503, %get3A_504] {strides = array<i32>} : memref<16x128xf32, #tpu.memory_space<vmem>>, vector<16xf32>,
      %mul3A_506 = arith.constant 4 : i32
      %mul3A_507 = vector.broadcast %mul3A_506 : i32 to vector<16xi32>
      %mul3A_508 = arith.muli %get3A_481, %mul3A_507 : vector<16xi32>
      %add3A_509 = arith.constant 2 : i32
      %add3A_510 = vector.broadcast %add3A_509 : i32 to vector<16xi32>
      %add3A_511 = arith.addi %mul3A_508, %add3A_510 : vector<16xi32>
      tpu.vector_store_idx %arg6[%add3A_511], %get3A_505 {add = true} : memref<40448xf32, #tpu.memory_space<vmem>>[vector<16xi32>], vector<16xf32>,
      %get3A_512 = arith.index_cast %add3A_313 : i32 to index
      %get3A_513 = arith.constant 96 : index
      %get3A_514 = tpu.vector_load %arg7[%get3A_512, %get3A_513] {strides = array<i32>} : memref<80x128xi32, #tpu.memory_space<vmem>>, vector<16xi32>,
      %get3A_515 = arith.constant 0 : i32
      %get3A_516 = arith.index_cast %get3A_515 : i32 to index
      %get3A_517 = arith.constant 96 : index
      %get3A_518 = tpu.vector_load %arg9[%get3A_516, %get3A_517] {strides = array<i32>} : memref<16x128xf32, #tpu.memory_space<vmem>>, vector<16xf32>,
      %mul3A_519 = arith.constant 4 : i32
      %mul3A_520 = vector.broadcast %mul3A_519 : i32 to vector<16xi32>
      %mul3A_521 = arith.muli %get3A_514, %mul3A_520 : vector<16xi32>
      %add3A_522 = arith.constant 0 : i32
      %add3A_523 = vector.broadcast %add3A_522 : i32 to vector<16xi32>
      %add3A_524 = arith.addi %mul3A_521, %add3A_523 : vector<16xi32>
      tpu.vector_store_idx %arg6[%add3A_524], %get3A_518 {add = true} : memref<40448xf32, #tpu.memory_space<vmem>>[vector<16xi32>], vector<16xf32>,
      %get3A_525 = arith.constant 1 : i32
      %get3A_526 = arith.index_cast %get3A_525 : i32 to index
      %get3A_527 = arith.constant 96 : index
      %get3A_528 = tpu.vector_load %arg9[%get3A_526, %get3A_527] {strides = array<i32>} : memref<16x128xf32, #tpu.memory_space<vmem>>, vector<16xf32>,
      %mul3A_529 = arith.constant 4 : i32
      %mul3A_530 = vector.broadcast %mul3A_529 : i32 to vector<16xi32>
      %mul3A_531 = arith.muli %get3A_514, %mul3A_530 : vector<16xi32>
      %add3A_532 = arith.constant 1 : i32
      %add3A_533 = vector.broadcast %add3A_532 : i32 to vector<16xi32>
      %add3A_534 = arith.addi %mul3A_531, %add3A_533 : vector<16xi32>
      tpu.vector_store_idx %arg6[%add3A_534], %get3A_528 {add = true} : memref<40448xf32, #tpu.memory_space<vmem>>[vector<16xi32>], vector<16xf32>,
      %get3A_535 = arith.constant 2 : i32
      %get3A_536 = arith.index_cast %get3A_535 : i32 to index
      %get3A_537 = arith.constant 96 : index
      %get3A_538 = tpu.vector_load %arg9[%get3A_536, %get3A_537] {strides = array<i32>} : memref<16x128xf32, #tpu.memory_space<vmem>>, vector<16xf32>,
      %mul3A_539 = arith.constant 4 : i32
      %mul3A_540 = vector.broadcast %mul3A_539 : i32 to vector<16xi32>
      %mul3A_541 = arith.muli %get3A_514, %mul3A_540 : vector<16xi32>
      %add3A_542 = arith.constant 2 : i32
      %add3A_543 = vector.broadcast %add3A_542 : i32 to vector<16xi32>
      %add3A_544 = arith.addi %mul3A_541, %add3A_543 : vector<16xi32>
      tpu.vector_store_idx %arg6[%add3A_544], %get3A_538 {add = true} : memref<40448xf32, #tpu.memory_space<vmem>>[vector<16xi32>], vector<16xf32>,
      %get3A_545 = arith.index_cast %add3A_313 : i32 to index
      %get3A_546 = arith.constant 112 : index
      %get3A_547 = tpu.vector_load %arg7[%get3A_545, %get3A_546] {strides = array<i32>} : memref<80x128xi32, #tpu.memory_space<vmem>>, vector<16xi32>,
      %get3A_548 = arith.constant 0 : i32
      %get3A_549 = arith.index_cast %get3A_548 : i32 to index
      %get3A_550 = arith.constant 112 : index
      %get3A_551 = tpu.vector_load %arg9[%get3A_549, %get3A_550] {strides = array<i32>} : memref<16x128xf32, #tpu.memory_space<vmem>>, vector<16xf32>,
      %mul3A_552 = arith.constant 4 : i32
      %mul3A_553 = vector.broadcast %mul3A_552 : i32 to vector<16xi32>
      %mul3A_554 = arith.muli %get3A_547, %mul3A_553 : vector<16xi32>
      %add3A_555 = arith.constant 0 : i32
      %add3A_556 = vector.broadcast %add3A_555 : i32 to vector<16xi32>
      %add3A_557 = arith.addi %mul3A_554, %add3A_556 : vector<16xi32>
      tpu.vector_store_idx %arg6[%add3A_557], %get3A_551 {add = true} : memref<40448xf32, #tpu.memory_space<vmem>>[vector<16xi32>], vector<16xf32>,
      %get3A_558 = arith.constant 1 : i32
      %get3A_559 = arith.index_cast %get3A_558 : i32 to index
      %get3A_560 = arith.constant 112 : index
      %get3A_561 = tpu.vector_load %arg9[%get3A_559, %get3A_560] {strides = array<i32>} : memref<16x128xf32, #tpu.memory_space<vmem>>, vector<16xf32>,
      %mul3A_562 = arith.constant 4 : i32
      %mul3A_563 = vector.broadcast %mul3A_562 : i32 to vector<16xi32>
      %mul3A_564 = arith.muli %get3A_547, %mul3A_563 : vector<16xi32>
      %add3A_565 = arith.constant 1 : i32
      %add3A_566 = vector.broadcast %add3A_565 : i32 to vector<16xi32>
      %add3A_567 = arith.addi %mul3A_564, %add3A_566 : vector<16xi32>
      tpu.vector_store_idx %arg6[%add3A_567], %get3A_561 {add = true} : memref<40448xf32, #tpu.memory_space<vmem>>[vector<16xi32>], vector<16xf32>,
      %get3A_568 = arith.constant 2 : i32
      %get3A_569 = arith.index_cast %get3A_568 : i32 to index
      %get3A_570 = arith.constant 112 : index
      %get3A_571 = tpu.vector_load %arg9[%get3A_569, %get3A_570] {strides = array<i32>} : memref<16x128xf32, #tpu.memory_space<vmem>>, vector<16xf32>,
      %mul3A_572 = arith.constant 4 : i32
      %mul3A_573 = vector.broadcast %mul3A_572 : i32 to vector<16xi32>
      %mul3A_574 = arith.muli %get3A_547, %mul3A_573 : vector<16xi32>
      %add3A_575 = arith.constant 2 : i32
      %add3A_576 = vector.broadcast %add3A_575 : i32 to vector<16xi32>
      %add3A_577 = arith.addi %mul3A_574, %add3A_576 : vector<16xi32>
      tpu.vector_store_idx %arg6[%add3A_577], %get3A_571 {add = true} : memref<40448xf32, #tpu.memory_space<vmem>>[vector<16xi32>], vector<16xf32>,
    }
    %scan3A_13 = arith.constant 40 : i32
    %mul3A_14 = arith.constant 40448 : i32
    %mul3A_15 = arith.muli %add3A, %mul3A_14 : i32
    "tpu.region"() ({
      %run_scoped3A = tpu.sem_alloc : memref<!tpu.dma_semaphore, #tpu.memory_space<semaphore_mem>>
      %dma_start3A_16 = tpu.memref_slice %arg5[%mul3A_15] : memref<1294336xf32, #tpu.memory_space<hbm>> -> memref<40448xf32, #tpu.memory_space<hbm>>
      %dma_start3A_17 = tpu.memref_slice %arg5[%mul3A_15] : memref<1294336xf32, #tpu.memory_space<hbm>> -> memref<40448xf32, #tpu.memory_space<hbm>>
      tpu.enqueue_dma source(%arg6 : memref<40448xf32, #tpu.memory_space<vmem>>) target(%dma_start3A_17 : memref<40448xf32, #tpu.memory_space<hbm>>) target_semaphore(%run_scoped3A : memref<!tpu.dma_semaphore, #tpu.memory_space<semaphore_mem>>)
      %dma_wait3A = tpu.memref_slice %arg5[%mul3A_15] : memref<1294336xf32, #tpu.memory_space<hbm>> -> memref<40448xf32, #tpu.memory_space<hbm>>
      %dma_wait3A_18 = tpu.memref_slice %arg5[%mul3A_15] : memref<1294336xf32, #tpu.memory_space<hbm>> -> memref<40448xf32, #tpu.memory_space<hbm>>
      tpu.wait_dma2 semaphore(%run_scoped3A : memref<!tpu.dma_semaphore, #tpu.memory_space<semaphore_mem>>) src(%arg6 : memref<40448xf32, #tpu.memory_space<vmem>>) dst(%dma_wait3A_18 : memref<40448xf32, #tpu.memory_space<hbm>>)
      tpu.yield
    }) : () -> ()
    return
  }
}

#map = affine_map<(d0, d1) -> (0, 0)>
module attributes {stable_mosaic.version = 14 : i64} {
  func.func @k(%arg0: i32, %arg1: i32, %arg2: memref<327680x128xf32, #tpu.memory_space<hbm>>, %arg3: memref<2560x128xi32, #tpu.memory_space<hbm>>, %arg4: memref<632x128xf32, #tpu.memory_space<hbm>>, %arg5: memref<20224x128xf32, #tpu.memory_space<hbm>>, %arg6: memref<10112x128xf32, #tpu.memory_space<vmem_shared>>, %arg7: memref<80x128xi32, #tpu.memory_space<vmem>>, %arg8: memref<128x128xf32, #tpu.memory_space<vmem>>, %arg9: memref<128x128xf32, #tpu.memory_space<vmem>>, %arg10: memref<!tpu.dma_semaphore, #tpu.memory_space<semaphore_mem>>, %arg11: memref<!tpu.dma_semaphore, #tpu.memory_space<semaphore_mem>>) attributes {dimension_semantics = [#tpu.dimension_semantics<core_parallel>, #tpu.dimension_semantics<subcore_parallel>], iteration_bounds = array<i64: 2, 16>, scalar_prefetch = 0 : i64, scratch_operands = 6 : i64, tpu.core_type = #tpu.core_type<sc_vector_subcore>, window_params = [{transform_indices = #map}, {transform_indices = #map}, {transform_indices = #map}, {transform_indices = #map}]} {
    %mul3A = arith.constant 16 : i32
    %mul3A_0 = arith.muli %arg0, %mul3A : i32
    %add3A = arith.addi %mul3A_0, %arg1 : i32
    %mul3A_1 = arith.constant 632 : i32
    %mul3A_2 = arith.muli %arg1, %mul3A_1 : i32
    "tpu.region"() ({
      %run_scoped3A = tpu.sem_alloc : memref<!tpu.dma_semaphore, #tpu.memory_space<semaphore_mem>>
      %dma_start3A_22 = arith.constant 0 : i32
      %dma_start3A_23 = tpu.memref_slice %arg6[%mul3A_2, %dma_start3A_22] : memref<10112x128xf32, #tpu.memory_space<vmem_shared>> -> memref<632x128xf32, #tpu.memory_space<vmem_shared>>
      tpu.enqueue_dma source(%arg4 : memref<632x128xf32, #tpu.memory_space<hbm>>) target(%dma_start3A_23 : memref<632x128xf32, #tpu.memory_space<vmem_shared>>) target_semaphore(%run_scoped3A : memref<!tpu.dma_semaphore, #tpu.memory_space<semaphore_mem>>)
      %dma_wait3A = arith.constant 0 : i32
      %dma_wait3A_24 = tpu.memref_slice %arg6[%mul3A_2, %dma_wait3A] : memref<10112x128xf32, #tpu.memory_space<vmem_shared>> -> memref<632x128xf32, #tpu.memory_space<vmem_shared>>
      tpu.wait_dma2 semaphore(%run_scoped3A : memref<!tpu.dma_semaphore, #tpu.memory_space<semaphore_mem>>) src(%arg4 : memref<632x128xf32, #tpu.memory_space<hbm>>) dst(%dma_wait3A_24 : memref<632x128xf32, #tpu.memory_space<vmem_shared>>)
      tpu.yield
    }) : () -> ()
    %mul3A_3 = arith.constant 80 : i32
    %mul3A_4 = arith.muli %add3A, %mul3A_3 : i32
    "tpu.region"() ({
      %run_scoped3A = tpu.sem_alloc : memref<!tpu.dma_semaphore, #tpu.memory_space<semaphore_mem>>
      %dma_start3A_22 = arith.constant 0 : i32
      %dma_start3A_23 = tpu.memref_slice %arg3[%mul3A_4, %dma_start3A_22] : memref<2560x128xi32, #tpu.memory_space<hbm>> -> memref<80x128xi32, #tpu.memory_space<hbm>>
      %dma_start3A_24 = arith.constant 0 : i32
      %dma_start3A_25 = tpu.memref_slice %arg3[%mul3A_4, %dma_start3A_24] : memref<2560x128xi32, #tpu.memory_space<hbm>> -> memref<80x128xi32, #tpu.memory_space<hbm>>
      tpu.enqueue_dma source(%dma_start3A_25 : memref<80x128xi32, #tpu.memory_space<hbm>>) target(%arg7 : memref<80x128xi32, #tpu.memory_space<vmem>>) target_semaphore(%run_scoped3A : memref<!tpu.dma_semaphore, #tpu.memory_space<semaphore_mem>>)
      %dma_wait3A = arith.constant 0 : i32
      %dma_wait3A_26 = tpu.memref_slice %arg3[%mul3A_4, %dma_wait3A] : memref<2560x128xi32, #tpu.memory_space<hbm>> -> memref<80x128xi32, #tpu.memory_space<hbm>>
      %dma_wait3A_27 = arith.constant 0 : i32
      %dma_wait3A_28 = tpu.memref_slice %arg3[%mul3A_4, %dma_wait3A_27] : memref<2560x128xi32, #tpu.memory_space<hbm>> -> memref<80x128xi32, #tpu.memory_space<hbm>>
      tpu.wait_dma2 semaphore(%run_scoped3A : memref<!tpu.dma_semaphore, #tpu.memory_space<semaphore_mem>>) src(%dma_wait3A_28 : memref<80x128xi32, #tpu.memory_space<hbm>>) dst(%arg7 : memref<80x128xi32, #tpu.memory_space<vmem>>)
      tpu.yield
    }) : () -> ()
    %barrier3A = arith.constant 0 : index
    tpu.barrier barrier_id(%barrier3A)
    %mul3A_5 = arith.constant 10240 : i32
    %mul3A_6 = arith.muli %add3A, %mul3A_5 : i32
    %add3A_7 = arith.constant 0 : i32
    %add3A_8 = arith.addi %mul3A_6, %add3A_7 : i32
    %dma_start3A = arith.constant 0 : i32
    %dma_start3A_9 = tpu.memref_slice %arg2[%add3A_8, %dma_start3A] : memref<327680x128xf32, #tpu.memory_space<hbm>> -> memref<128x128xf32, #tpu.memory_space<hbm>>
    %dma_start3A_10 = arith.constant 0 : i32
    %dma_start3A_11 = tpu.memref_slice %arg2[%add3A_8, %dma_start3A_10] : memref<327680x128xf32, #tpu.memory_space<hbm>> -> memref<128x128xf32, #tpu.memory_space<hbm>>
    tpu.enqueue_dma source(%dma_start3A_11 : memref<128x128xf32, #tpu.memory_space<hbm>>) target(%arg8 : memref<128x128xf32, #tpu.memory_space<vmem>>) target_semaphore(%arg10 : memref<!tpu.dma_semaphore, #tpu.memory_space<semaphore_mem>>)
    %scan3A = arith.constant 0 : i32
    %scan3A_12 = arith.constant 40 : i32
    %scan3A_13 = arith.addi %scan3A, %scan3A_12 : i32
    %scan3A_14 = arith.constant 1 : i32
    scf.for %scan3A_22 = %scan3A to %scan3A_13 step %scan3A_14  : i32 {
      %mul3A_23 = arith.constant 2 : i32
      %mul3A_24 = arith.muli %scan3A_22, %mul3A_23 : i32
      %add3A_25 = arith.constant 0 : i32
      %add3A_26 = arith.addi %add3A_25, %mul3A_24 : i32
      %add3A_27 = arith.constant 1 : i32
      %add3A_28 = arith.addi %add3A_26, %add3A_27 : i32
      %mul3A_29 = arith.constant 128 : i32
      %mul3A_30 = arith.muli %add3A_28, %mul3A_29 : i32
      %add3A_31 = arith.addi %mul3A_6, %mul3A_30 : i32
      %dma_start3A_32 = arith.constant 0 : i32
      %dma_start3A_33 = tpu.memref_slice %arg2[%add3A_31, %dma_start3A_32] : memref<327680x128xf32, #tpu.memory_space<hbm>> -> memref<128x128xf32, #tpu.memory_space<hbm>>
      %dma_start3A_34 = arith.constant 0 : i32
      %dma_start3A_35 = tpu.memref_slice %arg2[%add3A_31, %dma_start3A_34] : memref<327680x128xf32, #tpu.memory_space<hbm>> -> memref<128x128xf32, #tpu.memory_space<hbm>>
      tpu.enqueue_dma source(%dma_start3A_35 : memref<128x128xf32, #tpu.memory_space<hbm>>) target(%arg9 : memref<128x128xf32, #tpu.memory_space<vmem>>) target_semaphore(%arg11 : memref<!tpu.dma_semaphore, #tpu.memory_space<semaphore_mem>>)
      %mul3A_36 = arith.constant 128 : i32
      %mul3A_37 = arith.muli %add3A_26, %mul3A_36 : i32
      %add3A_38 = arith.addi %mul3A_6, %mul3A_37 : i32
      %dma_wait3A = arith.constant 0 : i32
      %dma_wait3A_39 = tpu.memref_slice %arg2[%add3A_38, %dma_wait3A] : memref<327680x128xf32, #tpu.memory_space<hbm>> -> memref<128x128xf32, #tpu.memory_space<hbm>>
      %dma_wait3A_40 = arith.constant 0 : i32
      %dma_wait3A_41 = tpu.memref_slice %arg2[%add3A_38, %dma_wait3A_40] : memref<327680x128xf32, #tpu.memory_space<hbm>> -> memref<128x128xf32, #tpu.memory_space<hbm>>
      tpu.wait_dma2 semaphore(%arg10 : memref<!tpu.dma_semaphore, #tpu.memory_space<semaphore_mem>>) src(%dma_wait3A_41 : memref<128x128xf32, #tpu.memory_space<hbm>>) dst(%arg8 : memref<128x128xf32, #tpu.memory_space<vmem>>)
      "tpu.region"() ({
        %run_scoped3A = tpu.sem_alloc : memref<!tpu.dma_semaphore, #tpu.memory_space<semaphore_mem>>
        %dma_start3A_57 = arith.constant 0 : i32
        %dma_start3A_58 = tpu.memref_slice %arg7[%add3A_26, %dma_start3A_57] : memref<80x128xi32, #tpu.memory_space<vmem>> -> memref<1x128xi32, #tpu.memory_space<vmem>>
        %dma_start3A_59 = tpu.memref_squeeze %dma_start3A_58 : memref<1x128xi32, #tpu.memory_space<vmem>> -> memref<128xi32, #tpu.memory_space<vmem>>
        %dma_start3A_60 = arith.constant 0 : i32
        %dma_start3A_61 = arith.constant 0 : i32
        %dma_start3A_62 = tpu.memref_slice %arg6[%dma_start3A_60, %dma_start3A_61] : memref<10112x128xf32, #tpu.memory_space<vmem_shared>> -> memref<10112x128xf32, #tpu.memory_space<vmem_shared>>
        tpu.enqueue_indirect_dma source(%arg8 : memref<128x128xf32, #tpu.memory_space<vmem>>) target(%dma_start3A_62 : memref<10112x128xf32, #tpu.memory_space<vmem_shared>>) offsets(%dma_start3A_59 : memref<128xi32, #tpu.memory_space<vmem>>) semaphore(%run_scoped3A : memref<!tpu.dma_semaphore, #tpu.memory_space<semaphore_mem>>) {add = true}
        %dma_wait3A_63 = arith.constant 0 : i32
        %dma_wait3A_64 = tpu.memref_slice %arg7[%add3A_26, %dma_wait3A_63] : memref<80x128xi32, #tpu.memory_space<vmem>> -> memref<1x128xi32, #tpu.memory_space<vmem>>
        %dma_wait3A_65 = tpu.memref_squeeze %dma_wait3A_64 : memref<1x128xi32, #tpu.memory_space<vmem>> -> memref<128xi32, #tpu.memory_space<vmem>>
        %dma_wait3A_66 = arith.constant 0 : i32
        %dma_wait3A_67 = arith.constant 0 : i32
        %dma_wait3A_68 = tpu.memref_slice %arg6[%dma_wait3A_66, %dma_wait3A_67] : memref<10112x128xf32, #tpu.memory_space<vmem_shared>> -> memref<10112x128xf32, #tpu.memory_space<vmem_shared>>
        tpu.wait_indirect_dma semaphore(%run_scoped3A : memref<!tpu.dma_semaphore, #tpu.memory_space<semaphore_mem>>) src(%arg8 : memref<128x128xf32, #tpu.memory_space<vmem>>) dst(%dma_wait3A_68 : memref<10112x128xf32, #tpu.memory_space<vmem_shared>>)
        tpu.yield
      }) : () -> ()
      %add3A_42 = arith.constant 2 : i32
      %add3A_43 = arith.addi %add3A_26, %add3A_42 : i32
      %lt3A = arith.constant 80 : i32
      %lt3A_44 = arith.cmpi slt, %add3A_43, %lt3A : i32
      %convert_element_type3A = arith.extui %lt3A_44 : i1 to i32
      %cond3A = arith.constant 0 : i32
      %cond3A_45 = arith.cmpi ne, %convert_element_type3A, %cond3A : i32
      scf.if %cond3A_45 {
        %add3A_57 = arith.constant 2 : i32
        %add3A_58 = arith.addi %add3A_26, %add3A_57 : i32
        %mul3A_59 = arith.constant 128 : i32
        %mul3A_60 = arith.muli %add3A_58, %mul3A_59 : i32
        %add3A_61 = arith.addi %mul3A_6, %mul3A_60 : i32
        %dma_start3A_62 = arith.constant 0 : i32
        %dma_start3A_63 = tpu.memref_slice %arg2[%add3A_61, %dma_start3A_62] : memref<327680x128xf32, #tpu.memory_space<hbm>> -> memref<128x128xf32, #tpu.memory_space<hbm>>
        %dma_start3A_64 = arith.constant 0 : i32
        %dma_start3A_65 = tpu.memref_slice %arg2[%add3A_61, %dma_start3A_64] : memref<327680x128xf32, #tpu.memory_space<hbm>> -> memref<128x128xf32, #tpu.memory_space<hbm>>
        tpu.enqueue_dma source(%dma_start3A_65 : memref<128x128xf32, #tpu.memory_space<hbm>>) target(%arg8 : memref<128x128xf32, #tpu.memory_space<vmem>>) target_semaphore(%arg10 : memref<!tpu.dma_semaphore, #tpu.memory_space<semaphore_mem>>)
      } else {
      }
      %add3A_46 = arith.constant 1 : i32
      %add3A_47 = arith.addi %add3A_26, %add3A_46 : i32
      %mul3A_48 = arith.constant 128 : i32
      %mul3A_49 = arith.muli %add3A_47, %mul3A_48 : i32
      %add3A_50 = arith.addi %mul3A_6, %mul3A_49 : i32
      %dma_wait3A_51 = arith.constant 0 : i32
      %dma_wait3A_52 = tpu.memref_slice %arg2[%add3A_50, %dma_wait3A_51] : memref<327680x128xf32, #tpu.memory_space<hbm>> -> memref<128x128xf32, #tpu.memory_space<hbm>>
      %dma_wait3A_53 = arith.constant 0 : i32
      %dma_wait3A_54 = tpu.memref_slice %arg2[%add3A_50, %dma_wait3A_53] : memref<327680x128xf32, #tpu.memory_space<hbm>> -> memref<128x128xf32, #tpu.memory_space<hbm>>
      tpu.wait_dma2 semaphore(%arg11 : memref<!tpu.dma_semaphore, #tpu.memory_space<semaphore_mem>>) src(%dma_wait3A_54 : memref<128x128xf32, #tpu.memory_space<hbm>>) dst(%arg9 : memref<128x128xf32, #tpu.memory_space<vmem>>)
      %add3A_55 = arith.constant 1 : i32
      %add3A_56 = arith.addi %add3A_26, %add3A_55 : i32
      "tpu.region"() ({
        %run_scoped3A = tpu.sem_alloc : memref<!tpu.dma_semaphore, #tpu.memory_space<semaphore_mem>>
        %dma_start3A_57 = arith.constant 0 : i32
        %dma_start3A_58 = tpu.memref_slice %arg7[%add3A_56, %dma_start3A_57] : memref<80x128xi32, #tpu.memory_space<vmem>> -> memref<1x128xi32, #tpu.memory_space<vmem>>
        %dma_start3A_59 = tpu.memref_squeeze %dma_start3A_58 : memref<1x128xi32, #tpu.memory_space<vmem>> -> memref<128xi32, #tpu.memory_space<vmem>>
        %dma_start3A_60 = arith.constant 0 : i32
        %dma_start3A_61 = arith.constant 0 : i32
        %dma_start3A_62 = tpu.memref_slice %arg6[%dma_start3A_60, %dma_start3A_61] : memref<10112x128xf32, #tpu.memory_space<vmem_shared>> -> memref<10112x128xf32, #tpu.memory_space<vmem_shared>>
        tpu.enqueue_indirect_dma source(%arg9 : memref<128x128xf32, #tpu.memory_space<vmem>>) target(%dma_start3A_62 : memref<10112x128xf32, #tpu.memory_space<vmem_shared>>) offsets(%dma_start3A_59 : memref<128xi32, #tpu.memory_space<vmem>>) semaphore(%run_scoped3A : memref<!tpu.dma_semaphore, #tpu.memory_space<semaphore_mem>>) {add = true}
        %dma_wait3A_63 = arith.constant 0 : i32
        %dma_wait3A_64 = tpu.memref_slice %arg7[%add3A_56, %dma_wait3A_63] : memref<80x128xi32, #tpu.memory_space<vmem>> -> memref<1x128xi32, #tpu.memory_space<vmem>>
        %dma_wait3A_65 = tpu.memref_squeeze %dma_wait3A_64 : memref<1x128xi32, #tpu.memory_space<vmem>> -> memref<128xi32, #tpu.memory_space<vmem>>
        %dma_wait3A_66 = arith.constant 0 : i32
        %dma_wait3A_67 = arith.constant 0 : i32
        %dma_wait3A_68 = tpu.memref_slice %arg6[%dma_wait3A_66, %dma_wait3A_67] : memref<10112x128xf32, #tpu.memory_space<vmem_shared>> -> memref<10112x128xf32, #tpu.memory_space<vmem_shared>>
        tpu.wait_indirect_dma semaphore(%run_scoped3A : memref<!tpu.dma_semaphore, #tpu.memory_space<semaphore_mem>>) src(%arg9 : memref<128x128xf32, #tpu.memory_space<vmem>>) dst(%dma_wait3A_68 : memref<10112x128xf32, #tpu.memory_space<vmem_shared>>)
        tpu.yield
      }) : () -> ()
    }
    %scan3A_15 = arith.constant 40 : i32
    %barrier3A_16 = arith.constant 0 : index
    tpu.barrier barrier_id(%barrier3A_16)
    %mul3A_17 = arith.constant 10112 : i32
    %mul3A_18 = arith.muli %arg0, %mul3A_17 : i32
    %mul3A_19 = arith.constant 632 : i32
    %mul3A_20 = arith.muli %arg1, %mul3A_19 : i32
    %add3A_21 = arith.addi %mul3A_18, %mul3A_20 : i32
    "tpu.region"() ({
      %run_scoped3A = tpu.sem_alloc : memref<!tpu.dma_semaphore, #tpu.memory_space<semaphore_mem>>
      %dma_start3A_22 = arith.constant 0 : i32
      %dma_start3A_23 = tpu.memref_slice %arg5[%add3A_21, %dma_start3A_22] : memref<20224x128xf32, #tpu.memory_space<hbm>> -> memref<632x128xf32, #tpu.memory_space<hbm>>
      %dma_start3A_24 = arith.constant 0 : i32
      %dma_start3A_25 = tpu.memref_slice %arg6[%mul3A_2, %dma_start3A_24] : memref<10112x128xf32, #tpu.memory_space<vmem_shared>> -> memref<632x128xf32, #tpu.memory_space<vmem_shared>>
      tpu.enqueue_dma source(%dma_start3A_25 : memref<632x128xf32, #tpu.memory_space<vmem_shared>>) target(%dma_start3A_23 : memref<632x128xf32, #tpu.memory_space<hbm>>) target_semaphore(%run_scoped3A : memref<!tpu.dma_semaphore, #tpu.memory_space<semaphore_mem>>)
      %dma_wait3A = arith.constant 0 : i32
      %dma_wait3A_26 = tpu.memref_slice %arg5[%add3A_21, %dma_wait3A] : memref<20224x128xf32, #tpu.memory_space<hbm>> -> memref<632x128xf32, #tpu.memory_space<hbm>>
      %dma_wait3A_27 = arith.constant 0 : i32
      %dma_wait3A_28 = tpu.memref_slice %arg6[%mul3A_2, %dma_wait3A_27] : memref<10112x128xf32, #tpu.memory_space<vmem_shared>> -> memref<632x128xf32, #tpu.memory_space<vmem_shared>>
      tpu.wait_dma2 semaphore(%run_scoped3A : memref<!tpu.dma_semaphore, #tpu.memory_space<semaphore_mem>>) src(%dma_wait3A_28 : memref<632x128xf32, #tpu.memory_space<vmem_shared>>) dst(%dma_wait3A_26 : memref<632x128xf32, #tpu.memory_space<hbm>>)
      tpu.yield
    }) : () -> ()
    return
  }
}

module attributes {stable_mosaic.version = 14 : i64} {
  func.func @body(%arg0: memref<10000x128xf32, #tpu.memory_space<vmem>>, %arg1: memref<10000x16xf32, #tpu.memory_space<vmem>>, %arg2: memref<128x128xf32, #tpu.memory_space<vmem>>, %arg3: memref<128x128xf32, #tpu.memory_space<vmem>>, %arg4: memref<1x128xf32, #tpu.memory_space<vmem>>, %arg5: memref<20224x128xf32, #tpu.memory_space<vmem>>) attributes {dimension_semantics = [], scalar_prefetch = 0 : i64, scratch_operands = 0 : i64, tpu.core_type = #tpu.core_type<tc>} {
    %get3A = arith.constant 0 : index
    %get3A_0 = arith.constant 0 : index
    %get3A_1 = vector.load %arg0[%get3A, %get3A_0] : memref<10000x128xf32, #tpu.memory_space<vmem>>, vector<10000x128xf32>
    %get3A_2 = arith.constant 0 : index
    %get3A_3 = arith.constant 0 : index
    %get3A_4 = vector.load %arg1[%get3A_2, %get3A_3] : memref<10000x16xf32, #tpu.memory_space<vmem>>, vector<10000x16xf32>
    %get3A_5 = arith.constant 0 : index
    %get3A_6 = arith.constant 0 : index
    %get3A_7 = vector.load %arg2[%get3A_5, %get3A_6] : memref<128x128xf32, #tpu.memory_space<vmem>>, vector<128x128xf32>
    %dot_general3A = arith.constant dense<0.000000e+00> : vector<10000x128xf32>
    %dot_general3A_8 = tpu.matmul %get3A_1, %get3A_7, %dot_general3A {dimension_numbers = #tpu.dot_dimension_numbers<[1], [0], [0], [1], [0, 0, 1, 1], [], []>, transpose_lhs_hint = false} : vector<10000x128xf32>, vector<128x128xf32>, vector<10000x128xf32> -> vector<10000x128xf32>
    %get3A_9 = arith.constant 0 : index
    %get3A_10 = arith.constant 0 : index
    %get3A_11 = vector.load %arg3[%get3A_9, %get3A_10] : memref<128x128xf32, #tpu.memory_space<vmem>>, vector<128x128xf32>
    %dot_general3A_12 = arith.constant dense<0.000000e+00> : vector<10000x128xf32>
    %dot_general3A_13 = tpu.matmul %get3A_1, %get3A_11, %dot_general3A_12 {dimension_numbers = #tpu.dot_dimension_numbers<[1], [0], [0], [1], [0, 0, 1, 1], [], []>, transpose_lhs_hint = false} : vector<10000x128xf32>, vector<128x128xf32>, vector<10000x128xf32> -> vector<10000x128xf32>
    %get3A_14 = arith.constant 0 : index
    %get3A_15 = arith.constant 0 : index
    %get3A_16 = vector.load %arg4[%get3A_14, %get3A_15] : memref<1x128xf32, #tpu.memory_space<vmem>>, vector<1x128xf32>
    %add3A = vector.broadcast %get3A_16 : vector<1x128xf32> to vector<10000x128xf32>
    %add3A_17 = arith.addf %dot_general3A_13, %add3A : vector<10000x128xf32>
    %broadcast_in_dim3A = arith.constant 0.000000e+00 : f32
    %broadcast_in_dim3A_18 = vector.broadcast %broadcast_in_dim3A : f32 to vector<10000x48xf32>
    %slice3A = vector.extract_strided_slice %dot_general3A_8 {offsets = [0, 0], sizes = [10000, 64], strides = [1, 1]} : vector<10000x128xf32> to vector<10000x64xf32>
    %convert_element_type3A = arith.truncf %slice3A : vector<10000x64xf32> to vector<10000x64xbf16>
    %bitcast_convert_type3A = tpu.bitcast %convert_element_type3A : vector<10000x64xbf16> -> vector<10000x64xi16>
    %convert_element_type3A_19 = arith.extui %bitcast_convert_type3A : vector<10000x64xi16> to vector<10000x64xi32>
    %slice3A_20 = vector.extract_strided_slice %dot_general3A_8 {offsets = [0, 64], sizes = [10000, 64], strides = [1, 1]} : vector<10000x128xf32> to vector<10000x64xf32>
    %convert_element_type3A_21 = arith.truncf %slice3A_20 : vector<10000x64xf32> to vector<10000x64xbf16>
    %bitcast_convert_type3A_22 = tpu.bitcast %convert_element_type3A_21 : vector<10000x64xbf16> -> vector<10000x64xi16>
    %convert_element_type3A_23 = arith.extui %bitcast_convert_type3A_22 : vector<10000x64xi16> to vector<10000x64xi32>
    %shift_left3A = arith.constant 16 : i32
    %shift_left3A_24 = vector.broadcast %shift_left3A : i32 to vector<10000x64xi32>
    %shift_left3A_25 = arith.shli %convert_element_type3A_23, %shift_left3A_24 : vector<10000x64xi32>
    %or3A = arith.ori %convert_element_type3A_19, %shift_left3A_25 : vector<10000x64xi32>
    %bitcast_convert_type3A_26 = tpu.bitcast %or3A : vector<10000x64xi32> -> vector<10000x64xf32>
    %concatenate3A = tpu.concatenate %bitcast_convert_type3A_26, %get3A_4, %broadcast_in_dim3A_18 in 1 : vector<10000x64xf32>, vector<10000x16xf32>, vector<10000x48xf32> -> vector<10000x128xf32>
    %slice3A_27 = vector.extract_strided_slice %add3A_17 {offsets = [0, 0], sizes = [10000, 64], strides = [1, 1]} : vector<10000x128xf32> to vector<10000x64xf32>
    %convert_element_type3A_28 = arith.truncf %slice3A_27 : vector<10000x64xf32> to vector<10000x64xbf16>
    %bitcast_convert_type3A_29 = tpu.bitcast %convert_element_type3A_28 : vector<10000x64xbf16> -> vector<10000x64xi16>
    %convert_element_type3A_30 = arith.extui %bitcast_convert_type3A_29 : vector<10000x64xi16> to vector<10000x64xi32>
    %slice3A_31 = vector.extract_strided_slice %add3A_17 {offsets = [0, 64], sizes = [10000, 64], strides = [1, 1]} : vector<10000x128xf32> to vector<10000x64xf32>
    %convert_element_type3A_32 = arith.truncf %slice3A_31 : vector<10000x64xf32> to vector<10000x64xbf16>
    %bitcast_convert_type3A_33 = tpu.bitcast %convert_element_type3A_32 : vector<10000x64xbf16> -> vector<10000x64xi16>
    %convert_element_type3A_34 = arith.extui %bitcast_convert_type3A_33 : vector<10000x64xi16> to vector<10000x64xi32>
    %shift_left3A_35 = arith.constant 16 : i32
    %shift_left3A_36 = vector.broadcast %shift_left3A_35 : i32 to vector<10000x64xi32>
    %shift_left3A_37 = arith.shli %convert_element_type3A_34, %shift_left3A_36 : vector<10000x64xi32>
    %or3A_38 = arith.ori %convert_element_type3A_30, %shift_left3A_37 : vector<10000x64xi32>
    %bitcast_convert_type3A_39 = tpu.bitcast %or3A_38 : vector<10000x64xi32> -> vector<10000x64xf32>
    %concatenate3A_40 = tpu.concatenate %bitcast_convert_type3A_39, %get3A_4, %broadcast_in_dim3A_18 in 1 : vector<10000x64xf32>, vector<10000x16xf32>, vector<10000x48xf32> -> vector<10000x128xf32>
    %broadcast_in_dim3A_41 = arith.constant 0.000000e+00 : f32
    %broadcast_in_dim3A_42 = vector.broadcast %broadcast_in_dim3A_41 : f32 to vector<112x128xf32>
    %concatenate3A_43 = tpu.concatenate %concatenate3A, %broadcast_in_dim3A_42, %concatenate3A_40, %broadcast_in_dim3A_42 in 0 : vector<10000x128xf32>, vector<112x128xf32>, vector<10000x128xf32>, vector<112x128xf32> -> vector<20224x128xf32>
    %swap3A = arith.constant 0 : index
    %swap3A_44 = arith.constant 0 : index
    %swap3A_45 = vector.load %arg5[%swap3A, %swap3A_44] : memref<20224x128xf32, #tpu.memory_space<vmem>>, vector<20224x128xf32>
    tpu.vector_store %arg5[%swap3A, %swap3A_44], %concatenate3A_43 {strides = array<i32>} : memref<20224x128xf32, #tpu.memory_space<vmem>>, vector<20224x128xf32>,
    return
  }
}

module attributes {stable_mosaic.version = 14 : i64} {
  func.func @body(%arg0: i32, %arg1: memref<4096x128xf32, #tpu.memory_space<vmem>>, %arg2: memref<4096x128xf32, #tpu.memory_space<vmem>>, %arg3: memref<1x128xf32, #tpu.memory_space<vmem>>, %arg4: memref<128x128xf32, #tpu.memory_space<vmem>>, %arg5: memref<1x128xf32, #tpu.memory_space<vmem>>, %arg6: memref<128x128xf32, #tpu.memory_space<vmem>>, %arg7: memref<1x128xf32, #tpu.memory_space<vmem>>, %arg8: memref<128x128xf32, #tpu.memory_space<vmem>>, %arg9: memref<1x1xf32, #tpu.memory_space<vmem>>, %arg10: memref<4096x128xf32, #tpu.memory_space<vmem>>, %arg11: memref<16x4096xf32, #tpu.memory_space<vmem>>) attributes {dimension_semantics = [#tpu.dimension_semantics<parallel>], iteration_bounds = array<i64: 80>, scalar_prefetch = 0 : i64, scratch_operands = 0 : i64, tpu.core_type = #tpu.core_type<tc>, window_params = [{transform_indices = @transform_0, window_bounds = array<i64: 4096, 128>}, {transform_indices = @transform_1, window_bounds = array<i64: 4096, 128>}, {pipeline_mode = #tpu.pipeline_mode<synchronous>, transform_indices = @transform_2, window_bounds = array<i64: 1, 128>}, {pipeline_mode = #tpu.pipeline_mode<synchronous>, transform_indices = @transform_3, window_bounds = array<i64: 128, 128>}, {pipeline_mode = #tpu.pipeline_mode<synchronous>, transform_indices = @transform_4, window_bounds = array<i64: 1, 128>}, {pipeline_mode = #tpu.pipeline_mode<synchronous>, transform_indices = @transform_5, window_bounds = array<i64: 128, 128>}, {pipeline_mode = #tpu.pipeline_mode<synchronous>, transform_indices = @transform_6, window_bounds = array<i64: 1, 128>}, {pipeline_mode = #tpu.pipeline_mode<synchronous>, transform_indices = @transform_7, window_bounds = array<i64: 128, 128>}, {pipeline_mode = #tpu.pipeline_mode<synchronous>, transform_indices = @transform_8, window_bounds = array<i64: 1, 1>}, {transform_indices = @transform_9, window_bounds = array<i64: 4096, 128>}, {transform_indices = @transform_10, window_bounds = array<i64: 16, 4096>}]} {
    %get3A = arith.constant 0 : index
    %get3A_0 = arith.constant 0 : index
    %get3A_1 = vector.load %arg1[%get3A, %get3A_0] : memref<4096x128xf32, #tpu.memory_space<vmem>>, vector<4096x128xf32>
    %get3A_2 = arith.constant 0 : index
    %get3A_3 = arith.constant 0 : index
    %get3A_4 = vector.load %arg2[%get3A_2, %get3A_3] : memref<4096x128xf32, #tpu.memory_space<vmem>>, vector<4096x128xf32>
    %slice3A = vector.extract_strided_slice %get3A_1 {offsets = [0, 0], sizes = [4096, 64], strides = [1, 1]} : vector<4096x128xf32> to vector<4096x64xf32>
    %bitcast_convert_type3A = tpu.bitcast %slice3A : vector<4096x64xf32> -> vector<4096x64xi32>
    %and3A = arith.constant 65535 : i32
    %and3A_5 = vector.broadcast %and3A : i32 to vector<4096x64xi32>
    %and3A_6 = arith.andi %bitcast_convert_type3A, %and3A_5 : vector<4096x64xi32>
    %convert_element_type3A = arith.trunci %and3A_6 : vector<4096x64xi32> to vector<4096x64xi16>
    %bitcast_convert_type3A_7 = tpu.bitcast %convert_element_type3A : vector<4096x64xi16> -> vector<4096x64xbf16>
    %shift_right_logical3A = arith.constant 16 : i32
    %shift_right_logical3A_8 = vector.broadcast %shift_right_logical3A : i32 to vector<4096x64xi32>
    %shift_right_logical3A_9 = arith.shrui %bitcast_convert_type3A, %shift_right_logical3A_8 : vector<4096x64xi32>
    %convert_element_type3A_10 = arith.trunci %shift_right_logical3A_9 : vector<4096x64xi32> to vector<4096x64xi16>
    %bitcast_convert_type3A_11 = tpu.bitcast %convert_element_type3A_10 : vector<4096x64xi16> -> vector<4096x64xbf16>
    %slice3A_12 = vector.extract_strided_slice %get3A_4 {offsets = [0, 0], sizes = [4096, 64], strides = [1, 1]} : vector<4096x128xf32> to vector<4096x64xf32>
    %bitcast_convert_type3A_13 = tpu.bitcast %slice3A_12 : vector<4096x64xf32> -> vector<4096x64xi32>
    %and3A_14 = arith.constant 65535 : i32
    %and3A_15 = vector.broadcast %and3A_14 : i32 to vector<4096x64xi32>
    %and3A_16 = arith.andi %bitcast_convert_type3A_13, %and3A_15 : vector<4096x64xi32>
    %convert_element_type3A_17 = arith.trunci %and3A_16 : vector<4096x64xi32> to vector<4096x64xi16>
    %bitcast_convert_type3A_18 = tpu.bitcast %convert_element_type3A_17 : vector<4096x64xi16> -> vector<4096x64xbf16>
    %shift_right_logical3A_19 = arith.constant 16 : i32
    %shift_right_logical3A_20 = vector.broadcast %shift_right_logical3A_19 : i32 to vector<4096x64xi32>
    %shift_right_logical3A_21 = arith.shrui %bitcast_convert_type3A_13, %shift_right_logical3A_20 : vector<4096x64xi32>
    %convert_element_type3A_22 = arith.trunci %shift_right_logical3A_21 : vector<4096x64xi32> to vector<4096x64xi16>
    %bitcast_convert_type3A_23 = tpu.bitcast %convert_element_type3A_22 : vector<4096x64xi16> -> vector<4096x64xbf16>
    %convert_element_type3A_24 = arith.extf %bitcast_convert_type3A_7 : vector<4096x64xbf16> to vector<4096x64xf32>
    %convert_element_type3A_25 = arith.extf %bitcast_convert_type3A_18 : vector<4096x64xbf16> to vector<4096x64xf32>
    %add3A = arith.addf %convert_element_type3A_24, %convert_element_type3A_25 : vector<4096x64xf32>
    %convert_element_type3A_26 = arith.extf %bitcast_convert_type3A_11 : vector<4096x64xbf16> to vector<4096x64xf32>
    %convert_element_type3A_27 = arith.extf %bitcast_convert_type3A_23 : vector<4096x64xbf16> to vector<4096x64xf32>
    %add3A_28 = arith.addf %convert_element_type3A_26, %convert_element_type3A_27 : vector<4096x64xf32>
    %concatenate3A = tpu.concatenate %add3A, %add3A_28 in 1 : vector<4096x64xf32>, vector<4096x64xf32> -> vector<4096x128xf32>
    %slice3A_29 = vector.extract_strided_slice %get3A_1 {offsets = [0, 64], sizes = [4096, 16], strides = [1, 1]} : vector<4096x128xf32> to vector<4096x16xf32>
    %slice3A_30 = vector.extract_strided_slice %get3A_4 {offsets = [0, 64], sizes = [4096, 16], strides = [1, 1]} : vector<4096x128xf32> to vector<4096x16xf32>
    %sub3A = arith.subf %slice3A_29, %slice3A_30 : vector<4096x16xf32>
    %mul3A = arith.mulf %sub3A, %sub3A : vector<4096x16xf32>
    %reduce_sum3A = arith.constant dense<0.000000e+00> : vector<4096xf32>
    %reduce_sum3A_31 = vector.multi_reduction <add>, %mul3A, %reduce_sum3A [1] : vector<4096x16xf32> to vector<4096xf32>
    %broadcast_in_dim3A = vector.shape_cast %reduce_sum3A_31 : vector<4096xf32> to vector<4096x1xf32>
    %get3A_32 = arith.constant 0 : index
    %get3A_33 = arith.constant 0 : index
    %get3A_34 = vector.load %arg3[%get3A_32, %get3A_33] : memref<1x128xf32, #tpu.memory_space<vmem>>, vector<1x128xf32>
    %mul3A_35 = vector.broadcast %broadcast_in_dim3A : vector<4096x1xf32> to vector<4096x128xf32>
    %mul3A_36 = vector.broadcast %get3A_34 : vector<1x128xf32> to vector<4096x128xf32>
    %mul3A_37 = arith.mulf %mul3A_35, %mul3A_36 : vector<4096x128xf32>
    %add3A_38 = arith.addf %concatenate3A, %mul3A_37 : vector<4096x128xf32>
    %convert_element_type3A_39 = arith.truncf %add3A_38 : vector<4096x128xf32> to vector<4096x128xbf16>
    %logistic3A = arith.negf %convert_element_type3A_39 : vector<4096x128xbf16>
    %logistic3A_40 = math.exp %logistic3A : vector<4096x128xbf16>
    %logistic3A_41 = arith.constant 1.000000e+00 : bf16
    %logistic3A_42 = vector.broadcast %logistic3A_41 : bf16 to vector<4096x128xbf16>
    %logistic3A_43 = arith.addf %logistic3A_42, %logistic3A_40 : vector<4096x128xbf16>
    %logistic3A_44 = arith.divf %logistic3A_42, %logistic3A_43 : vector<4096x128xbf16>
    %mul3A_45 = arith.mulf %convert_element_type3A_39, %logistic3A_44 : vector<4096x128xbf16>
    %get3A_46 = arith.constant 0 : index
    %get3A_47 = arith.constant 0 : index
    %get3A_48 = vector.load %arg4[%get3A_46, %get3A_47] : memref<128x128xf32, #tpu.memory_space<vmem>>, vector<128x128xf32>
    %convert_element_type3A_49 = arith.truncf %get3A_48 : vector<128x128xf32> to vector<128x128xbf16>
    %dot_general3A = arith.constant dense<0.000000e+00> : vector<4096x128xf32>
    %dot_general3A_50 = tpu.matmul %mul3A_45, %convert_element_type3A_49, %dot_general3A {dimension_numbers = #tpu.dot_dimension_numbers<[1], [0], [0], [1], [0, 0, 1, 1], [], []>, transpose_lhs_hint = false} : vector<4096x128xbf16>, vector<128x128xbf16>, vector<4096x128xf32> -> vector<4096x128xf32>
    %get3A_51 = arith.constant 0 : index
    %get3A_52 = arith.constant 0 : index
    %get3A_53 = vector.load %arg5[%get3A_51, %get3A_52] : memref<1x128xf32, #tpu.memory_space<vmem>>, vector<1x128xf32>
    %add3A_54 = vector.broadcast %get3A_53 : vector<1x128xf32> to vector<4096x128xf32>
    %add3A_55 = arith.addf %dot_general3A_50, %add3A_54 : vector<4096x128xf32>
    %convert_element_type3A_56 = arith.truncf %add3A_55 : vector<4096x128xf32> to vector<4096x128xbf16>
    %logistic3A_57 = arith.negf %convert_element_type3A_56 : vector<4096x128xbf16>
    %logistic3A_58 = math.exp %logistic3A_57 : vector<4096x128xbf16>
    %logistic3A_59 = arith.constant 1.000000e+00 : bf16
    %logistic3A_60 = vector.broadcast %logistic3A_59 : bf16 to vector<4096x128xbf16>
    %logistic3A_61 = arith.addf %logistic3A_60, %logistic3A_58 : vector<4096x128xbf16>
    %logistic3A_62 = arith.divf %logistic3A_60, %logistic3A_61 : vector<4096x128xbf16>
    %mul3A_63 = arith.mulf %convert_element_type3A_56, %logistic3A_62 : vector<4096x128xbf16>
    %get3A_64 = arith.constant 0 : index
    %get3A_65 = arith.constant 0 : index
    %get3A_66 = vector.load %arg6[%get3A_64, %get3A_65] : memref<128x128xf32, #tpu.memory_space<vmem>>, vector<128x128xf32>
    %convert_element_type3A_67 = arith.truncf %get3A_66 : vector<128x128xf32> to vector<128x128xbf16>
    %dot_general3A_68 = arith.constant dense<0.000000e+00> : vector<4096x128xf32>
    %dot_general3A_69 = tpu.matmul %mul3A_63, %convert_element_type3A_67, %dot_general3A_68 {dimension_numbers = #tpu.dot_dimension_numbers<[1], [0], [0], [1], [0, 0, 1, 1], [], []>, transpose_lhs_hint = false} : vector<4096x128xbf16>, vector<128x128xbf16>, vector<4096x128xf32> -> vector<4096x128xf32>
    %get3A_70 = arith.constant 0 : index
    %get3A_71 = arith.constant 0 : index
    %get3A_72 = vector.load %arg7[%get3A_70, %get3A_71] : memref<1x128xf32, #tpu.memory_space<vmem>>, vector<1x128xf32>
    %add3A_73 = vector.broadcast %get3A_72 : vector<1x128xf32> to vector<4096x128xf32>
    %add3A_74 = arith.addf %dot_general3A_69, %add3A_73 : vector<4096x128xf32>
    %convert_element_type3A_75 = arith.truncf %add3A_74 : vector<4096x128xf32> to vector<4096x128xbf16>
    %logistic3A_76 = arith.negf %convert_element_type3A_75 : vector<4096x128xbf16>
    %logistic3A_77 = math.exp %logistic3A_76 : vector<4096x128xbf16>
    %logistic3A_78 = arith.constant 1.000000e+00 : bf16
    %logistic3A_79 = vector.broadcast %logistic3A_78 : bf16 to vector<4096x128xbf16>
    %logistic3A_80 = arith.addf %logistic3A_79, %logistic3A_77 : vector<4096x128xbf16>
    %logistic3A_81 = arith.divf %logistic3A_79, %logistic3A_80 : vector<4096x128xbf16>
    %mul3A_82 = arith.mulf %convert_element_type3A_75, %logistic3A_81 : vector<4096x128xbf16>
    %get3A_83 = arith.constant 0 : index
    %get3A_84 = arith.constant 0 : index
    %get3A_85 = vector.load %arg8[%get3A_83, %get3A_84] : memref<128x128xf32, #tpu.memory_space<vmem>>, vector<128x128xf32>
    %convert_element_type3A_86 = arith.truncf %get3A_85 : vector<128x128xf32> to vector<128x128xbf16>
    %dot_general3A_87 = arith.constant dense<0.000000e+00> : vector<4096x128xf32>
    %dot_general3A_88 = tpu.matmul %mul3A_82, %convert_element_type3A_86, %dot_general3A_87 {dimension_numbers = #tpu.dot_dimension_numbers<[1], [0], [0], [1], [0, 0, 1, 1], [], []>, transpose_lhs_hint = false} : vector<4096x128xbf16>, vector<128x128xbf16>, vector<4096x128xf32> -> vector<4096x128xf32>
    %slice3A_89 = vector.extract_strided_slice %dot_general3A_88 {offsets = [0, 0], sizes = [4096, 1], strides = [1, 1]} : vector<4096x128xf32> to vector<4096x1xf32>
    %get3A_90 = arith.constant 0 : index
    %get3A_91 = arith.constant 0 : index
    %get3A_92 = vector.load %arg9[%get3A_90, %get3A_91] : memref<1x1xf32, #tpu.memory_space<vmem>>, vector<1x1xf32>
    %add3A_93 = vector.broadcast %get3A_92 : vector<1x1xf32> to vector<4096x1xf32>
    %add3A_94 = arith.addf %slice3A_89, %add3A_93 : vector<4096x1xf32>
    %add3A_95 = arith.constant 9.99999993E-9 : f32
    %add3A_96 = vector.broadcast %add3A_95 : f32 to vector<4096x1xf32>
    %add3A_97 = arith.addf %broadcast_in_dim3A, %add3A_96 : vector<4096x1xf32>
    %sqrt3A = math.sqrt %add3A_97 : vector<4096x1xf32>
    %div3A = arith.divf %add3A_94, %sqrt3A : vector<4096x1xf32>
    %mul3A_98 = vector.broadcast %div3A : vector<4096x1xf32> to vector<4096x16xf32>
    %mul3A_99 = arith.mulf %sub3A, %mul3A_98 : vector<4096x16xf32>
    %mul3A_100 = arith.constant 4096 : i32
    %mul3A_101 = arith.muli %arg0, %mul3A_100 : i32
    %iota3A = tpu.iota {dimensions = array<i32: 0>} : vector<4096x1xi32>
    %add3A_102 = vector.broadcast %mul3A_101 : i32 to vector<4096x1xi32>
    %add3A_103 = arith.addi %add3A_102, %iota3A : vector<4096x1xi32>
    %lt3A = arith.constant 320000 : i32
    %lt3A_104 = vector.broadcast %lt3A : i32 to vector<4096x1xi32>
    %lt3A_105 = arith.cmpi slt, %add3A_103, %lt3A_104 : vector<4096x1xi32>
    %convert_element_type3A_106 = arith.extf %mul3A_63 : vector<4096x128xbf16> to vector<4096x128xf32>
    %jit3A = arith.constant 0.000000e+00 : f32
    %broadcast_in_dim3A_107 = vector.shape_cast %lt3A_105 : vector<4096x1xi1> to vector<4096x1xi1>
    %broadcast_in_dim3A_108 = vector.broadcast %broadcast_in_dim3A_107 : vector<4096x1xi1> to vector<4096x128xi1>
    %broadcast_in_dim3A_109 = vector.broadcast %jit3A : f32 to vector<4096x128xf32>
    %select_n3A = arith.select %broadcast_in_dim3A_108, %convert_element_type3A_106, %broadcast_in_dim3A_109 : vector<4096x128xi1>, vector<4096x128xf32>
    %swap3A = arith.constant 0 : index
    %swap3A_110 = arith.constant 0 : index
    %swap3A_111 = vector.load %arg10[%swap3A, %swap3A_110] : memref<4096x128xf32, #tpu.memory_space<vmem>>, vector<4096x128xf32>
    tpu.vector_store %arg10[%swap3A, %swap3A_110], %select_n3A {strides = array<i32>} : memref<4096x128xf32, #tpu.memory_space<vmem>>, vector<4096x128xf32>,
    %jit3A_112 = arith.constant 0.000000e+00 : f32
    %broadcast_in_dim3A_113 = vector.shape_cast %lt3A_105 : vector<4096x1xi1> to vector<4096x1xi1>
    %broadcast_in_dim3A_114 = vector.broadcast %broadcast_in_dim3A_113 : vector<4096x1xi1> to vector<4096x16xi1>
    %broadcast_in_dim3A_115 = vector.broadcast %jit3A_112 : f32 to vector<4096x16xf32>
    %select_n3A_116 = arith.select %broadcast_in_dim3A_114, %mul3A_99, %broadcast_in_dim3A_115 : vector<4096x16xi1>, vector<4096x16xf32>
    %transpose3A = tpu.transpose %select_n3A_116, [1, 0] : vector<4096x16xf32> -> vector<16x4096xf32>
    %swap3A_117 = arith.constant 0 : index
    %swap3A_118 = arith.constant 0 : index
    %swap3A_119 = vector.load %arg11[%swap3A_117, %swap3A_118] : memref<16x4096xf32, #tpu.memory_space<vmem>>, vector<16x4096xf32>
    tpu.vector_store %arg11[%swap3A_117, %swap3A_118], %transpose3A {strides = array<i32>} : memref<16x4096xf32, #tpu.memory_space<vmem>>, vector<16x4096xf32>,
    return
  }
  func.func @transform_0(%arg0: i32) -> (i32, i32) {
    %c0_i32 = arith.constant 0 : i32
    %c0_i32_0 = arith.constant 0 : i32
    return %arg0, %c0_i32 : i32, i32
  }
  func.func @transform_1(%arg0: i32) -> (i32, i32) {
    %c0_i32 = arith.constant 0 : i32
    %c0_i32_0 = arith.constant 0 : i32
    return %arg0, %c0_i32 : i32, i32
  }
  func.func @transform_2(%arg0: i32) -> (i32, i32) {
    %c0_i32 = arith.constant 0 : i32
    %c0_i32_0 = arith.constant 0 : i32
    %c0_i32_1 = arith.constant 0 : i32
    return %c0_i32, %c0_i32_0 : i32, i32
  }
  func.func @transform_3(%arg0: i32) -> (i32, i32) {
    %c0_i32 = arith.constant 0 : i32
    %c0_i32_0 = arith.constant 0 : i32
    %c0_i32_1 = arith.constant 0 : i32
    return %c0_i32, %c0_i32_0 : i32, i32
  }
  func.func @transform_4(%arg0: i32) -> (i32, i32) {
    %c0_i32 = arith.constant 0 : i32
    %c0_i32_0 = arith.constant 0 : i32
    %c0_i32_1 = arith.constant 0 : i32
    return %c0_i32, %c0_i32_0 : i32, i32
  }
  func.func @transform_5(%arg0: i32) -> (i32, i32) {
    %c0_i32 = arith.constant 0 : i32
    %c0_i32_0 = arith.constant 0 : i32
    %c0_i32_1 = arith.constant 0 : i32
    return %c0_i32, %c0_i32_0 : i32, i32
  }
  func.func @transform_6(%arg0: i32) -> (i32, i32) {
    %c0_i32 = arith.constant 0 : i32
    %c0_i32_0 = arith.constant 0 : i32
    %c0_i32_1 = arith.constant 0 : i32
    return %c0_i32, %c0_i32_0 : i32, i32
  }
  func.func @transform_7(%arg0: i32) -> (i32, i32) {
    %c0_i32 = arith.constant 0 : i32
    %c0_i32_0 = arith.constant 0 : i32
    %c0_i32_1 = arith.constant 0 : i32
    return %c0_i32, %c0_i32_0 : i32, i32
  }
  func.func @transform_8(%arg0: i32) -> (i32, i32) {
    %c0_i32 = arith.constant 0 : i32
    %c0_i32_0 = arith.constant 0 : i32
    %c0_i32_1 = arith.constant 0 : i32
    return %c0_i32, %c0_i32_0 : i32, i32
  }
  func.func @transform_9(%arg0: i32) -> (i32, i32) {
    %c0_i32 = arith.constant 0 : i32
    %c0_i32_0 = arith.constant 0 : i32
    return %arg0, %c0_i32 : i32, i32
  }
  func.func @transform_10(%arg0: i32) -> (i32, i32) {
    %c0_i32 = arith.constant 0 : i32
    %c0_i32_0 = arith.constant 0 : i32
    return %c0_i32, %arg0 : i32, i32
  }
}

module attributes {stable_mosaic.version = 14 : i64} {
  func.func @body(%arg0: memref<10000x128xf32, #tpu.memory_space<vmem>>, %arg1: memref<316x128xf32, #tpu.memory_space<vmem>>, %arg2: memref<20224x128xf32, #tpu.memory_space<vmem>>, %arg3: memref<32x316x128xf32, #tpu.memory_space<vmem>>, %arg4: memref<128x128xf32, #tpu.memory_space<vmem>>, %arg5: memref<128x128xf32, #tpu.memory_space<vmem>>, %arg6: memref<1x128xf32, #tpu.memory_space<vmem>>, %arg7: memref<128x128xf32, #tpu.memory_space<vmem>>, %arg8: memref<1x128xf32, #tpu.memory_space<vmem>>, %arg9: memref<10000x128xf32, #tpu.memory_space<vmem>>, %arg10: memref<316x128xf32, #tpu.memory_space<vmem>>) attributes {dimension_semantics = [], scalar_prefetch = 0 : i64, scratch_operands = 0 : i64, tpu.core_type = #tpu.core_type<tc>} {
    %get3A = arith.constant 0 : index
    %get3A_0 = arith.constant 0 : index
    %get3A_1 = vector.load %arg0[%get3A, %get3A_0] : memref<10000x128xf32, #tpu.memory_space<vmem>>, vector<10000x128xf32>
    %get3A_2 = arith.constant 0 : index
    %get3A_3 = arith.constant 0 : index
    %get3A_4 = vector.load %arg2[%get3A_2, %get3A_3] : memref<20224x128xf32, #tpu.memory_space<vmem>>, vector<10000x128xf32>
    %get3A_5 = arith.constant 10112 : index
    %get3A_6 = arith.constant 0 : index
    %get3A_7 = vector.load %arg2[%get3A_5, %get3A_6] : memref<20224x128xf32, #tpu.memory_space<vmem>>, vector<10000x128xf32>
    %add3A = arith.addf %get3A_4, %get3A_7 : vector<10000x128xf32>
    %add3A_8 = arith.constant 0.000000e+00 : f32
    %add3A_9 = vector.broadcast %add3A_8 : f32 to vector<10000x128xf32>
    %add3A_10 = arith.addf %add3A_9, %add3A : vector<10000x128xf32>
    %get3A_11 = arith.constant 0 : index
    %get3A_12 = arith.constant 0 : index
    %get3A_13 = vector.load %arg4[%get3A_11, %get3A_12] : memref<128x128xf32, #tpu.memory_space<vmem>>, vector<128x128xf32>
    %dot_general3A = arith.constant dense<0.000000e+00> : vector<10000x128xf32>
    %dot_general3A_14 = tpu.matmul %get3A_1, %get3A_13, %dot_general3A {dimension_numbers = #tpu.dot_dimension_numbers<[1], [0], [0], [1], [0, 0, 1, 1], [], []>, transpose_lhs_hint = false} : vector<10000x128xf32>, vector<128x128xf32>, vector<10000x128xf32> -> vector<10000x128xf32>
    %get3A_15 = arith.constant 0 : index
    %get3A_16 = arith.constant 0 : index
    %get3A_17 = vector.load %arg5[%get3A_15, %get3A_16] : memref<128x128xf32, #tpu.memory_space<vmem>>, vector<128x128xf32>
    %dot_general3A_18 = arith.constant dense<0.000000e+00> : vector<10000x128xf32>
    %dot_general3A_19 = tpu.matmul %add3A_10, %get3A_17, %dot_general3A_18 {dimension_numbers = #tpu.dot_dimension_numbers<[1], [0], [0], [1], [0, 0, 1, 1], [], []>, transpose_lhs_hint = false} : vector<10000x128xf32>, vector<128x128xf32>, vector<10000x128xf32> -> vector<10000x128xf32>
    %add3A_20 = arith.addf %dot_general3A_14, %dot_general3A_19 : vector<10000x128xf32>
    %get3A_21 = arith.constant 0 : index
    %get3A_22 = arith.constant 0 : index
    %get3A_23 = vector.load %arg6[%get3A_21, %get3A_22] : memref<1x128xf32, #tpu.memory_space<vmem>>, vector<1x128xf32>
    %add3A_24 = vector.broadcast %get3A_23 : vector<1x128xf32> to vector<10000x128xf32>
    %add3A_25 = arith.addf %add3A_20, %add3A_24 : vector<10000x128xf32>
    %logistic3A = arith.negf %add3A_25 : vector<10000x128xf32>
    %logistic3A_26 = math.exp %logistic3A : vector<10000x128xf32>
    %logistic3A_27 = arith.constant 1.000000e+00 : f32
    %logistic3A_28 = vector.broadcast %logistic3A_27 : f32 to vector<10000x128xf32>
    %logistic3A_29 = arith.addf %logistic3A_28, %logistic3A_26 : vector<10000x128xf32>
    %logistic3A_30 = arith.divf %logistic3A_28, %logistic3A_29 : vector<10000x128xf32>
    %mul3A = arith.mulf %add3A_25, %logistic3A_30 : vector<10000x128xf32>
    %get3A_31 = arith.constant 0 : index
    %get3A_32 = arith.constant 0 : index
    %get3A_33 = vector.load %arg7[%get3A_31, %get3A_32] : memref<128x128xf32, #tpu.memory_space<vmem>>, vector<128x128xf32>
    %dot_general3A_34 = arith.constant dense<0.000000e+00> : vector<10000x128xf32>
    %dot_general3A_35 = tpu.matmul %mul3A, %get3A_33, %dot_general3A_34 {dimension_numbers = #tpu.dot_dimension_numbers<[1], [0], [0], [1], [0, 0, 1, 1], [], []>, transpose_lhs_hint = false} : vector<10000x128xf32>, vector<128x128xf32>, vector<10000x128xf32> -> vector<10000x128xf32>
    %add3A_36 = arith.addf %get3A_1, %dot_general3A_35 : vector<10000x128xf32>
    %get3A_37 = arith.constant 0 : index
    %get3A_38 = arith.constant 0 : index
    %get3A_39 = vector.load %arg8[%get3A_37, %get3A_38] : memref<1x128xf32, #tpu.memory_space<vmem>>, vector<1x128xf32>
    %add3A_40 = vector.broadcast %get3A_39 : vector<1x128xf32> to vector<10000x128xf32>
    %add3A_41 = arith.addf %add3A_36, %add3A_40 : vector<10000x128xf32>
    %swap3A = arith.constant 0 : index
    %swap3A_42 = arith.constant 0 : index
    %swap3A_43 = vector.load %arg9[%swap3A, %swap3A_42] : memref<10000x128xf32, #tpu.memory_space<vmem>>, vector<10000x128xf32>
    tpu.vector_store %arg9[%swap3A, %swap3A_42], %add3A_41 {strides = array<i32>} : memref<10000x128xf32, #tpu.memory_space<vmem>>, vector<10000x128xf32>,
    %get3A_44 = arith.constant 0 : index
    %get3A_45 = arith.constant 0 : index
    %get3A_46 = arith.constant 0 : index
    %get3A_47 = vector.load %arg3[%get3A_44, %get3A_45, %get3A_46] : memref<32x316x128xf32, #tpu.memory_space<vmem>>, vector<32x316x128xf32>
    %reduce_sum3A = arith.constant dense<0.000000e+00> : vector<316x128xf32>
    %reduce_sum3A_48 = vector.multi_reduction <add>, %get3A_47, %reduce_sum3A [0] : vector<32x316x128xf32> to vector<316x128xf32>
    %add3A_49 = arith.constant 0.000000e+00 : f32
    %add3A_50 = vector.broadcast %add3A_49 : f32 to vector<316x128xf32>
    %add3A_51 = arith.addf %add3A_50, %reduce_sum3A_48 : vector<316x128xf32>
    %get3A_52 = arith.constant 0 : index
    %get3A_53 = arith.constant 0 : index
    %get3A_54 = vector.load %arg1[%get3A_52, %get3A_53] : memref<316x128xf32, #tpu.memory_space<vmem>>, vector<316x128xf32>
    %add3A_55 = arith.addf %get3A_54, %add3A_51 : vector<316x128xf32>
    %swap3A_56 = arith.constant 0 : index
    %swap3A_57 = arith.constant 0 : index
    %swap3A_58 = vector.load %arg10[%swap3A_56, %swap3A_57] : memref<316x128xf32, #tpu.memory_space<vmem>>, vector<316x128xf32>
    tpu.vector_store %arg10[%swap3A_56, %swap3A_57], %add3A_55 {strides = array<i32>} : memref<316x128xf32, #tpu.memory_space<vmem>>, vector<316x128xf32>,
    return
  }
}

</mosaic_0001>

<sc_bundles>
// kernel: kernel.11.cloned.1.call-start
scs
__scs_entry_jumppad:
0x0: {  	(pc) =	sbr.rel $0x88, $3  }
0x1: {  	(tag) =	ssettag $0x0;
	lr =	simm.s32 $0x1  }
0x2: {  	[smem:$0x3F92] =	sst lr;
	_ =	strace $0xD0000000  }
0x3: {  	_ = 	snop  }
0x4: {  	_ = 	snop  }
0x5: {  	_ = 	snop  }
0x6: {  	_ = 	snop  }
0x7: {  	_ = 	snop  }
__scs_overlays_trampoline_lowered:
0x8: {  	[smem:$0x3FA1] =	sst s0  }
0x9: {  	[smem:$0x3FA2] =	sst s1  }
0xa: {  	[smem:$0x3FA3] =	sst s2  }
0xb: {  	[smem:$0x3FA4] =	sst s3  }
0xc: {  	[smem:$0x3FA5] =	sst s4  }
0xd: {  	[smem:$0x3FA6] =	sst s5  }
0xe: {  	[smem:$0x3FA7] =	sst s6  }
0xf: {  	[smem:$0x3FA8] =	sst s7  }
0x10: {  	[smem:$0x3FA9] =	sst s8  }
0x11: {  	[smem:$0x3FAA] =	sst s9;
	s0 =	simm.s32 @!p0 $0x0  }
0x12: {  	s1 =	sld [smem:$0x3F90];
	s0 =	simm.s32 @p0 $0x1  }
0x13: {  	[smem:$0x3FAB] =	sst s0;
	s0 =	simm.s32 @!p1 $0x0  }
0x14: {  	s2 =	sld [smem:$0x3F8F];
	s0 =	simm.s32 @p1 $0x1  }
0x15: {  	[smem:$0x3FAC] =	sst s0;
	s0 =	simm.s32 @!p2 $0x0  }
0x16: {  	s3 =	sld [smem:$0x3FDB];
	s0 =	simm.s32 @p2 $0x1  }
0x17: {  	s4 =	simm.s32 $0x1BF5;
	[smem:$0x3FAE] =	sst s0  }
0x18: {  	s0 =	sld [smem:$0x3F91];
	_ =	swait.ge [sflag:s4], $0x0  }
0x19: {  	s7 =	sld [smem:$0x3F92]  }
0x1a: {  	s8 =	sadd.s32 $0xFFFFE003, lr  }
0x1b: {  	s9 =	sadd.s32 $0xFFFFFEF7, lr;
	s5 =	simm.s32 $0xFFFFFFFF;
	p2 =	slt.u32 s8, $0xFFFFF086  }
0x1c: {  	p1 =	slt.u32 s9, $0xF7A;
	s5 =	simm.s32 @!p2 $0x0  }
0x1d: {  	s5 =	simm.s32 @p1 $0x1;
	p0 =	seq.s32 s7, s2  }
0x1e: {  	s7 =	smul.u32 @!p0 $0xF7A, s2;
	p2 =	seq.s32 @!p0 s5, $0x0  }
0x1f: {  	s9 =	smul.u32 $0xF7A, s1;
	s8 =	simm.s32 @!p0 $0x1BF5;
	p2 =	por !p2, p0  }
0x20: {  	[sflag:s8] =	ssyncset.s32 @!p0 $0xFFFFF086;
	s6 =	sadd.s32 @!p0 s3, s7;
	s7 =	simm.s32 @!p0 $0x108  }
0x21: {  	s3 =	sadd.s32 s3, s9;
	s6 =	sadd.s32 @!p0 $0x88, s6;
	s7 =	simm.s32 @p2 $0x1082  }
0x22: {  	[simem:s7], [sflag:s8] =	dma.local @!p0 [hbm:s6], $0xF7A  }
0x23: {  	s9 =	sor.u32 $0xD0000000, s2;
	s6 =	simm.s32 $0x108;
	_ =	swait.ge @!p0 [sflag:s8], $0x0  }
0x24: {  	s3 =	sadd.s32 $0x88, s3;
	s6 =	simm.s32 @!p1 $0x1082;
	[sflag:s4] =	ssyncset.s32 $0xFFFFF086  }
0x25: {  	[simem:s6], [sflag:s4] =	dma.local [hbm:s3], $0xF7A  }
0x26: {  	[smem:$0x3F92] =	sst s1;
	(tag) =	ssettag s2;
	_ =	strace s9  }
0x27: {  	s1 =	sld [smem:$0x3FA2]  }
0x28: {  	s2 =	sld [smem:$0x3FA3]  }
0x29: {  	s4 =	sld [smem:$0x3FA5]  }
0x2a: {  	p0 =	seq.s32 s5, $0x0;
	s5 =	sld [smem:$0x3FA6]  }
0x2b: {  	s6 =	sld [smem:$0x3FA7]  }
0x2c: {  	s7 =	sld [smem:$0x3FA8]  }
0x2d: {  	s3 =	simm.s32 $0x108;
	s8 =	sld [smem:$0x3FA9]  }
0x2e: {  	s3 =	simm.s32 @!p0 $0x1082;
	s9 =	sld [smem:$0x3FAA]  }
0x2f: {  	lr =	sadd.s32 s0, s3;
	s0 =	sld [smem:$0x3FA1]  }
0x30: {  	s3 =	sld [smem:$0x3FA4]  }
0x31: {  	[smem:$0x3FAD] =	sst s10  }
0x32: {  	s10 =	sld [smem:$0x3FAB];
	_ =	sdelay $0x3  }
0x33: {  	p0 =	seq.s32 s10, $0x1;
	s10 =	sld [smem:$0x3FAD];
	_ =	sdelay $0x3  }
0x34: {  	[smem:$0x3FAD] =	sst s10  }
0x35: {  	s10 =	sld [smem:$0x3FAC];
	_ =	sdelay $0x3  }
0x36: {  	p1 =	seq.s32 s10, $0x1;
	s10 =	sld [smem:$0x3FAD];
	_ =	sdelay $0x3  }
0x37: {  	[smem:$0x3FAD] =	sst s10  }
0x38: {  	s10 =	sld [smem:$0x3FAE]  }
0x39: {  	_ = 	snop;
	(pc) =	sbr.ind lr, $3  }
0x3a: {  	_ = 	snop  }
0x3b: {  	_ = 	snop  }
0x3c: {  	p2 =	seq.s32 s10, $0x1;
	s10 =	sld [smem:$0x3FAD]  }
0x3d: {  	_ =	shalt  }
0x3e: {  	_ =	shalt  }
0x3f: {  	_ =	shalt  }
0x40: {  	_ =	shalt  }
0x41: {  	_ =	shalt  }
0x42: {  	_ =	shalt  }
0x43: {  	_ =	shalt  }
0x44: {  	_ =	shalt  }
0x45: {  	_ =	shalt  }
0x46: {  	_ =	shalt  }
0x47: {  	_ =	shalt  }
0x48: {  	_ =	shalt  }
0x49: {  	_ =	shalt  }
0x4a: {  	_ =	shalt  }
0x4b: {  	_ =	shalt  }
0x4c: {  	_ =	shalt  }
0x4d: {  	_ =	shalt  }
0x4e: {  	_ =	shalt  }
0x4f: {  	_ =	shalt  }
0x50: {  	_ =	shalt  }
0x51: {  	_ =	shalt  }
0x52: {  	_ =	shalt  }
0x53: {  	_ =	shalt  }
0x54: {  	_ =	shalt  }
0x55: {  	_ =	shalt  }
0x56: {  	_ =	shalt  }
0x57: {  	_ =	shalt  }
0x58: {  	_ =	shalt  }
0x59: {  	_ =	shalt  }
0x5a: {  	_ =	shalt  }
0x5b: {  	_ =	shalt  }
0x5c: {  	_ =	shalt  }
0x5d: {  	_ =	shalt  }
0x5e: {  	_ =	shalt  }
0x5f: {  	_ =	shalt  }
0x60: {  	_ =	shalt  }
0x61: {  	_ =	shalt  }
0x62: {  	_ =	shalt  }
0x63: {  	_ =	shalt  }
0x64: {  	_ =	shalt  }
0x65: {  	_ =	shalt  }
0x66: {  	_ =	shalt  }
0x67: {  	_ =	shalt  }
0x68: {  	_ =	shalt  }
0x69: {  	_ =	shalt  }
0x6a: {  	_ =	shalt  }
0x6b: {  	_ =	shalt  }
0x6c: {  	_ =	shalt  }
0x6d: {  	_ =	shalt  }
0x6e: {  	_ =	shalt  }
0x6f: {  	_ =	shalt  }
0x70: {  	_ =	shalt  }
0x71: {  	_ =	shalt  }
0x72: {  	_ =	shalt  }
0x73: {  	_ =	shalt  }
0x74: {  	_ =	shalt  }
0x75: {  	_ =	shalt  }
0x76: {  	_ =	shalt  }
0x77: {  	_ =	shalt  }
0x78: {  	_ =	shalt  }
0x79: {  	_ =	shalt  }
0x7a: {  	_ =	shalt  }
0x7b: {  	_ =	shalt  }
0x7c: {  	_ =	shalt  }
0x7d: {  	_ =	shalt  }
0x7e: {  	_ =	shalt  }
0x7f: {  	_ =	shalt  }
0x80: {  	_ =	shalt  }
0x81: {  	_ =	shalt  }
0x82: {  	_ =	shalt  }
0x83: {  	_ =	shalt  }
0x84: {  	_ =	shalt  }
0x85: {  	_ =	shalt  }
0x86: {  	_ =	shalt  }
0x87: {  	_ =	shalt  }
.Lfunc_end0:
.L_simem_size_0:
called_computation.1_lowered:
.L_overlay_start_0:
0x88: {  	s2 =	sld [smem:$0x3FD9]  }
0x89: {  	s3 =	sld [smem:$0x3FFE];
	_ =	sdelay $0x1  }
0x8a: {  	s1 =	srdreg.scid  }
0x8b: {  	s0 =	sand.u32 $0x1, s1  }
0x8c: {  	s15 =	sshll.u32 s0, $0xA;
	s2 =	sadd.s32 s3, s2  }
0x8d: {  	s2 =	sadd.s32 s2, s15  }
0x8e: {  	[smem:$0x3FB9] =	sst s2  }
0x8f: {  	_ = 	snop  }
0x90: {  	s2 =	sld [smem:$0x3FD0];
	_ =	sdelay $0x2  }
0x91: {  	s16 =	simm.s32 $0xB;
	s4 =	simm.s32 $0x10  }
0x92: {  	[smem:s4], [sflag:s16] =	dma.local [hbm:s2], $0x1  }
0x93: {  	_ =	swait.eq [sflag:s16], $0x1  }
0x94: {  	[sflag:s16] =	ssyncset.done $0x0  }
0x95: {  	[sflag:s16] =	ssyncadd.s32 $0xFFFFFFFF  }
0x96: {  	s17 =	sld [smem:$0x10];
	(tm) =	ssettm $0x1  }
0x97: {  	s18 =	sld [smem:$0x3FFB];
	_ =	sdelay $0x3  }
0x98: {  	_ =	strace s18  }
0x99: {  	s2 =	sld [smem:$0x3FFC];
	_ =	sdelay $0x3  }
0x9a: {  	_ =	strace s2  }
0x9b: {  	s2 =	sld [smem:$0x3FFD];
	_ =	sdelay $0x3  }
0x9c: {  	_ =	strace s2  }
0x9d: {  	_ =	strace $0x8FFFFFFF  }
0x9e: {  	s19 =	sld [smem:$0x3FDB];
	_ =	sdelay $0x1  }
0x9f: {  	s20 =	simm.s32 $_scs_section_size  }
0xa0: {  	s5 =	simm.s32 $_size__tile_overlayer_lowered;
	s6 =	simm.s32 $_tile_overlayer_lowered  }
0xa1: {  	s7 =	simm.s32 $0x1BFF;
	s21 =	sshll.u32 s6, $0x1;
	s4 =	sadd.s32 s20, s19  }
0xa2: {  	s22 =	simm.s32 $0x0;
	s5 =	sshll.u32 s5, $0x1;
	s6 =	sadd.s32 s21, s4  }
0xa3: {  	[timem:s22], [sflag:s7] =	dma.local [hbm:s6], s5  }
0xa4: {  	_ =	swait.ge [sflag:s7], s5  }
0xa5: {  	s5 =	ssub.s32 $0x0, s5;
	[sflag:s7] =	ssyncset.done $0x0  }
0xa6: {  	[sflag:s7] =	ssyncadd.s32 s5;
	_ =	sdelay $0x1  }
0xa7: {  	s23 =	simm.s32 $0x1B8B  }
0xa8: {  	_ =	swait.ge [sflag:s23], $0x1  }
0xa9: {  	[sflag:s23] =	ssyncset.done $0x0  }
0xaa: {  	[sflag:s23] =	ssyncadd.s32 $0xFFFFFFFF  }
0xab: {  	s5 =	sld [smem:$0x0]  }
0xac: {  	s6 =	sand.u32 $0xFFFFFFFE, s1  }
0xad: {  	p0 =	sne.s32 s1, s6  }
0xae: {  	s6 =	sshll.u32 @p0 s6, $0xE  }
0xaf: {  	s6 =	sadd.s32 @p0 $0x11B8D, s6;
	s7 =	sshll.u32 @p0 s5, $0x11  }
0xb0: {  	s6 =	sor.u32 @p0 s7, s6  }
0xb1: {  	[sflag:s6] =	ssyncadd.remote.s32 @p0 $0x1;
	_ =	sdelay $0x1  }
0xb2: {  	s6 =	simm.s32 @p0 $0x1B8D  }
0xb3: {  	_ =	swait.eq @p0 [sflag:s6], $0x1  }
0xb4: {  	[sflag:s6] =	ssyncadd.s32 @p0 $0xFFFFFFFF  }
0xb5: {  	s7 =	sshll.u32 @!p0 s1, $0xE  }
0xb6: {  	s7 =	sor.u32 @!p0 $0x4000, s7;
	s6 =	simm.s32 @!p0 $0x1B8D  }
0xb7: {  	s5 =	sshll.u32 @!p0 s5, $0x11;
	s7 =	sadd.s32 @!p0 $0x11B8D, s7;
	_ =	swait.eq @!p0 [sflag:s6], $0x1  }
0xb8: {  	s5 =	sor.u32 @!p0 s5, s7;
	[sflag:s6] =	ssyncadd.s32 @!p0 $0xFFFFFFFF  }
0xb9: {  	s25 =	simm.s32 $0x1B8E;
	s24 =	sld [smem:$0x3FFE];
	[sflag:s5] =	ssyncadd.remote.s32 @!p0 $0x1  }
0xba: {  	s26 =	simm.s32 $execute0_lowered;
	[smem:$0x3FD2] =	sst s25  }
0xbb: {  	s6 =	sshll.u32 s26, $0x1;
	_ =	strace $0x8000004C;
	[dreg:$0x1] =	wrdreg $0xFFFFFFFF  }
0xbc: {  	s28 =	simm.s32 $_size_execute0_lowered;
	s4 =	sadd.s32 s4, s6;
	[dreg:$0x0] =	wrdreg $0x0  }
0xbd: {  	s6 =	sshll.u32 s28, $0x1;
	[dreg:$0x2] =	wrdreg s4  }
0xbe: {  	[dreg:$0x3] =	wrdreg s6  }
0xbf: {  	[dreg:$0x4] =	wrdreg $0xC0  }
0xc0: {  	_ =	task [dreg:s22], $0x5FFFF  }
0xc1: {  	[dreg:$0x1] =	wrdreg $0xFFFFFFFF  }
0xc2: {  	[dreg:$0x0] =	wrdreg $0x60  }
0xc3: {  	[dreg:$0x2] =	wrdreg s24  }
0xc4: {  	[dreg:$0x3] =	wrdreg s17  }
0xc5: {  	[dreg:$0x4] =	wrdreg $0x0  }
0xc6: {  	[dreg:$0x5] =	wrdreg $0x9  }
0xc7: {  	_ =	task.clear_ibuf [dreg:s22], $0x6FFFF;
	_ =	strace $0x9000004C  }
0xc8: {  	s29 =	simm.s32 $0x9;
	_ =	strace $0x8000004E  }
0xc9: {  	_ =	swait.ge [sflag:s29], $0x1  }
0xca: {  	[sflag:s29] =	ssyncadd.s32 $0xFFFFFFFF  }
0xcb: {  	_ =	strace $0x9000004E  }
0xcc: {  	_ =	sfence  }
0xcd: {  	s30 =	sld [smem:$0x0];
	_ =	sdelay $0x2  }
0xce: {  	s31 =	sshll.u32 s1, $0xD;
	s1 =	sshrl.u32 s1, $0x2  }
0xcf: {  	s4 =	sand.u32 $0x4000, s31;
	s1 =	sadd.s32 s1, s30  }
0xd0: {  	s0 =	sor.u32 s4, s0;
	s1 =	sshll.u32 s1, $0x11  }
0xd1: {  	s0 =	sor.u32 s1, s0  }
0xd2: {  	s0 =	sadd.s32 $0x8F2B, s0  }
0xd3: {  	[sflag:s0] =	ssyncadd.remote.s32 $0x1  }
0xd4: {  	_ =	sfence.sel $0xFFFF  }
0xd5: {  	[dreg:$0x0] =	wrdreg $0xFFFFFFFF;
	(pc) =	sbr.abs _section_cstart, $3  }
0xd6: {  	[dreg:$0x1] =	wrdreg $0xFFFFFFFF  }
0xd7: {  	_ =	task.clear_ibuf [dreg:s22], $0x2FFFF;
	_ =	strace $0x9FFFFFFF  }
0xd8: {  	(tm) =	ssettm $0x7FFFFFFF  }
0xd9: {  	_ =	shalt  }
tec
execute0_lowered:
.L_overlay_start_1:
0x0: {  	(tag) =	ssettag $0x1  }
0x1: {  	s5 =	rddreg [dreg:$0x0]  }
0x2: {  	s0 =	srdreg.scid;
	s2 =	rddreg [dreg:$0x1]  }
0x3: {  	s3 =	rddreg [dreg:$0x2];
	s8 =	sand.u32 $0x1, s0;
	s0 =	stileid.u32  }
0x4: {  	s4 =	simm.s32 $0x0;
	s16 =	simm.s32 $0x1A400;
	s9 =	smul.u32 $0x2780, s0  }
0x5: {  	s17 =	simm.s32 $0x1;
	s18 =	simm.s32 $0x80;
	s10 =	smul.u32 $0x27800, s8  }
0x6: {  	s19 =	simm.s32 $0x2;
	s20 =	simm.s32 $0x16300;
	s13 =	smul.u32 $0x4F000, s0  }
0x7: {  	s21 =	simm.s32 $0x16380;
	s22 =	simm.s32 $0x0;
	s29 =	smul.u32 $0x1400000, s8  }
0x8: {  	[smem:$0x7FF] =	sst s4;
	s11 =	sadd.s32 $0xA5D400, s5;
	s15 =	smul.u32 $0x140000, s0  }
0x9: {  	s1 =	sshll.u32 s8, $0x4;
	s12 =	ssub.s32 $0x2, s8;
	s30 =	smul.u32 $0x280000, s8  }
0xa: {  	s28 =	sshll.u32 s0, $0x6;
	s31 =	smul.u32 $0x28000, s0;
	s6 =	sor.u32 s0, s1  }
0xb: {  	s1 =	rddreg [dreg:$0x3];
	_ =	strace $0x8000004D;
	s24 =	sshrl.u32 s12, $0x1  }
0xc: {  	s7 =	smul.u32 $0x500, s6;
	s9 =	sadd.s32 s9, s10;
	s10 =	ssub.s32 s12, s24  }
0xd: {  	s25 =	smul.u32 $0x28000, s6;
	s26 =	sshrl.u32 s13, $0x2;
	s13 =	sadd.s32 s15, s29  }
0xe: {  	s12 =	sadd.s32 s30, s11;
	s15 =	simm.s32 $0x16400;
	s9 =	sadd.s32 s9, s5  }
0xf: {  	s14 =	sadd.s32 s26, s3;
	s13 =	sor.u32 $0x8000, s13;
	s12 =	sadd.s32 s31, s12  }
0x10: {  	s7 =	sadd.s32 s7, s5;
	s5 =	sor.u32 $0x1C03, s28;
	s8 =	sadd.s32 $0xD7000, s9  }
0x11: {  	s9 =	smax.u32 s10, $0x1;
	s13 =	sshrl.u32 s13, $0x3;
	s12 =	sadd.s32 $0x800, s12  }
0x12: {  	s6 =	sadd.s32 $0x4400, s7;
	s7 =	sadd.s32 s11, s25;
	s11 =	sadd.s32 s13, s11  }
0x13: {  	s13 =	sshrl.u32 s14, $0x3;
	s14 =	simm.s32 $0x3;
	s10 =	sadd.s32 $0x27800, s7  }
.LBB2_1:
0x14: {  	[spmem:s13], [sflag:s5] =	dma.local [hbm:s2], $0x2780  }
0x15: {  	_ =	swait.ge [sflag:s14], $0x2780  }
0x16: {  	[sflag:s14] =	ssyncset.done $0x0  }
0x17: {  	s23 =	simm.s32 $0x13C00;
	[sflag:s14] =	ssyncadd.s32 $0xFFFFD880  }
0x18: {  	[tilespmem:s23], [sflag:$0x3] =	stream.linear.gather [hbm4b:s6+s4], $0x2800, $0x38;
	[tilespmem:$0x1E400] =	vst v63  }
0x19: {  	_ =	swait.ge [sflag:s14], $0x2800  }
0x1a: {  	[sflag:s14] =	ssyncset.done $0x0  }
0x1b: {  	[sflag:s14] =	ssyncadd.s32 $0xFFFFD800  }
0x1c: {  	[bflag:$0x0] =	sbarrier.arrive $0xFFFF  }
0x1d: {  	[tilespmem:s15], [sflag:$0x1] =	stream.linear.gather [hbm4b:s7+s4], $0x4000, $0x38;
	[tilespmem:$0x1E400] =	vst v63  }
0x1e: {  	s24 =	sadd.s32 $0x0, s12  }
0x1f: {  	[tilespmem:s16], [sflag:$0x2] =	stream.linear.gather [hbm4b:s24+s4], $0x4000, $0x38;
	[tilespmem:$0x1E400] =	vst v63  }
0x20: {  	_ =	swait.ge [sflag:s17], $0x4000  }
0x21: {  	[sflag:s17] =	ssyncset.done $0x0  }
0x22: {  	[sflag:s17] =	ssyncadd.s32 $0xFFFFC000  }
0x23: {  	[spmem:s3] =	stream.indirect.scatter.add.f32 [tilespmem:s15], [sflag:$0x3], $0x80, s23, s18, $0xb8;
	[tilespmem:$0x1E400] =	vst v63  }
0x24: {  	_ =	swait.ge [sflag:s14], $0x4000  }
0x25: {  	[sflag:s14] =	ssyncset.done $0x0  }
0x26: {  	s30 =	sadd.s32 $0x0, s11;
	[sflag:s14] =	ssyncadd.s32 $0xFFFFC000  }
0x27: {  	[tilespmem:s15], [sflag:$0x1] =	stream.linear.gather [hbm4b:s30+s4], $0x4000, $0x38;
	[tilespmem:$0x1E400] =	vst v63  }
0x28: {  	_ =	swait.ge [sflag:s19], $0x4000  }
0x29: {  	[sflag:s19] =	ssyncset.done $0x0  }
0x2a: {  	s31 =	simm.s32 $0x13C80;
	[sflag:s19] =	ssyncadd.s32 $0xFFFFC000  }
0x2b: {  	[spmem:s3] =	stream.indirect.scatter.add.f32 [tilespmem:s16], [sflag:$0x3], $0x80, s31, s18, $0xb8;
	[tilespmem:$0x1E400] =	vst v63  }
0x2c: {  	s25 =	simm.s32 $0x2000;
	_ =	swait.ge [sflag:s14], $0x4000  }
0x2d: {  	s24 =	simm.s32 $0x1000;
	s23 =	simm.s32 $0x13D00;
	[sflag:s14] =	ssyncset.done $0x0  }
.LBB2_2:
0x2e: {  	s26 =	sadd.s32 s24, s12  }
0x2f: {  	[sflag:s14] =	ssyncadd.s32 $0xFFFFC000;
	s28 =	smov.u32 s25;
	s29 =	sadd.s32 $0x1000, s25  }
0x30: {  	[tilespmem:s16], [sflag:$0x2] =	stream.linear.gather [hbm4b:s26+s4], $0x4000, $0x38;
	[tilespmem:$0x1E400] =	vst v63  }
0x31: {  	p0 =	sne.s32 s25, $0x26000;
	_ =	swait.ge [sflag:s17], $0x4000  }
0x32: {  	[sflag:s17] =	ssyncset.done $0x0  }
0x33: {  	[sflag:s17] =	ssyncadd.s32 $0xFFFFC000  }
0x34: {  	[spmem:s3] =	stream.indirect.scatter.add.f32 [tilespmem:s15], [sflag:$0x3], $0x80, s23, s18, $0xb8;
	[tilespmem:$0x1E400] =	vst v63  }
0x35: {  	_ =	swait.ge [sflag:s14], $0x4000  }
0x36: {  	[sflag:s14] =	ssyncset.done $0x0  }
0x37: {  	s25 =	sadd.s32 s24, s11;
	s24 =	smov.u32 s28;
	[sflag:s14] =	ssyncadd.s32 $0xFFFFC000  }
0x38: {  	[tilespmem:s15], [sflag:$0x1] =	stream.linear.gather [hbm4b:s25+s4], $0x4000, $0x38;
	[tilespmem:$0x1E400] =	vst v63  }
0x39: {  	_ =	swait.ge [sflag:s19], $0x4000  }
.Ltmp0:
0x3a: {  	[sflag:s19] =	ssyncset.done $0x0;
	(pc) =	sbr.rel @p0 .LBB2_2-.Ltmp0, $4  }
0x3b: {  	s25 =	sadd.s32 $0x80, s23;
	[sflag:s19] =	ssyncadd.s32 $0xFFFFC000  }
0x3c: {  	[spmem:s3] =	stream.indirect.scatter.add.f32 [tilespmem:s16], [sflag:$0x3], $0x80, s25, s18, $0xb8;
	[tilespmem:$0x1E400] =	vst v63  }
0x3d: {  	_ =	swait.ge [sflag:s14], $0x4000  }
0x3e: {  	s23 =	sadd.s32 $0x100, s23;
	s25 =	smov.u32 s29;
	[sflag:s14] =	ssyncset.done $0x0  }
0x3f: {  	s25 =	sadd.s32 s24, s12;
	[sflag:s14] =	ssyncadd.s32 $0xFFFFC000  }
0x40: {  	[tilespmem:s16], [sflag:$0x2] =	stream.linear.gather [hbm4b:s25+s4], $0x4000, $0x38;
	[tilespmem:$0x1E400] =	vst v63  }
0x41: {  	_ =	swait.ge [sflag:s17], $0x4000  }
0x42: {  	[sflag:s17] =	ssyncset.done $0x0  }
0x43: {  	[sflag:s17] =	ssyncadd.s32 $0xFFFFC000  }
0x44: {  	[spmem:s3] =	stream.indirect.scatter.add.f32 [tilespmem:s15], [sflag:$0x3], $0x80, s23, s18, $0xb8;
	[tilespmem:$0x1E400] =	vst v63  }
0x45: {  	_ =	swait.ge [sflag:s14], $0x4000  }
0x46: {  	[sflag:s14] =	ssyncset.done $0x0  }
0x47: {  	s30 =	sadd.s32 s24, s11;
	[sflag:s14] =	ssyncadd.s32 $0xFFFFC000  }
0x48: {  	[tilespmem:s15], [sflag:$0x1] =	stream.linear.gather [hbm4b:s30+s4], $0x4000, $0x38;
	[tilespmem:$0x1E400] =	vst v63  }
0x49: {  	_ =	swait.ge [sflag:s19], $0x4000  }
0x4a: {  	[sflag:s19] =	ssyncset.done $0x0  }
0x4b: {  	s31 =	sadd.s32 $0x80, s23;
	[sflag:s19] =	ssyncadd.s32 $0xFFFFC000  }
0x4c: {  	[spmem:s3] =	stream.indirect.scatter.add.f32 [tilespmem:s16], [sflag:$0x3], $0x80, s31, s18, $0xb8;
	[tilespmem:$0x1E400] =	vst v63  }
0x4d: {  	_ =	swait.ge [sflag:s14], $0x4000  }
0x4e: {  	[sflag:s14] =	ssyncset.done $0x0  }
0x4f: {  	[sflag:s14] =	ssyncadd.s32 $0xFFFFC000  }
0x50: {  	[tilespmem:s16], [sflag:$0x2] =	stream.linear.gather [hbm4b:s10+s4], $0x4000, $0x38;
	[tilespmem:$0x1E400] =	vst v63  }
0x51: {  	_ =	swait.ge [sflag:s17], $0x4000  }
0x52: {  	[sflag:s17] =	ssyncset.done $0x0  }
0x53: {  	[sflag:s17] =	ssyncadd.s32 $0xFFFFC000  }
0x54: {  	[spmem:s3] =	stream.indirect.scatter.add.f32 [tilespmem:s15], [sflag:$0x3], $0x80, s20, s18, $0xb8;
	[tilespmem:$0x1E400] =	vst v63  }
0x55: {  	_ =	swait.ge [sflag:s14], $0x4000  }
0x56: {  	[sflag:s14] =	ssyncset.done $0x0  }
0x57: {  	[sflag:s14] =	ssyncadd.s32 $0xFFFFC000  }
0x58: {  	_ =	swait.ge [sflag:s19], $0x4000  }
0x59: {  	[sflag:s19] =	ssyncset.done $0x0  }
0x5a: {  	[sflag:s19] =	ssyncadd.s32 $0xFFFFC000  }
0x5b: {  	[spmem:s3] =	stream.indirect.scatter.add.f32 [tilespmem:s16], [sflag:$0x3], $0x80, s21, s18, $0xb8;
	[tilespmem:$0x1E400] =	vst v63  }
0x5c: {  	_ =	swait.ge [sflag:s14], $0x4000  }
0x5d: {  	s22 =	sadd.s32 $0x1, s22;
	[sflag:s14] =	ssyncset.done $0x0  }
0x5e: {  	p0 =	sne.s32 s22, s9;
	[sflag:s14] =	ssyncadd.s32 $0xFFFFC000  }
.Ltmp1:
0x5f: {  	[bflag:$0x0] =	sbarrier.arrive $0xFFFF;
	(pc) =	sbr.rel @p0 .LBB2_1-.Ltmp1, $4  }
0x60: {  	[hbm:s8], [sflag:s5] =	dma.local [spmem:s13], $0x2780  }
0x61: {  	_ =	swait.ge [sflag:s14], $0x2780  }
0x62: {  	[sflag:s14] =	ssyncset.done $0x0  }
0x63: {  	[sflag:s14] =	ssyncadd.s32 $0xFFFFD880  }
0x64: {  	_ =	sfence.sel $0x180000  }
0x65: {  	[bflag:$0x0] =	sbarrier.arrive $0xFFFF  }
0x66: {  	p0 =	sne.s32 s0, $0x0;
	_ =	strace $0x9000004D  }
0x67: {  	s0 =	sadd.s32 @!p0 $0x100000, s1;
	[bflag:$0x2] =	sbarrier.arrive $0xFFFF  }
0x68: {  	[sflag:s0] =	ssyncadd.tile.s32 @!p0 $0x1;
	_ =	shalt  }
.Lfunc_end2:
_tile_overlayer_lowered:
.L_overlay_start_2:
0x69: {  	(tag) =	ssettag $0x2  }
0x6a: {  	s0 =	rddreg [dreg:$0x0];
	s2 =	stileid.u32  }
0x6b: {  	s1 =	rddreg [dreg:$0x1];
	p0 =	sne.s32 s2, $0x0  }
0x6c: {  	s3 =	rddreg [dreg:$0x2];
	[bflag:$0x3] =	sbarrier.arrive $0xFFFF;
	s2 =	simm.s32 @!p0 $0x1C03  }
0x6d: {  	[timem:s3], [sflag:s2] =	dma.local @!p0 [hbm:s0], s1  }
0x6e: {  	s0 =	simm.s32 @!p0 $0x3  }
0x6f: {  	_ =	swait.ge @!p0 [sflag:s0], s1  }
0x70: {  	s1 =	ssub.s32 @!p0 $0x0, s1;
	[sflag:s0] =	ssyncset.done @!p0 $0x0  }
0x71: {  	[sflag:s0] =	ssyncadd.s32 @!p0 s1  }
0x72: {  	[bflag:$0x3] =	sbarrier.arrive $0xFFFF  }
0x73: {  	_ =	shalt  }

// kernel: kernel.14.cloned.1.call-start
scs
__scs_entry_jumppad:
0x0: {  	(pc) =	sbr.rel $0x88, $3  }
0x1: {  	(tag) =	ssettag $0x0;
	lr =	simm.s32 $0x1  }
0x2: {  	[smem:$0x3F92] =	sst lr;
	_ =	strace $0xD0000000  }
0x3: {  	_ = 	snop  }
0x4: {  	_ = 	snop  }
0x5: {  	_ = 	snop  }
0x6: {  	_ = 	snop  }
0x7: {  	_ = 	snop  }
__scs_overlays_trampoline_lowered:
0x8: {  	[smem:$0x3FA1] =	sst s0  }
0x9: {  	[smem:$0x3FA2] =	sst s1  }
0xa: {  	[smem:$0x3FA3] =	sst s2  }
0xb: {  	[smem:$0x3FA4] =	sst s3  }
0xc: {  	[smem:$0x3FA5] =	sst s4  }
0xd: {  	[smem:$0x3FA6] =	sst s5  }
0xe: {  	[smem:$0x3FA7] =	sst s6  }
0xf: {  	[smem:$0x3FA8] =	sst s7  }
0x10: {  	[smem:$0x3FA9] =	sst s8  }
0x11: {  	[smem:$0x3FAA] =	sst s9;
	s0 =	simm.s32 @!p0 $0x0  }
0x12: {  	s1 =	sld [smem:$0x3F90];
	s0 =	simm.s32 @p0 $0x1  }
0x13: {  	[smem:$0x3FAB] =	sst s0;
	s0 =	simm.s32 @!p1 $0x0  }
0x14: {  	s2 =	sld [smem:$0x3F8F];
	s0 =	simm.s32 @p1 $0x1  }
0x15: {  	[smem:$0x3FAC] =	sst s0;
	s0 =	simm.s32 @!p2 $0x0  }
0x16: {  	s3 =	sld [smem:$0x3FDB];
	s0 =	simm.s32 @p2 $0x1  }
0x17: {  	s4 =	simm.s32 $0x1BF5;
	[smem:$0x3FAE] =	sst s0  }
0x18: {  	s0 =	sld [smem:$0x3F91];
	_ =	swait.ge [sflag:s4], $0x0  }
0x19: {  	s7 =	sld [smem:$0x3F92]  }
0x1a: {  	s8 =	sadd.s32 $0xFFFFE003, lr  }
0x1b: {  	s9 =	sadd.s32 $0xFFFFFEF7, lr;
	s5 =	simm.s32 $0xFFFFFFFF;
	p2 =	slt.u32 s8, $0xFFFFF086  }
0x1c: {  	p1 =	slt.u32 s9, $0xF7A;
	s5 =	simm.s32 @!p2 $0x0  }
0x1d: {  	s5 =	simm.s32 @p1 $0x1;
	p0 =	seq.s32 s7, s2  }
0x1e: {  	s7 =	smul.u32 @!p0 $0xF7A, s2;
	p2 =	seq.s32 @!p0 s5, $0x0  }
0x1f: {  	s9 =	smul.u32 $0xF7A, s1;
	s8 =	simm.s32 @!p0 $0x1BF5;
	p2 =	por !p2, p0  }
0x20: {  	[sflag:s8] =	ssyncset.s32 @!p0 $0xFFFFF086;
	s6 =	sadd.s32 @!p0 s3, s7;
	s7 =	simm.s32 @!p0 $0x108  }
0x21: {  	s3 =	sadd.s32 s3, s9;
	s6 =	sadd.s32 @!p0 $0x88, s6;
	s7 =	simm.s32 @p2 $0x1082  }
0x22: {  	[simem:s7], [sflag:s8] =	dma.local @!p0 [hbm:s6], $0xF7A  }
0x23: {  	s9 =	sor.u32 $0xD0000000, s2;
	s6 =	simm.s32 $0x108;
	_ =	swait.ge @!p0 [sflag:s8], $0x0  }
0x24: {  	s3 =	sadd.s32 $0x88, s3;
	s6 =	simm.s32 @!p1 $0x1082;
	[sflag:s4] =	ssyncset.s32 $0xFFFFF086  }
0x25: {  	[simem:s6], [sflag:s4] =	dma.local [hbm:s3], $0xF7A  }
0x26: {  	[smem:$0x3F92] =	sst s1;
	(tag) =	ssettag s2;
	_ =	strace s9  }
0x27: {  	s1 =	sld [smem:$0x3FA2]  }
0x28: {  	s2 =	sld [smem:$0x3FA3]  }
0x29: {  	s4 =	sld [smem:$0x3FA5]  }
0x2a: {  	p0 =	seq.s32 s5, $0x0;
	s5 =	sld [smem:$0x3FA6]  }
0x2b: {  	s6 =	sld [smem:$0x3FA7]  }
0x2c: {  	s7 =	sld [smem:$0x3FA8]  }
0x2d: {  	s3 =	simm.s32 $0x108;
	s8 =	sld [smem:$0x3FA9]  }
0x2e: {  	s3 =	simm.s32 @!p0 $0x1082;
	s9 =	sld [smem:$0x3FAA]  }
0x2f: {  	lr =	sadd.s32 s0, s3;
	s0 =	sld [smem:$0x3FA1]  }
0x30: {  	s3 =	sld [smem:$0x3FA4]  }
0x31: {  	[smem:$0x3FAD] =	sst s10  }
0x32: {  	s10 =	sld [smem:$0x3FAB];
	_ =	sdelay $0x3  }
0x33: {  	p0 =	seq.s32 s10, $0x1;
	s10 =	sld [smem:$0x3FAD];
	_ =	sdelay $0x3  }
0x34: {  	[smem:$0x3FAD] =	sst s10  }
0x35: {  	s10 =	sld [smem:$0x3FAC];
	_ =	sdelay $0x3  }
0x36: {  	p1 =	seq.s32 s10, $0x1;
	s10 =	sld [smem:$0x3FAD];
	_ =	sdelay $0x3  }
0x37: {  	[smem:$0x3FAD] =	sst s10  }
0x38: {  	s10 =	sld [smem:$0x3FAE]  }
0x39: {  	_ = 	snop;
	(pc) =	sbr.ind lr, $3  }
0x3a: {  	_ = 	snop  }
0x3b: {  	_ = 	snop  }
0x3c: {  	p2 =	seq.s32 s10, $0x1;
	s10 =	sld [smem:$0x3FAD]  }
0x3d: {  	_ =	shalt  }
0x3e: {  	_ =	shalt  }
0x3f: {  	_ =	shalt  }
0x40: {  	_ =	shalt  }
0x41: {  	_ =	shalt  }
0x42: {  	_ =	shalt  }
0x43: {  	_ =	shalt  }
0x44: {  	_ =	shalt  }
0x45: {  	_ =	shalt  }
0x46: {  	_ =	shalt  }
0x47: {  	_ =	shalt  }
0x48: {  	_ =	shalt  }
0x49: {  	_ =	shalt  }
0x4a: {  	_ =	shalt  }
0x4b: {  	_ =	shalt  }
0x4c: {  	_ =	shalt  }
0x4d: {  	_ =	shalt  }
0x4e: {  	_ =	shalt  }
0x4f: {  	_ =	shalt  }
0x50: {  	_ =	shalt  }
0x51: {  	_ =	shalt  }
0x52: {  	_ =	shalt  }
0x53: {  	_ =	shalt  }
0x54: {  	_ =	shalt  }
0x55: {  	_ =	shalt  }
0x56: {  	_ =	shalt  }
0x57: {  	_ =	shalt  }
0x58: {  	_ =	shalt  }
0x59: {  	_ =	shalt  }
0x5a: {  	_ =	shalt  }
0x5b: {  	_ =	shalt  }
0x5c: {  	_ =	shalt  }
0x5d: {  	_ =	shalt  }
0x5e: {  	_ =	shalt  }
0x5f: {  	_ =	shalt  }
0x60: {  	_ =	shalt  }
0x61: {  	_ =	shalt  }
0x62: {  	_ =	shalt  }
0x63: {  	_ =	shalt  }
0x64: {  	_ =	shalt  }
0x65: {  	_ =	shalt  }
0x66: {  	_ =	shalt  }
0x67: {  	_ =	shalt  }
0x68: {  	_ =	shalt  }
0x69: {  	_ =	shalt  }
0x6a: {  	_ =	shalt  }
0x6b: {  	_ =	shalt  }
0x6c: {  	_ =	shalt  }
0x6d: {  	_ =	shalt  }
0x6e: {  	_ =	shalt  }
0x6f: {  	_ =	shalt  }
0x70: {  	_ =	shalt  }
0x71: {  	_ =	shalt  }
0x72: {  	_ =	shalt  }
0x73: {  	_ =	shalt  }
0x74: {  	_ =	shalt  }
0x75: {  	_ =	shalt  }
0x76: {  	_ =	shalt  }
0x77: {  	_ =	shalt  }
0x78: {  	_ =	shalt  }
0x79: {  	_ =	shalt  }
0x7a: {  	_ =	shalt  }
0x7b: {  	_ =	shalt  }
0x7c: {  	_ =	shalt  }
0x7d: {  	_ =	shalt  }
0x7e: {  	_ =	shalt  }
0x7f: {  	_ =	shalt  }
0x80: {  	_ =	shalt  }
0x81: {  	_ =	shalt  }
0x82: {  	_ =	shalt  }
0x83: {  	_ =	shalt  }
0x84: {  	_ =	shalt  }
0x85: {  	_ =	shalt  }
0x86: {  	_ =	shalt  }
0x87: {  	_ =	shalt  }
.Lfunc_end0:
.L_simem_size_0:
called_computation.2_lowered:
.L_overlay_start_0:
0x88: {  	s2 =	sld [smem:$0x3FD9]  }
0x89: {  	s3 =	sld [smem:$0x3FFE];
	_ =	sdelay $0x1  }
0x8a: {  	s1 =	srdreg.scid  }
0x8b: {  	s0 =	sand.u32 $0x1, s1  }
0x8c: {  	s16 =	sshll.u32 s0, $0xA;
	s2 =	sadd.s32 s3, s2  }
0x8d: {  	s2 =	sadd.s32 s2, s16  }
0x8e: {  	[smem:$0x3FB9] =	sst s2  }
0x8f: {  	_ = 	snop  }
0x90: {  	(tm) =	ssettm $0x1  }
0x91: {  	s17 =	sld [smem:$0x3FFB];
	_ =	sdelay $0x3  }
0x92: {  	_ =	strace s17  }
0x93: {  	s2 =	sld [smem:$0x3FFC];
	_ =	sdelay $0x3  }
0x94: {  	_ =	strace s2  }
0x95: {  	s2 =	sld [smem:$0x3FFD];
	_ =	sdelay $0x3  }
0x96: {  	_ =	strace s2  }
0x97: {  	_ =	strace $0x8FFFFFFF  }
0x98: {  	s18 =	sld [smem:$0x3FDB];
	_ =	sdelay $0x1  }
0x99: {  	s19 =	simm.s32 $_scs_section_size  }
0x9a: {  	s4 =	simm.s32 $_size__tile_overlayer_lowered;
	s5 =	simm.s32 $_tile_overlayer_lowered  }
0x9b: {  	s22 =	simm.s32 $0x1BFF;
	s21 =	sshll.u32 s5, $0x1;
	s2 =	sadd.s32 s19, s18  }
0x9c: {  	s6 =	simm.s32 $0x0;
	s20 =	sshll.u32 s4, $0x1;
	s4 =	sadd.s32 s21, s2  }
0x9d: {  	[timem:s6], [sflag:s22] =	dma.local [hbm:s4], s20  }
0x9e: {  	_ =	swait.ge [sflag:s22], s20  }
0x9f: {  	s3 =	ssub.s32 $0x0, s20;
	[sflag:s22] =	ssyncset.done $0x0  }
0xa0: {  	[sflag:s22] =	ssyncadd.s32 s3;
	_ =	sdelay $0x1  }
0xa1: {  	s23 =	simm.s32 $0x1B8B  }
0xa2: {  	_ =	swait.ge [sflag:s23], $0x1  }
0xa3: {  	[sflag:s23] =	ssyncset.done $0x0  }
0xa4: {  	s25 =	simm.s32 $0x1B8E;
	s24 =	sld [smem:$0x3FFE];
	[sflag:s23] =	ssyncadd.s32 $0xFFFFFFFF  }
0xa5: {  	s26 =	simm.s32 $execute0_lowered;
	[smem:$0x3FD2] =	sst s25  }
0xa6: {  	s4 =	sshll.u32 s26, $0x1;
	_ =	strace $0x80000049;
	[dreg:$0x1] =	wrdreg $0xFFFFFFFF  }
0xa7: {  	s28 =	simm.s32 $_size_execute0_lowered;
	s2 =	sadd.s32 s2, s4;
	[dreg:$0x0] =	wrdreg $0x0  }
0xa8: {  	s4 =	sshll.u32 s28, $0x1;
	[dreg:$0x2] =	wrdreg s2  }
0xa9: {  	[dreg:$0x3] =	wrdreg s4  }
0xaa: {  	[dreg:$0x4] =	wrdreg $0xC0  }
0xab: {  	_ =	task [dreg:s6], $0x5FFFF  }
0xac: {  	[dreg:$0x1] =	wrdreg $0xFFFFFFFF  }
0xad: {  	[dreg:$0x0] =	wrdreg $0x60  }
0xae: {  	[dreg:$0x2] =	wrdreg s24  }
0xaf: {  	[dreg:$0x3] =	wrdreg $0xA  }
0xb0: {  	_ =	task.clear_ibuf [dreg:s6], $0x4FFFF;
	_ =	strace $0x90000049  }
0xb1: {  	s29 =	simm.s32 $0xA;
	_ =	strace $0x8000004B  }
0xb2: {  	_ =	swait.ge [sflag:s29], $0x1  }
0xb3: {  	[sflag:s29] =	ssyncadd.s32 $0xFFFFFFFF  }
0xb4: {  	_ =	strace $0x9000004B  }
0xb5: {  	_ =	sfence  }
0xb6: {  	s30 =	sld [smem:$0x0];
	_ =	sdelay $0x2  }
0xb7: {  	s31 =	sshll.u32 s1, $0xD;
	s1 =	sshrl.u32 s1, $0x2  }
0xb8: {  	s3 =	sand.u32 $0x4000, s31;
	s1 =	sadd.s32 s1, s30  }
0xb9: {  	s0 =	sor.u32 s3, s0;
	s1 =	sshll.u32 s1, $0x11  }
0xba: {  	s0 =	sor.u32 s1, s0  }
0xbb: {  	s0 =	sadd.s32 $0x8F2B, s0  }
0xbc: {  	[sflag:s0] =	ssyncadd.remote.s32 $0x1  }
0xbd: {  	_ =	sfence.sel $0xFFFF  }
0xbe: {  	[dreg:$0x0] =	wrdreg $0xFFFFFFFF;
	(pc) =	sbr.abs _section_cstart, $3  }
0xbf: {  	[dreg:$0x1] =	wrdreg $0xFFFFFFFF  }
0xc0: {  	_ =	task.clear_ibuf [dreg:s6], $0x2FFFF;
	_ =	strace $0x9FFFFFFF  }
0xc1: {  	(tm) =	ssettm $0x7FFFFFFF  }
tec
execute0_lowered:
.L_overlay_start_1:
0x0: {  	(tag) =	ssettag $0x1  }
0x1: {  	s0 =	srdreg.scid  }
0x2: {  	s5 =	rddreg [dreg:$0x0];
	s1 =	stileid.u32;
	s2 =	simm.s32 $0x0  }
0x3: {  	s13 =	simm.s32 $0xC600;
	s14 =	simm.s32 $0xCE00;
	s15 =	simm.s32 $0x1  }
0x4: {  	s16 =	simm.s32 $0x2;
	s17 =	simm.s32 $0x0;
	s4 =	sand.u32 $0x1, s0  }
0x5: {  	s0 =	rddreg [dreg:$0x1];
	s30 =	smul.u32 $0x2800, s1;
	s3 =	sshll.u32 s4, $0x4  }
0x6: {  	[smem:$0x7FF] =	sst s2;
	s12 =	smul.u32 $0x28000, s4;
	s3 =	sor.u32 s1, s3  }
0x7: {  	s7 =	sadd.s32 $0xE400, s5;
	s9 =	ssub.s32 $0x2, s4;
	s6 =	smul.u32 $0x500, s3  }
0x8: {  	_ =	strace $0x8000004A;
	s11 =	sshrl.u32 s9, $0x1;
	s8 =	smul.u32 $0x13C0, s3  }
0x9: {  	s10 =	smul.u32 $0x2800, s3;
	s3 =	sadd.s32 $0xAE400, s5;
	s9 =	ssub.s32 s9, s11  }
0xa: {  	s31 =	sadd.s32 s12, s7;
	s11 =	simm.s32 $0x400;
	s12 =	simm.s32 $0x280000  }
0xb: {  	s6 =	sadd.s32 s6, s5;
	s8 =	sadd.s32 s8, s5;
	s5 =	sadd.s32 s7, s10  }
0xc: {  	s7 =	smax.u32 s9, $0x1;
	s9 =	simm.s32 $0x3;
	s10 =	simm.s32 $0x9E00  }
0xd: {  	s4 =	sadd.s32 $0x4400, s6;
	s6 =	sadd.s32 $0xAF800, s8;
	s8 =	sadd.s32 s30, s31  }
.LBB2_1:
0xe: {  	[tilespmem:s2], [sflag:$0x3] =	stream.linear.gather [hbm4b:s3+s2], $0x9E00, $0x38;
	[tilespmem:$0xD600] =	vst v63  }
0xf: {  	_ =	swait.ge [sflag:s9], $0x9E00  }
0x10: {  	[sflag:s9] =	ssyncset.done $0x0  }
0x11: {  	[sflag:s9] =	ssyncadd.s32 $0xFFFF6200  }
0x12: {  	[tilespmem:s10], [sflag:$0x3] =	stream.linear.gather [hbm4b:s4+s2], $0x2800, $0x38;
	[tilespmem:$0xD600] =	vst v63  }
0x13: {  	_ =	swait.ge [sflag:s9], $0x2800  }
0x14: {  	[sflag:s9] =	ssyncset.done $0x0  }
0x15: {  	s18 =	simm.s32 $0x9E80;
	s19 =	simm.s32 $0x0;
	[sflag:s9] =	ssyncadd.s32 $0xFFFFD800  }
0x16: {  	[tilespmem:s13], [sflag:$0x1] =	stream.strided.gather [hbm4b:s5+s11], $0x800, s12, s11, $0x38;
	[tilespmem:$0xD600] =	vst v63  }
.LBB2_2:
0x17: {  	s20 =	sadd.s32 s19, s8  }
0x18: {  	s20 =	sadd.s32 $0x80, s20  }
0x19: {  	[tilespmem:s14], [sflag:$0x2] =	stream.strided.gather [hbm4b:s20+s11], $0x800, s12, s11, $0x38;
	[tilespmem:$0xD600] =	vst v63  }
0x1a: {  	_ =	swait.ge [sflag:s15], $0x800  }
0x1b: {  	[sflag:s15] =	ssyncset.done $0x0  }
0x1c: {  	[sflag:s15] =	ssyncadd.s32 $0xFFFFF800  }
0x1d: {  	v0 =	vld [tilespmem:s18+$0xFFFFFF80];
	_ =	sdelay $0x4  }
0x1e: {  	v1 =	vld [tilespmem:$0xC600];
	v0 =	vshll.u32 v0, $0x2;
	_ =	sdelay $0x4  }
0x1f: {  	[tilespmem:v0+s2+$0x0] =	vst.idx.add.f32.msk $0xffff, v1  }
0x20: {  	v2 =	vor.u32 $0x1, v0;
	v1 =	vld [tilespmem:$0xC680];
	_ =	sdelay $0x4  }
0x21: {  	[tilespmem:v2+s2+$0x0] =	vst.idx.add.f32.msk $0xffff, v1  }
0x22: {  	v0 =	vor.u32 $0x2, v0;
	v1 =	vld [tilespmem:$0xC700];
	_ =	sdelay $0x4  }
0x23: {  	[tilespmem:v0+s2+$0x0] =	vst.idx.add.f32.msk $0xffff, v1  }
0x24: {  	v0 =	vld [tilespmem:s18+$0xFFFFFF90];
	_ =	sdelay $0x4  }
0x25: {  	v1 =	vld [tilespmem:$0xC610];
	v0 =	vshll.u32 v0, $0x2;
	_ =	sdelay $0x4  }
0x26: {  	[tilespmem:v0+s2+$0x0] =	vst.idx.add.f32.msk $0xffff, v1  }
0x27: {  	v47 =	vor.u32 $0x1, v0;
	v1 =	vld [tilespmem:$0xC690];
	_ =	sdelay $0x4  }
0x28: {  	[tilespmem:v47+s2+$0x0] =	vst.idx.add.f32.msk $0xffff, v1  }
0x29: {  	v0 =	vor.u32 $0x2, v0;
	v1 =	vld [tilespmem:$0xC710];
	_ =	sdelay $0x4  }
0x2a: {  	[tilespmem:v0+s2+$0x0] =	vst.idx.add.f32.msk $0xffff, v1  }
0x2b: {  	v0 =	vld [tilespmem:s18+$0xFFFFFFA0];
	_ =	sdelay $0x4  }
0x2c: {  	v1 =	vld [tilespmem:$0xC620];
	v0 =	vshll.u32 v0, $0x2;
	_ =	sdelay $0x4  }
0x2d: {  	[tilespmem:v0+s2+$0x0] =	vst.idx.add.f32.msk $0xffff, v1  }
0x2e: {  	v48 =	vor.u32 $0x1, v0;
	v1 =	vld [tilespmem:$0xC6A0];
	_ =	sdelay $0x4  }
0x2f: {  	[tilespmem:v48+s2+$0x0] =	vst.idx.add.f32.msk $0xffff, v1  }
0x30: {  	v0 =	vor.u32 $0x2, v0;
	v1 =	vld [tilespmem:$0xC720];
	_ =	sdelay $0x4  }
0x31: {  	[tilespmem:v0+s2+$0x0] =	vst.idx.add.f32.msk $0xffff, v1  }
0x32: {  	v0 =	vld [tilespmem:s18+$0xFFFFFFB0];
	_ =	sdelay $0x4  }
0x33: {  	v1 =	vld [tilespmem:$0xC630];
	v0 =	vshll.u32 v0, $0x2;
	_ =	sdelay $0x4  }
0x34: {  	[tilespmem:v0+s2+$0x0] =	vst.idx.add.f32.msk $0xffff, v1  }
0x35: {  	v49 =	vor.u32 $0x1, v0;
	v1 =	vld [tilespmem:$0xC6B0];
	_ =	sdelay $0x4  }
0x36: {  	[tilespmem:v49+s2+$0x0] =	vst.idx.add.f32.msk $0xffff, v1  }
0x37: {  	v0 =	vor.u32 $0x2, v0;
	v1 =	vld [tilespmem:$0xC730];
	_ =	sdelay $0x4  }
0x38: {  	[tilespmem:v0+s2+$0x0] =	vst.idx.add.f32.msk $0xffff, v1  }
0x39: {  	v0 =	vld [tilespmem:s18+$0xFFFFFFC0];
	_ =	sdelay $0x4  }
0x3a: {  	v1 =	vld [tilespmem:$0xC640];
	v0 =	vshll.u32 v0, $0x2;
	_ =	sdelay $0x4  }
0x3b: {  	[tilespmem:v0+s2+$0x0] =	vst.idx.add.f32.msk $0xffff, v1  }
0x3c: {  	v50 =	vor.u32 $0x1, v0;
	v1 =	vld [tilespmem:$0xC6C0];
	_ =	sdelay $0x4  }
0x3d: {  	[tilespmem:v50+s2+$0x0] =	vst.idx.add.f32.msk $0xffff, v1  }
0x3e: {  	v0 =	vor.u32 $0x2, v0;
	v1 =	vld [tilespmem:$0xC740];
	_ =	sdelay $0x4  }
0x3f: {  	[tilespmem:v0+s2+$0x0] =	vst.idx.add.f32.msk $0xffff, v1  }
0x40: {  	v0 =	vld [tilespmem:s18+$0xFFFFFFD0];
	_ =	sdelay $0x4  }
0x41: {  	v1 =	vld [tilespmem:$0xC650];
	v0 =	vshll.u32 v0, $0x2;
	_ =	sdelay $0x4  }
0x42: {  	[tilespmem:v0+s2+$0x0] =	vst.idx.add.f32.msk $0xffff, v1  }
0x43: {  	v51 =	vor.u32 $0x1, v0;
	v1 =	vld [tilespmem:$0xC6D0];
	_ =	sdelay $0x4  }
0x44: {  	[tilespmem:v51+s2+$0x0] =	vst.idx.add.f32.msk $0xffff, v1  }
0x45: {  	v0 =	vor.u32 $0x2, v0;
	v1 =	vld [tilespmem:$0xC750];
	_ =	sdelay $0x4  }
0x46: {  	[tilespmem:v0+s2+$0x0] =	vst.idx.add.f32.msk $0xffff, v1  }
0x47: {  	v0 =	vld [tilespmem:s18+$0xFFFFFFE0];
	_ =	sdelay $0x4  }
0x48: {  	v1 =	vld [tilespmem:$0xC660];
	v0 =	vshll.u32 v0, $0x2;
	_ =	sdelay $0x4  }
0x49: {  	[tilespmem:v0+s2+$0x0] =	vst.idx.add.f32.msk $0xffff, v1  }
0x4a: {  	v52 =	vor.u32 $0x1, v0;
	v1 =	vld [tilespmem:$0xC6E0];
	_ =	sdelay $0x4  }
0x4b: {  	[tilespmem:v52+s2+$0x0] =	vst.idx.add.f32.msk $0xffff, v1  }
0x4c: {  	v0 =	vor.u32 $0x2, v0;
	v1 =	vld [tilespmem:$0xC760];
	_ =	sdelay $0x4  }
0x4d: {  	[tilespmem:v0+s2+$0x0] =	vst.idx.add.f32.msk $0xffff, v1  }
0x4e: {  	v0 =	vld [tilespmem:s18+$0xFFFFFFF0];
	_ =	sdelay $0x4  }
0x4f: {  	v1 =	vld [tilespmem:$0xC670];
	v0 =	vshll.u32 v0, $0x2;
	_ =	sdelay $0x4  }
0x50: {  	[tilespmem:v0+s2+$0x0] =	vst.idx.add.f32.msk $0xffff, v1  }
0x51: {  	v53 =	vor.u32 $0x1, v0;
	v1 =	vld [tilespmem:$0xC6F0];
	_ =	sdelay $0x4  }
0x52: {  	[tilespmem:v53+s2+$0x0] =	vst.idx.add.f32.msk $0xffff, v1  }
0x53: {  	v0 =	vor.u32 $0x2, v0;
	v1 =	vld [tilespmem:$0xC770];
	_ =	sdelay $0x2  }
0x54: {  	p0 =	seq.s32 s19, $0x2700  }
0x55: {  	s21 =	simm.s32 @!p0 $0x400;
	s20 =	sadd.s32 @!p0 s19, s8  }
0x56: {  	s22 =	simm.s32 @!p0 $0x280000;
	s23 =	simm.s32 @!p0 $0xC600;
	s20 =	sadd.s32 @!p0 $0x100, s20;
	[tilespmem:v0+s2+$0x0] =	vst.idx.add.f32.msk $0xffff, v1  }
0x57: {  	[tilespmem:s23], [sflag:$0x1] =	stream.strided.gather @!p0 [hbm4b:s20+s21], $0x800, s22, s21, $0x38;
	[tilespmem:$0xD600] =	vst v63  }
0x58: {  	_ =	swait.ge [sflag:s16], $0x800  }
0x59: {  	[sflag:s16] =	ssyncset.done $0x0  }
0x5a: {  	[sflag:s16] =	ssyncadd.s32 $0xFFFFF800  }
0x5b: {  	v54 =	vld [tilespmem:s18+$0x0];
	_ =	sdelay $0x4  }
0x5c: {  	v55 =	vld [tilespmem:$0xCE00];
	v0 =	vshll.u32 v54, $0x2;
	_ =	sdelay $0x4  }
0x5d: {  	[tilespmem:v0+s2+$0x0] =	vst.idx.add.f32.msk $0xffff, v55  }
0x5e: {  	v56 =	vor.u32 $0x1, v0;
	v1 =	vld [tilespmem:$0xCE80];
	_ =	sdelay $0x4  }
0x5f: {  	[tilespmem:v56+s2+$0x0] =	vst.idx.add.f32.msk $0xffff, v1  }
0x60: {  	v0 =	vor.u32 $0x2, v0;
	v1 =	vld [tilespmem:$0xCF00];
	_ =	sdelay $0x4  }
0x61: {  	[tilespmem:v0+s2+$0x0] =	vst.idx.add.f32.msk $0xffff, v1  }
0x62: {  	v0 =	vld [tilespmem:s18+$0x10];
	_ =	sdelay $0x4  }
0x63: {  	v1 =	vld [tilespmem:$0xCE10];
	v0 =	vshll.u32 v0, $0x2;
	_ =	sdelay $0x4  }
0x64: {  	[tilespmem:v0+s2+$0x0] =	vst.idx.add.f32.msk $0xffff, v1  }
0x65: {  	v57 =	vor.u32 $0x1, v0;
	v1 =	vld [tilespmem:$0xCE90];
	_ =	sdelay $0x4  }
0x66: {  	[tilespmem:v57+s2+$0x0] =	vst.idx.add.f32.msk $0xffff, v1  }
0x67: {  	v0 =	vor.u32 $0x2, v0;
	v1 =	vld [tilespmem:$0xCF10];
	_ =	sdelay $0x4  }
0x68: {  	[tilespmem:v0+s2+$0x0] =	vst.idx.add.f32.msk $0xffff, v1  }
0x69: {  	v0 =	vld [tilespmem:s18+$0x20];
	_ =	sdelay $0x4  }
0x6a: {  	v1 =	vld [tilespmem:$0xCE20];
	v0 =	vshll.u32 v0, $0x2;
	_ =	sdelay $0x4  }
0x6b: {  	[tilespmem:v0+s2+$0x0] =	vst.idx.add.f32.msk $0xffff, v1  }
0x6c: {  	v58 =	vor.u32 $0x1, v0;
	v1 =	vld [tilespmem:$0xCEA0];
	_ =	sdelay $0x4  }
0x6d: {  	[tilespmem:v58+s2+$0x0] =	vst.idx.add.f32.msk $0xffff, v1  }
0x6e: {  	v0 =	vor.u32 $0x2, v0;
	v1 =	vld [tilespmem:$0xCF20];
	_ =	sdelay $0x4  }
0x6f: {  	[tilespmem:v0+s2+$0x0] =	vst.idx.add.f32.msk $0xffff, v1  }
0x70: {  	v0 =	vld [tilespmem:s18+$0x30];
	_ =	sdelay $0x4  }
0x71: {  	v1 =	vld [tilespmem:$0xCE30];
	v0 =	vshll.u32 v0, $0x2;
	_ =	sdelay $0x4  }
0x72: {  	[tilespmem:v0+s2+$0x0] =	vst.idx.add.f32.msk $0xffff, v1  }
0x73: {  	v59 =	vor.u32 $0x1, v0;
	v1 =	vld [tilespmem:$0xCEB0];
	_ =	sdelay $0x4  }
0x74: {  	[tilespmem:v59+s2+$0x0] =	vst.idx.add.f32.msk $0xffff, v1  }
0x75: {  	v0 =	vor.u32 $0x2, v0;
	v1 =	vld [tilespmem:$0xCF30];
	_ =	sdelay $0x4  }
0x76: {  	[tilespmem:v0+s2+$0x0] =	vst.idx.add.f32.msk $0xffff, v1  }
0x77: {  	v0 =	vld [tilespmem:s18+$0x40];
	_ =	sdelay $0x4  }
0x78: {  	v1 =	vld [tilespmem:$0xCE40];
	v0 =	vshll.u32 v0, $0x2;
	_ =	sdelay $0x4  }
0x79: {  	[tilespmem:v0+s2+$0x0] =	vst.idx.add.f32.msk $0xffff, v1  }
0x7a: {  	v60 =	vor.u32 $0x1, v0;
	v1 =	vld [tilespmem:$0xCEC0];
	_ =	sdelay $0x4  }
0x7b: {  	[tilespmem:v60+s2+$0x0] =	vst.idx.add.f32.msk $0xffff, v1  }
0x7c: {  	v0 =	vor.u32 $0x2, v0;
	v1 =	vld [tilespmem:$0xCF40];
	_ =	sdelay $0x4  }
0x7d: {  	[tilespmem:v0+s2+$0x0] =	vst.idx.add.f32.msk $0xffff, v1  }
0x7e: {  	v0 =	vld [tilespmem:s18+$0x50];
	_ =	sdelay $0x4  }
0x7f: {  	v1 =	vld [tilespmem:$0xCE50];
	v0 =	vshll.u32 v0, $0x2;
	_ =	sdelay $0x4  }
0x80: {  	[tilespmem:v0+s2+$0x0] =	vst.idx.add.f32.msk $0xffff, v1  }
0x81: {  	v61 =	vor.u32 $0x1, v0;
	v1 =	vld [tilespmem:$0xCED0];
	_ =	sdelay $0x4  }
0x82: {  	[tilespmem:v61+s2+$0x0] =	vst.idx.add.f32.msk $0xffff, v1  }
0x83: {  	v0 =	vor.u32 $0x2, v0;
	v1 =	vld [tilespmem:$0xCF50];
	_ =	sdelay $0x4  }
0x84: {  	[tilespmem:v0+s2+$0x0] =	vst.idx.add.f32.msk $0xffff, v1  }
0x85: {  	v0 =	vld [tilespmem:s18+$0x60];
	_ =	sdelay $0x4  }
0x86: {  	v1 =	vld [tilespmem:$0xCE60];
	v0 =	vshll.u32 v0, $0x2;
	_ =	sdelay $0x4  }
0x87: {  	[tilespmem:v0+s2+$0x0] =	vst.idx.add.f32.msk $0xffff, v1  }
0x88: {  	v62 =	vor.u32 $0x1, v0;
	v1 =	vld [tilespmem:$0xCEE0];
	_ =	sdelay $0x4  }
0x89: {  	[tilespmem:v62+s2+$0x0] =	vst.idx.add.f32.msk $0xffff, v1  }
0x8a: {  	v0 =	vor.u32 $0x2, v0;
	v1 =	vld [tilespmem:$0xCF60];
	_ =	sdelay $0x4  }
0x8b: {  	[tilespmem:v0+s2+$0x0] =	vst.idx.add.f32.msk $0xffff, v1  }
0x8c: {  	v0 =	vld [tilespmem:s18+$0x70];
	_ =	sdelay $0x4  }
0x8d: {  	v1 =	vld [tilespmem:$0xCE70];
	v0 =	vshll.u32 v0, $0x2;
	_ =	sdelay $0x4  }
0x8e: {  	[tilespmem:v0+s2+$0x0] =	vst.idx.add.f32.msk $0xffff, v1  }
0x8f: {  	v63 =	vor.u32 $0x1, v0;
	v1 =	vld [tilespmem:$0xCEF0];
	_ =	sdelay $0x4  }
0x90: {  	s19 =	sadd.s32 $0x100, s19;
	[tilespmem:v63+s2+$0x0] =	vst.idx.add.f32.msk $0xffff, v1  }
0x91: {  	p0 =	sne.s32 s19, $0x2800;
	v0 =	vor.u32 $0x2, v0;
	v1 =	vld [tilespmem:$0xCF70]  }
.Ltmp0:
0x92: {  	_ = 	snop;
	(pc) =	sbr.rel @p0 .LBB2_2-.Ltmp0, $2  }
0x93: {  	_ =	sdelay $0x2  }
0x94: {  	s18 =	sadd.s32 $0x100, s18;
	[tilespmem:v0+s2+$0x0] =	vst.idx.add.f32.msk $0xffff, v1  }
0x95: {  	s17 =	sadd.s32 $0x1, s17  }
0x96: {  	p0 =	sne.s32 s17, s7  }
.Ltmp1:
0x97: {  	_ = 	snop;
	(pc) =	sbr.rel @p0 .LBB2_1-.Ltmp1, $4  }
0x98: {  	[hbm4b:s6+s2] =	stream.linear.scatter [tilespmem:s2], [sflag:$0x3], $0x9E00, $0x38;
	[tilespmem:$0xD600] =	vst v63  }
0x99: {  	_ =	swait.ge [sflag:s9], $0x9E00  }
0x9a: {  	[sflag:s9] =	ssyncset.done $0x0  }
0x9b: {  	[sflag:s9] =	ssyncadd.s32 $0xFFFF6200  }
0x9c: {  	_ =	sfence.sel $0x180000  }
0x9d: {  	[bflag:$0x0] =	sbarrier.arrive $0xFFFF  }
0x9e: {  	p0 =	sne.s32 s1, $0x0;
	_ =	strace $0x9000004A  }
0x9f: {  	s0 =	sadd.s32 @!p0 $0x100000, s0;
	[bflag:$0x2] =	sbarrier.arrive $0xFFFF  }
0xa0: {  	[sflag:s0] =	ssyncadd.tile.s32 @!p0 $0x1;
	_ =	shalt  }
.Lfunc_end2:
_tile_overlayer_lowered:
.L_overlay_start_2:
0xa1: {  	(tag) =	ssettag $0x2  }
0xa2: {  	s0 =	rddreg [dreg:$0x0];
	s2 =	stileid.u32  }
0xa3: {  	s1 =	rddreg [dreg:$0x1];
	p0 =	sne.s32 s2, $0x0  }
0xa4: {  	s3 =	rddreg [dreg:$0x2];
	[bflag:$0x3] =	sbarrier.arrive $0xFFFF;
	s2 =	simm.s32 @!p0 $0x1C03  }
0xa5: {  	[timem:s3], [sflag:s2] =	dma.local @!p0 [hbm:s0], s1  }
0xa6: {  	s0 =	simm.s32 @!p0 $0x3  }
0xa7: {  	_ =	swait.ge @!p0 [sflag:s0], s1  }
0xa8: {  	s1 =	ssub.s32 @!p0 $0x0, s1;
	[sflag:s0] =	ssyncset.done @!p0 $0x0  }
0xa9: {  	[sflag:s0] =	ssyncadd.s32 @!p0 s1  }
0xaa: {  	[bflag:$0x3] =	sbarrier.arrive $0xFFFF  }
0xab: {  	_ =	shalt  }

// kernel: kernel.8.cloned.1.call-start
scs
__scs_entry_jumppad:
0x0: {  	(pc) =	sbr.rel $0x88, $3  }
0x1: {  	(tag) =	ssettag $0x0;
	lr =	simm.s32 $0x1  }
0x2: {  	[smem:$0x3F92] =	sst lr;
	_ =	strace $0xD0000000  }
0x3: {  	_ = 	snop  }
0x4: {  	_ = 	snop  }
0x5: {  	_ = 	snop  }
0x6: {  	_ = 	snop  }
0x7: {  	_ = 	snop  }
__scs_overlays_trampoline_lowered:
0x8: {  	[smem:$0x3FA1] =	sst s0  }
0x9: {  	[smem:$0x3FA2] =	sst s1  }
0xa: {  	[smem:$0x3FA3] =	sst s2  }
0xb: {  	[smem:$0x3FA4] =	sst s3  }
0xc: {  	[smem:$0x3FA5] =	sst s4  }
0xd: {  	[smem:$0x3FA6] =	sst s5  }
0xe: {  	[smem:$0x3FA7] =	sst s6  }
0xf: {  	[smem:$0x3FA8] =	sst s7  }
0x10: {  	[smem:$0x3FA9] =	sst s8  }
0x11: {  	[smem:$0x3FAA] =	sst s9;
	s0 =	simm.s32 @!p0 $0x0  }
0x12: {  	s1 =	sld [smem:$0x3F90];
	s0 =	simm.s32 @p0 $0x1  }
0x13: {  	[smem:$0x3FAB] =	sst s0;
	s0 =	simm.s32 @!p1 $0x0  }
0x14: {  	s2 =	sld [smem:$0x3F8F];
	s0 =	simm.s32 @p1 $0x1  }
0x15: {  	[smem:$0x3FAC] =	sst s0;
	s0 =	simm.s32 @!p2 $0x0  }
0x16: {  	s3 =	sld [smem:$0x3FDB];
	s0 =	simm.s32 @p2 $0x1  }
0x17: {  	s4 =	simm.s32 $0x1BF5;
	[smem:$0x3FAE] =	sst s0  }
0x18: {  	s0 =	sld [smem:$0x3F91];
	_ =	swait.ge [sflag:s4], $0x0  }
0x19: {  	s7 =	sld [smem:$0x3F92]  }
0x1a: {  	s8 =	sadd.s32 $0xFFFFE003, lr  }
0x1b: {  	s9 =	sadd.s32 $0xFFFFFEF7, lr;
	s5 =	simm.s32 $0xFFFFFFFF;
	p2 =	slt.u32 s8, $0xFFFFF086  }
0x1c: {  	p1 =	slt.u32 s9, $0xF7A;
	s5 =	simm.s32 @!p2 $0x0  }
0x1d: {  	s5 =	simm.s32 @p1 $0x1;
	p0 =	seq.s32 s7, s2  }
0x1e: {  	s7 =	smul.u32 @!p0 $0xF7A, s2;
	p2 =	seq.s32 @!p0 s5, $0x0  }
0x1f: {  	s9 =	smul.u32 $0xF7A, s1;
	s8 =	simm.s32 @!p0 $0x1BF5;
	p2 =	por !p2, p0  }
0x20: {  	[sflag:s8] =	ssyncset.s32 @!p0 $0xFFFFF086;
	s6 =	sadd.s32 @!p0 s3, s7;
	s7 =	simm.s32 @!p0 $0x108  }
0x21: {  	s3 =	sadd.s32 s3, s9;
	s6 =	sadd.s32 @!p0 $0x88, s6;
	s7 =	simm.s32 @p2 $0x1082  }
0x22: {  	[simem:s7], [sflag:s8] =	dma.local @!p0 [hbm:s6], $0xF7A  }
0x23: {  	s9 =	sor.u32 $0xD0000000, s2;
	s6 =	simm.s32 $0x108;
	_ =	swait.ge @!p0 [sflag:s8], $0x0  }
0x24: {  	s3 =	sadd.s32 $0x88, s3;
	s6 =	simm.s32 @!p1 $0x1082;
	[sflag:s4] =	ssyncset.s32 $0xFFFFF086  }
0x25: {  	[simem:s6], [sflag:s4] =	dma.local [hbm:s3], $0xF7A  }
0x26: {  	[smem:$0x3F92] =	sst s1;
	(tag) =	ssettag s2;
	_ =	strace s9  }
0x27: {  	s1 =	sld [smem:$0x3FA2]  }
0x28: {  	s2 =	sld [smem:$0x3FA3]  }
0x29: {  	s4 =	sld [smem:$0x3FA5]  }
0x2a: {  	p0 =	seq.s32 s5, $0x0;
	s5 =	sld [smem:$0x3FA6]  }
0x2b: {  	s6 =	sld [smem:$0x3FA7]  }
0x2c: {  	s7 =	sld [smem:$0x3FA8]  }
0x2d: {  	s3 =	simm.s32 $0x108;
	s8 =	sld [smem:$0x3FA9]  }
0x2e: {  	s3 =	simm.s32 @!p0 $0x1082;
	s9 =	sld [smem:$0x3FAA]  }
0x2f: {  	lr =	sadd.s32 s0, s3;
	s0 =	sld [smem:$0x3FA1]  }
0x30: {  	s3 =	sld [smem:$0x3FA4]  }
0x31: {  	[smem:$0x3FAD] =	sst s10  }
0x32: {  	s10 =	sld [smem:$0x3FAB];
	_ =	sdelay $0x3  }
0x33: {  	p0 =	seq.s32 s10, $0x1;
	s10 =	sld [smem:$0x3FAD];
	_ =	sdelay $0x3  }
0x34: {  	[smem:$0x3FAD] =	sst s10  }
0x35: {  	s10 =	sld [smem:$0x3FAC];
	_ =	sdelay $0x3  }
0x36: {  	p1 =	seq.s32 s10, $0x1;
	s10 =	sld [smem:$0x3FAD];
	_ =	sdelay $0x3  }
0x37: {  	[smem:$0x3FAD] =	sst s10  }
0x38: {  	s10 =	sld [smem:$0x3FAE]  }
0x39: {  	_ = 	snop;
	(pc) =	sbr.ind lr, $3  }
0x3a: {  	_ = 	snop  }
0x3b: {  	_ = 	snop  }
0x3c: {  	p2 =	seq.s32 s10, $0x1;
	s10 =	sld [smem:$0x3FAD]  }
0x3d: {  	_ =	shalt  }
0x3e: {  	_ =	shalt  }
0x3f: {  	_ =	shalt  }
0x40: {  	_ =	shalt  }
0x41: {  	_ =	shalt  }
0x42: {  	_ =	shalt  }
0x43: {  	_ =	shalt  }
0x44: {  	_ =	shalt  }
0x45: {  	_ =	shalt  }
0x46: {  	_ =	shalt  }
0x47: {  	_ =	shalt  }
0x48: {  	_ =	shalt  }
0x49: {  	_ =	shalt  }
0x4a: {  	_ =	shalt  }
0x4b: {  	_ =	shalt  }
0x4c: {  	_ =	shalt  }
0x4d: {  	_ =	shalt  }
0x4e: {  	_ =	shalt  }
0x4f: {  	_ =	shalt  }
0x50: {  	_ =	shalt  }
0x51: {  	_ =	shalt  }
0x52: {  	_ =	shalt  }
0x53: {  	_ =	shalt  }
0x54: {  	_ =	shalt  }
0x55: {  	_ =	shalt  }
0x56: {  	_ =	shalt  }
0x57: {  	_ =	shalt  }
0x58: {  	_ =	shalt  }
0x59: {  	_ =	shalt  }
0x5a: {  	_ =	shalt  }
0x5b: {  	_ =	shalt  }
0x5c: {  	_ =	shalt  }
0x5d: {  	_ =	shalt  }
0x5e: {  	_ =	shalt  }
0x5f: {  	_ =	shalt  }
0x60: {  	_ =	shalt  }
0x61: {  	_ =	shalt  }
0x62: {  	_ =	shalt  }
0x63: {  	_ =	shalt  }
0x64: {  	_ =	shalt  }
0x65: {  	_ =	shalt  }
0x66: {  	_ =	shalt  }
0x67: {  	_ =	shalt  }
0x68: {  	_ =	shalt  }
0x69: {  	_ =	shalt  }
0x6a: {  	_ =	shalt  }
0x6b: {  	_ =	shalt  }
0x6c: {  	_ =	shalt  }
0x6d: {  	_ =	shalt  }
0x6e: {  	_ =	shalt  }
0x6f: {  	_ =	shalt  }
0x70: {  	_ =	shalt  }
0x71: {  	_ =	shalt  }
0x72: {  	_ =	shalt  }
0x73: {  	_ =	shalt  }
0x74: {  	_ =	shalt  }
0x75: {  	_ =	shalt  }
0x76: {  	_ =	shalt  }
0x77: {  	_ =	shalt  }
0x78: {  	_ =	shalt  }
0x79: {  	_ =	shalt  }
0x7a: {  	_ =	shalt  }
0x7b: {  	_ =	shalt  }
0x7c: {  	_ =	shalt  }
0x7d: {  	_ =	shalt  }
0x7e: {  	_ =	shalt  }
0x7f: {  	_ =	shalt  }
0x80: {  	_ =	shalt  }
0x81: {  	_ =	shalt  }
0x82: {  	_ =	shalt  }
0x83: {  	_ =	shalt  }
0x84: {  	_ =	shalt  }
0x85: {  	_ =	shalt  }
0x86: {  	_ =	shalt  }
0x87: {  	_ =	shalt  }
.Lfunc_end0:
.L_simem_size_0:
called_computation_lowered:
.L_overlay_start_0:
0x88: {  	s2 =	sld [smem:$0x3FD9]  }
0x89: {  	s3 =	sld [smem:$0x3FFE];
	_ =	sdelay $0x1  }
0x8a: {  	s1 =	srdreg.scid  }
0x8b: {  	s0 =	sand.u32 $0x1, s1  }
0x8c: {  	s14 =	sshll.u32 s0, $0xA;
	s2 =	sadd.s32 s3, s2  }
0x8d: {  	s2 =	sadd.s32 s2, s14  }
0x8e: {  	[smem:$0x3FB9] =	sst s2  }
0x8f: {  	_ = 	snop  }
0x90: {  	s2 =	sld [smem:$0x3FD0];
	_ =	sdelay $0x2  }
0x91: {  	s15 =	simm.s32 $0xB;
	s4 =	simm.s32 $0x10  }
0x92: {  	[smem:s4], [sflag:s15] =	dma.local [hbm:s2], $0x1  }
0x93: {  	_ =	swait.eq [sflag:s15], $0x1  }
0x94: {  	[sflag:s15] =	ssyncset.done $0x0  }
0x95: {  	[sflag:s15] =	ssyncadd.s32 $0xFFFFFFFF  }
0x96: {  	s16 =	sld [smem:$0x10];
	(tm) =	ssettm $0x1  }
0x97: {  	s17 =	sld [smem:$0x3FFB];
	_ =	sdelay $0x3  }
0x98: {  	_ =	strace s17  }
0x99: {  	s3 =	sld [smem:$0x3FFC];
	_ =	sdelay $0x3  }
0x9a: {  	_ =	strace s3  }
0x9b: {  	s3 =	sld [smem:$0x3FFD];
	_ =	sdelay $0x3  }
0x9c: {  	_ =	strace s3  }
0x9d: {  	_ =	strace $0x8FFFFFFF  }
0x9e: {  	s18 =	sld [smem:$0x3FDB];
	_ =	sdelay $0x1  }
0x9f: {  	s19 =	simm.s32 $_scs_section_size  }
0xa0: {  	s5 =	simm.s32 $_size__tile_overlayer_lowered;
	s6 =	simm.s32 $_tile_overlayer_lowered  }
0xa1: {  	s22 =	simm.s32 $0x1BFF;
	s21 =	sshll.u32 s6, $0x1;
	s3 =	sadd.s32 s19, s18  }
0xa2: {  	s7 =	simm.s32 $0x0;
	s20 =	sshll.u32 s5, $0x1;
	s5 =	sadd.s32 s21, s3  }
0xa3: {  	[timem:s7], [sflag:s22] =	dma.local [hbm:s5], s20  }
0xa4: {  	_ =	swait.ge [sflag:s22], s20  }
0xa5: {  	s4 =	ssub.s32 $0x0, s20;
	[sflag:s22] =	ssyncset.done $0x0  }
0xa6: {  	[sflag:s22] =	ssyncadd.s32 s4;
	_ =	sdelay $0x1  }
0xa7: {  	s23 =	simm.s32 $0x1B8B  }
0xa8: {  	_ =	swait.ge [sflag:s23], $0x1  }
0xa9: {  	[sflag:s23] =	ssyncset.done $0x0  }
0xaa: {  	s25 =	simm.s32 $0x1B8E;
	s24 =	sld [smem:$0x3FFE];
	[sflag:s23] =	ssyncadd.s32 $0xFFFFFFFF  }
0xab: {  	s26 =	simm.s32 $execute0_lowered;
	[smem:$0x3FD2] =	sst s25  }
0xac: {  	s5 =	sshll.u32 s26, $0x1;
	_ =	strace $0x80000046;
	[dreg:$0x1] =	wrdreg $0xFFFFFFFF  }
0xad: {  	s28 =	simm.s32 $_size_execute0_lowered;
	s3 =	sadd.s32 s3, s5;
	[dreg:$0x0] =	wrdreg $0x0  }
0xae: {  	s5 =	sshll.u32 s28, $0x1;
	[dreg:$0x2] =	wrdreg s3  }
0xaf: {  	[dreg:$0x3] =	wrdreg s5  }
0xb0: {  	[dreg:$0x4] =	wrdreg $0xC0  }
0xb1: {  	_ =	task [dreg:s7], $0x5FFFF  }
0xb2: {  	[dreg:$0x1] =	wrdreg $0xFFFFFFFF  }
0xb3: {  	[dreg:$0x0] =	wrdreg $0x60  }
0xb4: {  	[dreg:$0x2] =	wrdreg s24  }
0xb5: {  	[dreg:$0x3] =	wrdreg s16  }
0xb6: {  	[dreg:$0x4] =	wrdreg $0x0  }
0xb7: {  	[dreg:$0x5] =	wrdreg $0x9  }
0xb8: {  	_ =	task.clear_ibuf [dreg:s7], $0x6FFFF;
	_ =	strace $0x90000046  }
0xb9: {  	s29 =	simm.s32 $0x9;
	_ =	strace $0x80000048  }
0xba: {  	_ =	swait.ge [sflag:s29], $0x1  }
0xbb: {  	[sflag:s29] =	ssyncadd.s32 $0xFFFFFFFF  }
0xbc: {  	_ =	strace $0x90000048  }
0xbd: {  	_ =	sfence  }
0xbe: {  	s30 =	sld [smem:$0x0];
	_ =	sdelay $0x2  }
0xbf: {  	s31 =	sshll.u32 s1, $0xD;
	s1 =	sshrl.u32 s1, $0x2  }
0xc0: {  	s3 =	sand.u32 $0x4000, s31;
	s1 =	sadd.s32 s1, s30  }
0xc1: {  	s0 =	sor.u32 s3, s0;
	s1 =	sshll.u32 s1, $0x11  }
0xc2: {  	s0 =	sor.u32 s1, s0  }
0xc3: {  	s0 =	sadd.s32 $0x8F2B, s0  }
0xc4: {  	[sflag:s0] =	ssyncadd.remote.s32 $0x1  }
0xc5: {  	_ =	sfence.sel $0xFFFF  }
0xc6: {  	[dreg:$0x0] =	wrdreg $0xFFFFFFFF;
	(pc) =	sbr.abs _section_cstart, $3  }
0xc7: {  	[dreg:$0x1] =	wrdreg $0xFFFFFFFF  }
0xc8: {  	_ =	task.clear_ibuf [dreg:s7], $0x2FFFF;
	_ =	strace $0x9FFFFFFF  }
0xc9: {  	(tm) =	ssettm $0x7FFFFFFF  }
tec
execute0_lowered:
.L_overlay_start_1:
0x0: {  	(tag) =	ssettag $0x1  }
0x1: {  	s0 =	rddreg [dreg:$0x0];
	s1 =	srdreg.scid  }
0x2: {  	s5 =	rddreg [dreg:$0x1];
	s11 =	stileid.u32  }
0x3: {  	s2 =	rddreg [dreg:$0x2];
	s3 =	simm.s32 $0x0;
	s19 =	simm.s32 $0x3  }
0x4: {  	s20 =	simm.s32 $0x13C00;
	s21 =	simm.s32 $0x80;
	s22 =	simm.s32 $0x16400  }
0x5: {  	s28 =	simm.s32 $0x16380;
	s29 =	simm.s32 $0x0;
	s6 =	smul.u32 $0x2780, s11  }
0x6: {  	s1 =	sand.u32 $0x1, s1;
	[smem:$0x7FF] =	sst s3;
	s9 =	smul.u32 $0x4F000, s11  }
0x7: {  	s8 =	sadd.s32 $0x5D400, s0;
	s25 =	sshll.u32 s11, $0x6;
	s16 =	smul.u32 $0x50000, s11  }
0x8: {  	s4 =	smul.u32 $0x27800, s1;
	_ =	strace $0x80000047;
	s7 =	ssub.s32 $0x2, s1  }
0x9: {  	s10 =	sshll.u32 s1, $0x4;
	s26 =	sor.u32 $0x1C03, s25;
	p0 =	seq.s32 s1, $0x0  }
0xa: {  	s25 =	simm.s32 $0x4;
	s23 =	sshrl.u32 s7, $0x1;
	s24 =	sor.u32 s11, s10  }
0xb: {  	s9 =	sshrl.u32 s9, $0x2;
	[dreg:$0x5] =	wrdreg s26;
	s11 =	sadd.s32 $0x27800, s16  }
0xc: {  	s12 =	sadd.s32 $0x4F800, s16;
	s15 =	sor.u32 $0x800, s16;
	s26 =	simm.s32 $0x2  }
0xd: {  	s4 =	sadd.s32 s6, s4;
	s18 =	sadd.s32 s9, s2;
	s10 =	smul.u32 $0x5000, s24  }
0xe: {  	s6 =	sadd.s32 s4, s0;
	s4 =	sadd.s32 $0x55D400, s0;
	s0 =	ssub.s32 s7, s23  }
0xf: {  	s7 =	smul.u32 $0xA00, s24;
	s18 =	sshrl.u32 s18, $0x3;
	s23 =	simm.s32 $0x1A400  }
0x10: {  	s24 =	simm.s32 $0x1;
	s6 =	sadd.s32 $0xE400, s6;
	s30 =	sshrl.u32 s10, $0x3  }
0x11: {  	s4 =	smov.u32 @p0 s8;
	s9 =	smax.u32 s0, $0x1;
	[dreg:$0x4] =	wrdreg s6  }
0x12: {  	s31 =	sadd.s32 s5, s7;
	s1 =	sadd.s32 s5, s30;
	s10 =	sadd.s32 s16, s4  }
0x13: {  	s16 =	sadd.s32 $0x28800, s16;
	[dreg:$0x6] =	wrdreg s31;
	s8 =	sadd.s32 $0x500, s1  }
0x14: {  	s13 =	sadd.s32 $0x27000, s10;
	s14 =	sadd.s32 $0x4F000, s10;
	s17 =	sadd.s32 $0x28000, s10  }
.LBB2_1:
0x15: {  	s0 =	rddreg [dreg:$0x4]  }
0x16: {  	s1 =	rddreg [dreg:$0x5]  }
0x17: {  	[spmem:s18], [sflag:s1] =	dma.local [hbm:s0], $0x2780  }
0x18: {  	_ =	swait.ge [sflag:s19], $0x2780  }
0x19: {  	[sflag:s19] =	ssyncset.done $0x0  }
0x1a: {  	[sflag:s19] =	ssyncadd.s32 $0xFFFFD880  }
0x1b: {  	[bflag:$0x0] =	sbarrier.arrive $0xFFFF  }
0x1c: {  	s1 =	rddreg [dreg:$0x6]  }
0x1d: {  	[tilespmem:s20], [sflag:$0x3] =	stream.linear.gather [hbm4b:s1+s3], $0x2800, $0x38;
	[tilespmem:$0x1E400] =	vst v63  }
0x1e: {  	_ =	swait.ge [sflag:s19], $0x2800  }
0x1f: {  	[sflag:s19] =	ssyncset.done $0x0  }
0x20: {  	[sflag:s19] =	ssyncadd.s32 $0xFFFFD800  }
0x21: {  	[tilespmem:s22], [sflag:$0x1] =	stream.indirect.gather [spmem:s2], $0x80, s20, s21, $0xb8;
	[tilespmem:$0x1E400] =	vst v63  }
0x22: {  	s31 =	simm.s32 $0x13C80  }
0x23: {  	[tilespmem:s23], [sflag:$0x2] =	stream.indirect.gather [spmem:s2], $0x80, s31, s21, $0xb8;
	[tilespmem:$0x1E400] =	vst v63  }
0x24: {  	_ =	swait.ge [sflag:s24], $0x4000  }
0x25: {  	[sflag:s24] =	ssyncset.done $0x0  }
0x26: {  	s5 =	sadd.s32 $0x0, s10;
	[sflag:s24] =	ssyncadd.s32 $0xFFFFC000  }
0x27: {  	[hbm4b:s5+s3] =	stream.linear.scatter [tilespmem:s22], [sflag:$0x4], $0x4000, $0x38;
	[tilespmem:$0x1E400] =	vst v63  }
0x28: {  	_ =	swait.ge [sflag:s25], $0x4000  }
0x29: {  	[sflag:s25] =	ssyncset.done $0x0  }
0x2a: {  	s6 =	simm.s32 $0x13D00;
	[sflag:s25] =	ssyncadd.s32 $0xFFFFC000  }
0x2b: {  	[tilespmem:s22], [sflag:$0x1] =	stream.indirect.gather [spmem:s2], $0x80, s6, s21, $0xb8;
	[tilespmem:$0x1E400] =	vst v63  }
0x2c: {  	_ =	swait.ge [sflag:s26], $0x4000  }
0x2d: {  	s30 =	simm.s32 $0x4;
	s0 =	sadd.s32 s4, s15;
	[sflag:s26] =	ssyncset.done $0x0  }
0x2e: {  	s30 =	simm.s32 @!p0 $0x3;
	s7 =	sadd.s32 $0x0, s0;
	[sflag:s26] =	ssyncadd.s32 $0xFFFFC000  }
0x2f: {  	[hbm4b:s7+s3] =	stream.linear.scatter [tilespmem:s23], [sflag:s30], $0x4000, $0x38;
	[tilespmem:$0x1E400] =	vst v63  }
0x30: {  	_ =	swait.ge [sflag:s30], $0x4000  }
0x31: {  	s1 =	simm.s32 $0x1000;
	[sflag:s30] =	ssyncset.done $0x0  }
.LBB2_2:
0x32: {  	p1 =	sne.s32 s1, $0x26000;
	[sflag:s30] =	ssyncadd.s32 $0xFFFFC000;
	s31 =	sadd.s32 $0x100, s31  }
0x33: {  	[tilespmem:s23], [sflag:$0x2] =	stream.indirect.gather [spmem:s2], $0x80, s31, s21, $0xb8;
	[tilespmem:$0x1E400] =	vst v63  }
0x34: {  	s5 =	smov.u32 s1;
	s1 =	sadd.s32 $0x1000, s1;
	_ =	swait.ge [sflag:s24], $0x4000  }
0x35: {  	[sflag:s24] =	ssyncset.done $0x0  }
0x36: {  	s6 =	sadd.s32 s5, s10;
	[sflag:s24] =	ssyncadd.s32 $0xFFFFC000  }
0x37: {  	[hbm4b:s6+s3] =	stream.linear.scatter [tilespmem:s22], [sflag:$0x4], $0x4000, $0x38;
	[tilespmem:$0x1E400] =	vst v63  }
0x38: {  	_ =	swait.ge [sflag:s25], $0x4000  }
0x39: {  	[sflag:s25] =	ssyncset.done $0x0  }
0x3a: {  	s6 =	sadd.s32 $0x80, s31;
	[sflag:s25] =	ssyncadd.s32 $0xFFFFC000  }
0x3b: {  	[tilespmem:s22], [sflag:$0x1] =	stream.indirect.gather [spmem:s2], $0x80, s6, s21, $0xb8;
	[tilespmem:$0x1E400] =	vst v63  }
0x3c: {  	_ =	swait.ge [sflag:s26], $0x4000  }
.Ltmp0:
0x3d: {  	[sflag:s26] =	ssyncset.done $0x0;
	(pc) =	sbr.rel @p1 .LBB2_2-.Ltmp0, $4  }
0x3e: {  	s5 =	sadd.s32 s5, s0;
	[sflag:s26] =	ssyncadd.s32 $0xFFFFC000  }
0x3f: {  	[hbm4b:s5+s3] =	stream.linear.scatter [tilespmem:s23], [sflag:s30], $0x4000, $0x38;
	[tilespmem:$0x1E400] =	vst v63  }
0x40: {  	_ =	swait.ge [sflag:s30], $0x4000  }
0x41: {  	[sflag:s30] =	ssyncset.done $0x0  }
0x42: {  	[sflag:s30] =	ssyncadd.s32 $0xFFFFC000  }
0x43: {  	[tilespmem:s23], [sflag:$0x2] =	stream.indirect.gather [spmem:s2], $0x80, s28, s21, $0xb8;
	[tilespmem:$0x1E400] =	vst v63  }
0x44: {  	_ =	swait.ge [sflag:s24], $0x4000  }
0x45: {  	[sflag:s24] =	ssyncset.done $0x0  }
0x46: {  	s0 =	simm.s32 $0x0;
	[sflag:s24] =	ssyncadd.s32 $0xFFFFC000  }
0x47: {  	[hbm4b:s13+s0] =	stream.linear.scatter [tilespmem:s22], [sflag:$0x4], $0x4000, $0x38;
	[tilespmem:$0x1E400] =	vst v63  }
0x48: {  	_ =	swait.ge [sflag:s25], $0x4000  }
0x49: {  	[sflag:s25] =	ssyncset.done $0x0  }
0x4a: {  	[sflag:s25] =	ssyncadd.s32 $0xFFFFC000  }
0x4b: {  	_ =	swait.ge [sflag:s26], $0x4000  }
0x4c: {  	[sflag:s26] =	ssyncset.done $0x0  }
0x4d: {  	s1 =	sadd.s32 s4, s11;
	[sflag:s26] =	ssyncadd.s32 $0xFFFFC000  }
0x4e: {  	[hbm4b:s1+s0] =	stream.linear.scatter [tilespmem:s23], [sflag:s30], $0x4000, $0x38;
	[tilespmem:$0x1E400] =	vst v63  }
0x4f: {  	_ =	swait.ge [sflag:s30], $0x4000  }
0x50: {  	[sflag:s30] =	ssyncset.done $0x0  }
0x51: {  	[sflag:s30] =	ssyncadd.s32 $0xFFFFC000  }
0x52: {  	[tilespmem:s20], [sflag:$0x3] =	stream.linear.gather [hbm4b:s8+s0], $0x2800, $0x38;
	[tilespmem:$0x1E400] =	vst v63  }
0x53: {  	_ =	swait.ge [sflag:s19], $0x2800  }
0x54: {  	[sflag:s19] =	ssyncset.done $0x0  }
0x55: {  	[sflag:s19] =	ssyncadd.s32 $0xFFFFD800  }
0x56: {  	[tilespmem:s22], [sflag:$0x1] =	stream.indirect.gather [spmem:s2], $0x80, s20, s21, $0xb8;
	[tilespmem:$0x1E400] =	vst v63  }
0x57: {  	s1 =	simm.s32 $0x13C80  }
0x58: {  	[tilespmem:s23], [sflag:$0x2] =	stream.indirect.gather [spmem:s2], $0x80, s1, s21, $0xb8;
	[tilespmem:$0x1E400] =	vst v63  }
0x59: {  	_ =	swait.ge [sflag:s24], $0x4000  }
0x5a: {  	[sflag:s24] =	ssyncset.done $0x0  }
0x5b: {  	s5 =	sadd.s32 $0x0, s17;
	[sflag:s24] =	ssyncadd.s32 $0xFFFFC000  }
0x5c: {  	[hbm4b:s5+s3] =	stream.linear.scatter [tilespmem:s22], [sflag:$0x4], $0x4000, $0x38;
	[tilespmem:$0x1E400] =	vst v63  }
0x5d: {  	_ =	swait.ge [sflag:s25], $0x4000  }
0x5e: {  	[sflag:s25] =	ssyncset.done $0x0  }
0x5f: {  	s6 =	simm.s32 $0x13D00;
	[sflag:s25] =	ssyncadd.s32 $0xFFFFC000  }
0x60: {  	[tilespmem:s22], [sflag:$0x1] =	stream.indirect.gather [spmem:s2], $0x80, s6, s21, $0xb8;
	[tilespmem:$0x1E400] =	vst v63  }
0x61: {  	_ =	swait.ge [sflag:s26], $0x4000  }
0x62: {  	s31 =	sadd.s32 s4, s16;
	[sflag:s26] =	ssyncset.done $0x0  }
0x63: {  	s7 =	sadd.s32 $0x0, s31;
	[sflag:s26] =	ssyncadd.s32 $0xFFFFC000  }
0x64: {  	[hbm4b:s7+s3] =	stream.linear.scatter [tilespmem:s23], [sflag:s30], $0x4000, $0x38;
	[tilespmem:$0x1E400] =	vst v63  }
0x65: {  	s0 =	simm.s32 $0x13E00;
	_ =	swait.ge [sflag:s30], $0x4000  }
0x66: {  	s1 =	simm.s32 $0x1000;
	s5 =	simm.s32 $0x2000;
	[sflag:s30] =	ssyncset.done $0x0  }
.LBB2_4:
0x67: {  	p1 =	sne.s32 s5, $0x26000;
	s6 =	sadd.s32 $0xFFFFFF80, s0;
	[sflag:s30] =	ssyncadd.s32 $0xFFFFC000  }
0x68: {  	[tilespmem:s23], [sflag:$0x2] =	stream.indirect.gather [spmem:s2], $0x80, s6, s21, $0xb8;
	[tilespmem:$0x1E400] =	vst v63  }
0x69: {  	s6 =	smov.u32 s5;
	s5 =	sadd.s32 $0x1000, s5;
	_ =	swait.ge [sflag:s24], $0x4000  }
0x6a: {  	[sflag:s24] =	ssyncset.done $0x0  }
0x6b: {  	s7 =	sadd.s32 s1, s17;
	[sflag:s24] =	ssyncadd.s32 $0xFFFFC000  }
0x6c: {  	[hbm4b:s7+s3] =	stream.linear.scatter [tilespmem:s22], [sflag:$0x4], $0x4000, $0x38;
	[tilespmem:$0x1E400] =	vst v63  }
0x6d: {  	_ =	swait.ge [sflag:s25], $0x4000  }
0x6e: {  	[sflag:s25] =	ssyncset.done $0x0  }
0x6f: {  	[sflag:s25] =	ssyncadd.s32 $0xFFFFC000  }
0x70: {  	[tilespmem:s22], [sflag:$0x1] =	stream.indirect.gather [spmem:s2], $0x80, s0, s21, $0xb8;
	[tilespmem:$0x1E400] =	vst v63  }
0x71: {  	_ =	swait.ge [sflag:s26], $0x4000  }
.Ltmp1:
0x72: {  	[sflag:s26] =	ssyncset.done $0x0;
	(pc) =	sbr.rel @p1 .LBB2_4-.Ltmp1, $4  }
0x73: {  	s7 =	sadd.s32 s1, s31;
	s1 =	smov.u32 s6;
	[sflag:s26] =	ssyncadd.s32 $0xFFFFC000  }
0x74: {  	[hbm4b:s7+s3] =	stream.linear.scatter [tilespmem:s23], [sflag:s30], $0x4000, $0x38;
	[tilespmem:$0x1E400] =	vst v63  }
0x75: {  	_ =	swait.ge [sflag:s30], $0x4000  }
0x76: {  	s0 =	sadd.s32 $0x100, s0;
	[sflag:s30] =	ssyncset.done $0x0  }
0x77: {  	s5 =	sadd.s32 $0xFFFFFF80, s0;
	[sflag:s30] =	ssyncadd.s32 $0xFFFFC000  }
0x78: {  	[tilespmem:s23], [sflag:$0x2] =	stream.indirect.gather [spmem:s2], $0x80, s5, s21, $0xb8;
	[tilespmem:$0x1E400] =	vst v63  }
0x79: {  	_ =	swait.ge [sflag:s24], $0x4000  }
0x7a: {  	[sflag:s24] =	ssyncset.done $0x0  }
0x7b: {  	s6 =	sadd.s32 s1, s17;
	[sflag:s24] =	ssyncadd.s32 $0xFFFFC000  }
0x7c: {  	[hbm4b:s6+s3] =	stream.linear.scatter [tilespmem:s22], [sflag:$0x4], $0x4000, $0x38;
	[tilespmem:$0x1E400] =	vst v63  }
0x7d: {  	_ =	swait.ge [sflag:s25], $0x4000  }
0x7e: {  	[sflag:s25] =	ssyncset.done $0x0  }
0x7f: {  	[sflag:s25] =	ssyncadd.s32 $0xFFFFC000  }
0x80: {  	[tilespmem:s22], [sflag:$0x1] =	stream.indirect.gather [spmem:s2], $0x80, s0, s21, $0xb8;
	[tilespmem:$0x1E400] =	vst v63  }
0x81: {  	_ =	swait.ge [sflag:s26], $0x4000  }
0x82: {  	[sflag:s26] =	ssyncset.done $0x0  }
0x83: {  	s7 =	sadd.s32 s1, s31;
	[sflag:s26] =	ssyncadd.s32 $0xFFFFC000  }
0x84: {  	[hbm4b:s7+s3] =	stream.linear.scatter [tilespmem:s23], [sflag:s30], $0x4000, $0x38;
	[tilespmem:$0x1E400] =	vst v63  }
0x85: {  	_ =	swait.ge [sflag:s30], $0x4000  }
0x86: {  	[sflag:s30] =	ssyncset.done $0x0  }
0x87: {  	[sflag:s30] =	ssyncadd.s32 $0xFFFFC000  }
0x88: {  	[tilespmem:s23], [sflag:$0x2] =	stream.indirect.gather [spmem:s2], $0x80, s28, s21, $0xb8;
	[tilespmem:$0x1E400] =	vst v63  }
0x89: {  	_ =	swait.ge [sflag:s24], $0x4000  }
0x8a: {  	[sflag:s24] =	ssyncset.done $0x0  }
0x8b: {  	[sflag:s24] =	ssyncadd.s32 $0xFFFFC000  }
0x8c: {  	[hbm4b:s14+s3] =	stream.linear.scatter [tilespmem:s22], [sflag:$0x4], $0x4000, $0x38;
	[tilespmem:$0x1E400] =	vst v63  }
0x8d: {  	_ =	swait.ge [sflag:s25], $0x4000  }
0x8e: {  	[sflag:s25] =	ssyncset.done $0x0  }
0x8f: {  	[sflag:s25] =	ssyncadd.s32 $0xFFFFC000  }
0x90: {  	s29 =	sadd.s32 $0x1, s29;
	_ =	swait.ge [sflag:s26], $0x4000  }
0x91: {  	p1 =	sne.s32 s29, s9;
	[sflag:s26] =	ssyncset.done $0x0  }
.Ltmp2:
0x92: {  	s31 =	sadd.s32 s4, s12;
	[sflag:s26] =	ssyncadd.s32 $0xFFFFC000;
	(pc) =	sbr.rel @p1 .LBB2_1-.Ltmp2, $4  }
0x93: {  	[hbm4b:s31+s3] =	stream.linear.scatter [tilespmem:s23], [sflag:s30], $0x4000, $0x38;
	[tilespmem:$0x1E400] =	vst v63  }
0x94: {  	_ =	swait.ge [sflag:s30], $0x4000  }
0x95: {  	[sflag:s30] =	ssyncset.done $0x0  }
0x96: {  	[sflag:s30] =	ssyncadd.s32 $0xFFFFC000  }
0x97: {  	_ =	sfence.sel $0x180000  }
0x98: {  	[bflag:$0x0] =	sbarrier.arrive $0xFFFF  }
0x99: {  	_ =	strace $0x90000047  }
0x9a: {  	s0 =	stileid.u32;
	[bflag:$0x2] =	sbarrier.arrive $0xFFFF  }
0x9b: {  	p0 =	sne.s32 s0, $0x0;
	s0 =	rddreg [dreg:$0x3]  }
0x9c: {  	s0 =	sadd.s32 @!p0 $0x100000, s0  }
0x9d: {  	[sflag:s0] =	ssyncadd.tile.s32 @!p0 $0x1;
	_ =	shalt  }
.Lfunc_end2:
_tile_overlayer_lowered:
.L_overlay_start_2:
0x9e: {  	(tag) =	ssettag $0x2  }
0x9f: {  	s0 =	rddreg [dreg:$0x0];
	s2 =	stileid.u32  }
0xa0: {  	s1 =	rddreg [dreg:$0x1];
	p0 =	sne.s32 s2, $0x0  }
0xa1: {  	s3 =	rddreg [dreg:$0x2];
	[bflag:$0x3] =	sbarrier.arrive $0xFFFF;
	s2 =	simm.s32 @!p0 $0x1C03  }
0xa2: {  	[timem:s3], [sflag:s2] =	dma.local @!p0 [hbm:s0], s1  }
0xa3: {  	s0 =	simm.s32 @!p0 $0x3  }
0xa4: {  	_ =	swait.ge @!p0 [sflag:s0], s1  }
0xa5: {  	s1 =	ssub.s32 @!p0 $0x0, s1;
	[sflag:s0] =	ssyncset.done @!p0 $0x0  }
0xa6: {  	[sflag:s0] =	ssyncadd.s32 @!p0 s1  }
0xa7: {  	[bflag:$0x3] =	sbarrier.arrive $0xFFFF  }
0xa8: {  	_ =	shalt  }

</sc_bundles>
